<compile_context>
chip_gen: v7x
topology: tpu7x:2x2x1
jax: 0.10.2.dev20260603
libtpu: 0.0.44.dev20260713+nightly
codegen_flags: <defaults>
</compile_context>

<pallas_src>
import functools

import jax
import jax.numpy as jnp
from jax import lax
from jax.experimental import pallas as pl
from jax.experimental.pallas import tpu as pltpu
from jax.experimental.pallas import tpu_sc as plsc

B = 4096
D = 64
F = 128
WPAD = 256


def kernel(user_idx, movie_idx, movie_feats, user_table, movie_table, fc_w, fc_b):
    info = plsc.get_sparse_core_info()
    nw = info.num_cores * info.num_subcores
    bpw = B // nw
    mesh = plsc.VectorSubcoreMesh(core_axis_name="c", subcore_axis_name="s")

    w_all = jnp.zeros((WPAD,), jnp.float32)
    w_all = w_all.at[: D + F].set(fc_w[0])
    w_all = w_all.at[D + F].set(fc_b[0])

    @functools.partial(
        pl.kernel,
        out_type=jax.ShapeDtypeStruct((B,), jnp.float32),
        mesh=mesh,
        scratch_types=[
            pltpu.VMEM((bpw,), jnp.int32),
            pltpu.VMEM((bpw,), jnp.int32),
            pltpu.VMEM((bpw, D), jnp.float32),
            pltpu.VMEM((bpw, D), jnp.float32),
            pltpu.VMEM((bpw, F), jnp.float32),
            pltpu.VMEM((WPAD,), jnp.float32),
            pltpu.VMEM((bpw,), jnp.float32),
            pltpu.SemaphoreType.DMA,
            pltpu.SemaphoreType.DMA,
        ],
        compiler_params=pltpu.CompilerParams(
            needs_layout_passes=False, use_tc_tiling_on_sc=True),
    )
    def run(uidx_h, midx_h, feats_h, utab_h, mtab_h, w_h, out_h,
            uidx_v, midx_v, u_v, m_v, f_v, w_v, o_v, sem_u, sem_m):
        wid = lax.axis_index("s") * info.num_cores + lax.axis_index("c")
        base = wid * bpw
        pltpu.sync_copy(uidx_h.at[pl.ds(base, bpw)], uidx_v)
        pltpu.sync_copy(midx_h.at[pl.ds(base, bpw)], midx_v)

        def fire(g, carry):
            uv = uidx_v[pl.ds(g * 16, 16)]
            mv = midx_v[pl.ds(g * 16, 16)]
            for r in range(16):
                row = g * 16 + r
                pltpu.make_async_copy(
                    utab_h.at[pl.ds(uv[r], 1), :],
                    u_v.at[pl.ds(row, 1), :], sem_u
                ).start()
                pltpu.make_async_copy(
                    mtab_h.at[pl.ds(mv[r], 1), :],
                    m_v.at[pl.ds(row, 1), :], sem_m
                ).start()
            return carry

        lax.fori_loop(0, bpw // 16, fire, 0)

        pltpu.sync_copy(feats_h.at[pl.ds(base, bpw)], f_v)
        pltpu.sync_copy(w_h, w_v)

        pltpu.make_async_copy(utab_h.at[pl.ds(0, bpw), :], u_v, sem_u).wait()
        pltpu.make_async_copy(mtab_h.at[pl.ds(0, bpw), :], m_v, sem_m).wait()

        lanes = lax.iota(jnp.int32, 16)
        bias_vec = w_v[pl.ds(D + F, 16)]

        def group(g, carry):
            res = jnp.zeros((16,), jnp.float32)
            for r in range(16):
                i = g * 16 + r
                acc = bias_vec
                for c in range(D // 16):
                    acc += (u_v[i, pl.ds(c * 16, 16)]
                            * m_v[i, pl.ds(c * 16, 16)]
                            * w_v[pl.ds(c * 16, 16)])
                for c in range(F // 16):
                    acc += (f_v[i, pl.ds(c * 16, 16)]
                            * w_v[pl.ds(D + c * 16, 16)])
                res = jnp.where(lanes == r, jnp.sum(acc), res)
            o_v[pl.ds(g * 16, 16)] = res
            return carry

        lax.fori_loop(0, bpw // 16, group, 0)
        pltpu.sync_copy(o_v, out_h.at[pl.ds(base, bpw)])

    return run(user_idx, movie_idx, movie_feats, user_table, movie_table,
               w_all)

# --- scband reference (transcript-rebuilt; emitter-appended) ---
"""Pipeline reference for scband-recommender-net-31456340476224 (READ-ONLY COPY).

The authoritative reference and input builder live on the scoring server;
editing this copy changes nothing except your own understanding.
"""

import jax, jax.numpy as jnp
import numpy as np

B = 4096
NUM_USERS = 100000
NUM_MOVIES = 100000
EMBED_DIM = 64
FEAT_DIM = 128


def setup_inputs(seed: int = 0) -> dict:
    key = jax.random.key(seed)
    ks = jax.random.split(key, 7)
    user_idx = jax.random.randint(ks[0], (B,), 0, NUM_USERS, dtype=jnp.int64 if jax.config.jax_enable_x64 else jnp.int32)
    movie_idx = jax.random.randint(ks[1], (B,), 0, NUM_MOVIES, dtype=jnp.int64 if jax.config.jax_enable_x64 else jnp.int32)
    movie_feats = jax.random.normal(ks[2], (B, FEAT_DIM), dtype=jnp.float32)
    user_table = jax.random.normal(ks[3], (NUM_USERS, EMBED_DIM), dtype=jnp.float32) * 0.05
    movie_table = jax.random.normal(ks[4], (NUM_MOVIES, EMBED_DIM), dtype=jnp.float32) * 0.05
    fc_w = jax.random.normal(ks[5], (1, EMBED_DIM + FEAT_DIM), dtype=jnp.float32) * 0.05
    fc_b = jnp.zeros((1,), dtype=jnp.float32)
    return {
        'user_idx': user_idx,
        'movie_idx': movie_idx,
        'movie_feats': movie_feats,
        'user_table': user_table,
        'movie_table': movie_table,
        'fc_w': fc_w,
        'fc_b': fc_b,
    }


def reference(user_idx, movie_idx, movie_feats, user_table, movie_table, fc_w, fc_b):
    # x = user_embed(user_idx) * movie_embed(movie_idx)
    u = jnp.take(user_table, user_idx, axis=0)
    m = jnp.take(movie_table, movie_idx, axis=0)
    x = u * m
    # x = cat([x, movie_feats], dim=1)
    x = jnp.concatenate([x, movie_feats], axis=1)
    # x = fc(x); return x.squeeze()
    x = x @ fc_w.T + fc_b
    return jnp.squeeze(x, axis=-1)

if __name__ == "__main__":
    import jax
    _d = setup_inputs()
    print(jax.jit(kernel)(*tuple(_d.values())))

</pallas_src>

<mosaic_0001>
#map = affine_map<(d0, d1) -> (0)>
#map1 = affine_map<(d0, d1) -> (0, 0)>
module attributes {stable_mosaic.version = 14 : i64} {
  func.func @run(%arg0: i32, %arg1: i32, %arg2: memref<4096xi32, #tpu.memory_space<hbm>>, %arg3: memref<4096xi32, #tpu.memory_space<hbm>>, %arg4: memref<4096x128xf32, #tpu.memory_space<hbm>>, %arg5: memref<100000x64xf32, #tpu.memory_space<hbm>>, %arg6: memref<100000x64xf32, #tpu.memory_space<hbm>>, %arg7: memref<256xf32, #tpu.memory_space<hbm>>, %arg8: memref<4096xf32, #tpu.memory_space<hbm>>, %arg9: memref<128xi32, #tpu.memory_space<vmem>>, %arg10: memref<128xi32, #tpu.memory_space<vmem>>, %arg11: memref<128x64xf32, #tpu.memory_space<vmem>>, %arg12: memref<128x64xf32, #tpu.memory_space<vmem>>, %arg13: memref<128x128xf32, #tpu.memory_space<vmem>>, %arg14: memref<256xf32, #tpu.memory_space<vmem>>, %arg15: memref<128xf32, #tpu.memory_space<vmem>>, %arg16: memref<!tpu.dma_semaphore, #tpu.memory_space<semaphore_mem>>, %arg17: memref<!tpu.dma_semaphore, #tpu.memory_space<semaphore_mem>>) attributes {dimension_semantics = [#tpu.dimension_semantics<core_parallel>, #tpu.dimension_semantics<subcore_parallel>], iteration_bounds = array<i64: 2, 16>, scalar_prefetch = 0 : i64, scratch_operands = 9 : i64, tpu.core_type = #tpu.core_type<sc_vector_subcore>, window_params = [{transform_indices = #map}, {transform_indices = #map}, {transform_indices = #map1}, {transform_indices = #map1}, {transform_indices = #map1}, {transform_indices = #map}, {transform_indices = #map}]} {
    %mul3A = arith.constant 2 : i32
    %mul3A_0 = arith.muli %arg1, %mul3A : i32
    %add3A = arith.addi %mul3A_0, %arg0 : i32
    %mul3A_1 = arith.constant 128 : i32
    %mul3A_2 = arith.muli %add3A, %mul3A_1 : i32
    "tpu.region"() ({
      %run_scoped3A = tpu.sem_alloc : memref<!tpu.dma_semaphore, #tpu.memory_space<semaphore_mem>>
      %dma_start3A = tpu.memref_slice %arg2[%mul3A_2] : memref<4096xi32, #tpu.memory_space<hbm>> -> memref<128xi32, #tpu.memory_space<hbm>>
      %dma_start3A_26 = tpu.memref_slice %arg2[%mul3A_2] : memref<4096xi32, #tpu.memory_space<hbm>> -> memref<128xi32, #tpu.memory_space<hbm>>
      tpu.enqueue_dma source(%dma_start3A_26 : memref<128xi32, #tpu.memory_space<hbm>>) target(%arg9 : memref<128xi32, #tpu.memory_space<vmem>>) target_semaphore(%run_scoped3A : memref<!tpu.dma_semaphore, #tpu.memory_space<semaphore_mem>>)
      %dma_wait3A_27 = tpu.memref_slice %arg2[%mul3A_2] : memref<4096xi32, #tpu.memory_space<hbm>> -> memref<128xi32, #tpu.memory_space<hbm>>
      %dma_wait3A_28 = tpu.memref_slice %arg2[%mul3A_2] : memref<4096xi32, #tpu.memory_space<hbm>> -> memref<128xi32, #tpu.memory_space<hbm>>
      tpu.wait_dma2 semaphore(%run_scoped3A : memref<!tpu.dma_semaphore, #tpu.memory_space<semaphore_mem>>) src(%dma_wait3A_28 : memref<128xi32, #tpu.memory_space<hbm>>) dst(%arg9 : memref<128xi32, #tpu.memory_space<vmem>>)
      tpu.yield
    }) : () -> ()
    "tpu.region"() ({
      %run_scoped3A = tpu.sem_alloc : memref<!tpu.dma_semaphore, #tpu.memory_space<semaphore_mem>>
      %dma_start3A = tpu.memref_slice %arg3[%mul3A_2] : memref<4096xi32, #tpu.memory_space<hbm>> -> memref<128xi32, #tpu.memory_space<hbm>>
      %dma_start3A_26 = tpu.memref_slice %arg3[%mul3A_2] : memref<4096xi32, #tpu.memory_space<hbm>> -> memref<128xi32, #tpu.memory_space<hbm>>
      tpu.enqueue_dma source(%dma_start3A_26 : memref<128xi32, #tpu.memory_space<hbm>>) target(%arg10 : memref<128xi32, #tpu.memory_space<vmem>>) target_semaphore(%run_scoped3A : memref<!tpu.dma_semaphore, #tpu.memory_space<semaphore_mem>>)
      %dma_wait3A_27 = tpu.memref_slice %arg3[%mul3A_2] : memref<4096xi32, #tpu.memory_space<hbm>> -> memref<128xi32, #tpu.memory_space<hbm>>
      %dma_wait3A_28 = tpu.memref_slice %arg3[%mul3A_2] : memref<4096xi32, #tpu.memory_space<hbm>> -> memref<128xi32, #tpu.memory_space<hbm>>
      tpu.wait_dma2 semaphore(%run_scoped3A : memref<!tpu.dma_semaphore, #tpu.memory_space<semaphore_mem>>) src(%dma_wait3A_28 : memref<128xi32, #tpu.memory_space<hbm>>) dst(%arg10 : memref<128xi32, #tpu.memory_space<vmem>>)
      tpu.yield
    }) : () -> ()
    %scan3A = arith.constant 0 : i32
    %scan3A_3 = arith.constant 0 : i32
    %scan3A_4 = arith.constant 8 : i32
    %scan3A_5 = arith.addi %scan3A_3, %scan3A_4 : i32
    %scan3A_6 = arith.constant 1 : i32
    scf.for %scan3A_26 = %scan3A_3 to %scan3A_5 step %scan3A_6  : i32 {
      %mul3A_27 = arith.constant 16 : i32
      %mul3A_28 = arith.muli %scan3A_26, %mul3A_27 : i32
      %get3A_29 = arith.index_cast %mul3A_28 : i32 to index
      %get3A_30 = tpu.vector_load %arg9[%get3A_29] {strides = array<i32>} : memref<128xi32, #tpu.memory_space<vmem>>, vector<16xi32>,
      %mul3A_31 = arith.constant 16 : i32
      %mul3A_32 = arith.muli %scan3A_26, %mul3A_31 : i32
      %get3A_33 = arith.index_cast %mul3A_32 : i32 to index
      %get3A_34 = tpu.vector_load %arg10[%get3A_33] {strides = array<i32>} : memref<128xi32, #tpu.memory_space<vmem>>, vector<16xi32>,
      %mul3A_35 = arith.constant 16 : i32
      %mul3A_36 = arith.muli %scan3A_26, %mul3A_35 : i32
      %add3A_37 = arith.constant 0 : i32
      %add3A_38 = arith.addi %mul3A_36, %add3A_37 : i32
      %slice3A = vector.extract_strided_slice %get3A_30 {offsets = [0], sizes = [1], strides = [1]} : vector<16xi32> to vector<1xi32>
      %squeeze3A = vector.extract %slice3A[0] : i32 from vector<1xi32>
      %dma_start3A = arith.constant 0 : i32
      %dma_start3A_39 = tpu.memref_slice %arg11[%add3A_38, %dma_start3A] : memref<128x64xf32, #tpu.memory_space<vmem>> -> memref<1x64xf32, #tpu.memory_space<vmem>>
      %dma_start3A_40 = arith.constant 0 : i32
      %dma_start3A_41 = tpu.memref_slice %arg5[%squeeze3A, %dma_start3A_40] : memref<100000x64xf32, #tpu.memory_space<hbm>> -> memref<1x64xf32, #tpu.memory_space<hbm>>
      %dma_start3A_42 = arith.constant 0 : i32
      %dma_start3A_43 = tpu.memref_slice %arg11[%add3A_38, %dma_start3A_42] : memref<128x64xf32, #tpu.memory_space<vmem>> -> memref<1x64xf32, #tpu.memory_space<vmem>>
      %dma_start3A_44 = arith.constant 0 : i32
      %dma_start3A_45 = tpu.memref_slice %arg5[%squeeze3A, %dma_start3A_44] : memref<100000x64xf32, #tpu.memory_space<hbm>> -> memref<1x64xf32, #tpu.memory_space<hbm>>
      tpu.enqueue_dma source(%dma_start3A_45 : memref<1x64xf32, #tpu.memory_space<hbm>>) target(%dma_start3A_43 : memref<1x64xf32, #tpu.memory_space<vmem>>) target_semaphore(%arg16 : memref<!tpu.dma_semaphore, #tpu.memory_space<semaphore_mem>>)
      %slice3A_46 = vector.extract_strided_slice %get3A_34 {offsets = [0], sizes = [1], strides = [1]} : vector<16xi32> to vector<1xi32>
      %squeeze3A_47 = vector.extract %slice3A_46[0] : i32 from vector<1xi32>
      %dma_start3A_48 = arith.constant 0 : i32
      %dma_start3A_49 = tpu.memref_slice %arg12[%add3A_38, %dma_start3A_48] : memref<128x64xf32, #tpu.memory_space<vmem>> -> memref<1x64xf32, #tpu.memory_space<vmem>>
      %dma_start3A_50 = arith.constant 0 : i32
      %dma_start3A_51 = tpu.memref_slice %arg6[%squeeze3A_47, %dma_start3A_50] : memref<100000x64xf32, #tpu.memory_space<hbm>> -> memref<1x64xf32, #tpu.memory_space<hbm>>
      %dma_start3A_52 = arith.constant 0 : i32
      %dma_start3A_53 = tpu.memref_slice %arg12[%add3A_38, %dma_start3A_52] : memref<128x64xf32, #tpu.memory_space<vmem>> -> memref<1x64xf32, #tpu.memory_space<vmem>>
      %dma_start3A_54 = arith.constant 0 : i32
      %dma_start3A_55 = tpu.memref_slice %arg6[%squeeze3A_47, %dma_start3A_54] : memref<100000x64xf32, #tpu.memory_space<hbm>> -> memref<1x64xf32, #tpu.memory_space<hbm>>
      tpu.enqueue_dma source(%dma_start3A_55 : memref<1x64xf32, #tpu.memory_space<hbm>>) target(%dma_start3A_53 : memref<1x64xf32, #tpu.memory_space<vmem>>) target_semaphore(%arg17 : memref<!tpu.dma_semaphore, #tpu.memory_space<semaphore_mem>>)
      %mul3A_56 = arith.constant 16 : i32
      %mul3A_57 = arith.muli %scan3A_26, %mul3A_56 : i32
      %add3A_58 = arith.constant 1 : i32
      %add3A_59 = arith.addi %mul3A_57, %add3A_58 : i32
      %slice3A_60 = vector.extract_strided_slice %get3A_30 {offsets = [1], sizes = [1], strides = [1]} : vector<16xi32> to vector<1xi32>
      %squeeze3A_61 = vector.extract %slice3A_60[0] : i32 from vector<1xi32>
      %dma_start3A_62 = arith.constant 0 : i32
      %dma_start3A_63 = tpu.memref_slice %arg11[%add3A_59, %dma_start3A_62] : memref<128x64xf32, #tpu.memory_space<vmem>> -> memref<1x64xf32, #tpu.memory_space<vmem>>
      %dma_start3A_64 = arith.constant 0 : i32
      %dma_start3A_65 = tpu.memref_slice %arg5[%squeeze3A_61, %dma_start3A_64] : memref<100000x64xf32, #tpu.memory_space<hbm>> -> memref<1x64xf32, #tpu.memory_space<hbm>>
      %dma_start3A_66 = arith.constant 0 : i32
      %dma_start3A_67 = tpu.memref_slice %arg11[%add3A_59, %dma_start3A_66] : memref<128x64xf32, #tpu.memory_space<vmem>> -> memref<1x64xf32, #tpu.memory_space<vmem>>
      %dma_start3A_68 = arith.constant 0 : i32
      %dma_start3A_69 = tpu.memref_slice %arg5[%squeeze3A_61, %dma_start3A_68] : memref<100000x64xf32, #tpu.memory_space<hbm>> -> memref<1x64xf32, #tpu.memory_space<hbm>>
      tpu.enqueue_dma source(%dma_start3A_69 : memref<1x64xf32, #tpu.memory_space<hbm>>) target(%dma_start3A_67 : memref<1x64xf32, #tpu.memory_space<vmem>>) target_semaphore(%arg16 : memref<!tpu.dma_semaphore, #tpu.memory_space<semaphore_mem>>)
      %slice3A_70 = vector.extract_strided_slice %get3A_34 {offsets = [1], sizes = [1], strides = [1]} : vector<16xi32> to vector<1xi32>
      %squeeze3A_71 = vector.extract %slice3A_70[0] : i32 from vector<1xi32>
      %dma_start3A_72 = arith.constant 0 : i32
      %dma_start3A_73 = tpu.memref_slice %arg12[%add3A_59, %dma_start3A_72] : memref<128x64xf32, #tpu.memory_space<vmem>> -> memref<1x64xf32, #tpu.memory_space<vmem>>
      %dma_start3A_74 = arith.constant 0 : i32
      %dma_start3A_75 = tpu.memref_slice %arg6[%squeeze3A_71, %dma_start3A_74] : memref<100000x64xf32, #tpu.memory_space<hbm>> -> memref<1x64xf32, #tpu.memory_space<hbm>>
      %dma_start3A_76 = arith.constant 0 : i32
      %dma_start3A_77 = tpu.memref_slice %arg12[%add3A_59, %dma_start3A_76] : memref<128x64xf32, #tpu.memory_space<vmem>> -> memref<1x64xf32, #tpu.memory_space<vmem>>
      %dma_start3A_78 = arith.constant 0 : i32
      %dma_start3A_79 = tpu.memref_slice %arg6[%squeeze3A_71, %dma_start3A_78] : memref<100000x64xf32, #tpu.memory_space<hbm>> -> memref<1x64xf32, #tpu.memory_space<hbm>>
      tpu.enqueue_dma source(%dma_start3A_79 : memref<1x64xf32, #tpu.memory_space<hbm>>) target(%dma_start3A_77 : memref<1x64xf32, #tpu.memory_space<vmem>>) target_semaphore(%arg17 : memref<!tpu.dma_semaphore, #tpu.memory_space<semaphore_mem>>)
      %mul3A_80 = arith.constant 16 : i32
      %mul3A_81 = arith.muli %scan3A_26, %mul3A_80 : i32
      %add3A_82 = arith.constant 2 : i32
      %add3A_83 = arith.addi %mul3A_81, %add3A_82 : i32
      %slice3A_84 = vector.extract_strided_slice %get3A_30 {offsets = [2], sizes = [1], strides = [1]} : vector<16xi32> to vector<1xi32>
      %squeeze3A_85 = vector.extract %slice3A_84[0] : i32 from vector<1xi32>
      %dma_start3A_86 = arith.constant 0 : i32
      %dma_start3A_87 = tpu.memref_slice %arg11[%add3A_83, %dma_start3A_86] : memref<128x64xf32, #tpu.memory_space<vmem>> -> memref<1x64xf32, #tpu.memory_space<vmem>>
      %dma_start3A_88 = arith.constant 0 : i32
      %dma_start3A_89 = tpu.memref_slice %arg5[%squeeze3A_85, %dma_start3A_88] : memref<100000x64xf32, #tpu.memory_space<hbm>> -> memref<1x64xf32, #tpu.memory_space<hbm>>
      %dma_start3A_90 = arith.constant 0 : i32
      %dma_start3A_91 = tpu.memref_slice %arg11[%add3A_83, %dma_start3A_90] : memref<128x64xf32, #tpu.memory_space<vmem>> -> memref<1x64xf32, #tpu.memory_space<vmem>>
      %dma_start3A_92 = arith.constant 0 : i32
      %dma_start3A_93 = tpu.memref_slice %arg5[%squeeze3A_85, %dma_start3A_92] : memref<100000x64xf32, #tpu.memory_space<hbm>> -> memref<1x64xf32, #tpu.memory_space<hbm>>
      tpu.enqueue_dma source(%dma_start3A_93 : memref<1x64xf32, #tpu.memory_space<hbm>>) target(%dma_start3A_91 : memref<1x64xf32, #tpu.memory_space<vmem>>) target_semaphore(%arg16 : memref<!tpu.dma_semaphore, #tpu.memory_space<semaphore_mem>>)
      %slice3A_94 = vector.extract_strided_slice %get3A_34 {offsets = [2], sizes = [1], strides = [1]} : vector<16xi32> to vector<1xi32>
      %squeeze3A_95 = vector.extract %slice3A_94[0] : i32 from vector<1xi32>
      %dma_start3A_96 = arith.constant 0 : i32
      %dma_start3A_97 = tpu.memref_slice %arg12[%add3A_83, %dma_start3A_96] : memref<128x64xf32, #tpu.memory_space<vmem>> -> memref<1x64xf32, #tpu.memory_space<vmem>>
      %dma_start3A_98 = arith.constant 0 : i32
      %dma_start3A_99 = tpu.memref_slice %arg6[%squeeze3A_95, %dma_start3A_98] : memref<100000x64xf32, #tpu.memory_space<hbm>> -> memref<1x64xf32, #tpu.memory_space<hbm>>
      %dma_start3A_100 = arith.constant 0 : i32
      %dma_start3A_101 = tpu.memref_slice %arg12[%add3A_83, %dma_start3A_100] : memref<128x64xf32, #tpu.memory_space<vmem>> -> memref<1x64xf32, #tpu.memory_space<vmem>>
      %dma_start3A_102 = arith.constant 0 : i32
      %dma_start3A_103 = tpu.memref_slice %arg6[%squeeze3A_95, %dma_start3A_102] : memref<100000x64xf32, #tpu.memory_space<hbm>> -> memref<1x64xf32, #tpu.memory_space<hbm>>
      tpu.enqueue_dma source(%dma_start3A_103 : memref<1x64xf32, #tpu.memory_space<hbm>>) target(%dma_start3A_101 : memref<1x64xf32, #tpu.memory_space<vmem>>) target_semaphore(%arg17 : memref<!tpu.dma_semaphore, #tpu.memory_space<semaphore_mem>>)
      %mul3A_104 = arith.constant 16 : i32
      %mul3A_105 = arith.muli %scan3A_26, %mul3A_104 : i32
      %add3A_106 = arith.constant 3 : i32
      %add3A_107 = arith.addi %mul3A_105, %add3A_106 : i32
      %slice3A_108 = vector.extract_strided_slice %get3A_30 {offsets = [3], sizes = [1], strides = [1]} : vector<16xi32> to vector<1xi32>
      %squeeze3A_109 = vector.extract %slice3A_108[0] : i32 from vector<1xi32>
      %dma_start3A_110 = arith.constant 0 : i32
      %dma_start3A_111 = tpu.memref_slice %arg11[%add3A_107, %dma_start3A_110] : memref<128x64xf32, #tpu.memory_space<vmem>> -> memref<1x64xf32, #tpu.memory_space<vmem>>
      %dma_start3A_112 = arith.constant 0 : i32
      %dma_start3A_113 = tpu.memref_slice %arg5[%squeeze3A_109, %dma_start3A_112] : memref<100000x64xf32, #tpu.memory_space<hbm>> -> memref<1x64xf32, #tpu.memory_space<hbm>>
      %dma_start3A_114 = arith.constant 0 : i32
      %dma_start3A_115 = tpu.memref_slice %arg11[%add3A_107, %dma_start3A_114] : memref<128x64xf32, #tpu.memory_space<vmem>> -> memref<1x64xf32, #tpu.memory_space<vmem>>
      %dma_start3A_116 = arith.constant 0 : i32
      %dma_start3A_117 = tpu.memref_slice %arg5[%squeeze3A_109, %dma_start3A_116] : memref<100000x64xf32, #tpu.memory_space<hbm>> -> memref<1x64xf32, #tpu.memory_space<hbm>>
      tpu.enqueue_dma source(%dma_start3A_117 : memref<1x64xf32, #tpu.memory_space<hbm>>) target(%dma_start3A_115 : memref<1x64xf32, #tpu.memory_space<vmem>>) target_semaphore(%arg16 : memref<!tpu.dma_semaphore, #tpu.memory_space<semaphore_mem>>)
      %slice3A_118 = vector.extract_strided_slice %get3A_34 {offsets = [3], sizes = [1], strides = [1]} : vector<16xi32> to vector<1xi32>
      %squeeze3A_119 = vector.extract %slice3A_118[0] : i32 from vector<1xi32>
      %dma_start3A_120 = arith.constant 0 : i32
      %dma_start3A_121 = tpu.memref_slice %arg12[%add3A_107, %dma_start3A_120] : memref<128x64xf32, #tpu.memory_space<vmem>> -> memref<1x64xf32, #tpu.memory_space<vmem>>
      %dma_start3A_122 = arith.constant 0 : i32
      %dma_start3A_123 = tpu.memref_slice %arg6[%squeeze3A_119, %dma_start3A_122] : memref<100000x64xf32, #tpu.memory_space<hbm>> -> memref<1x64xf32, #tpu.memory_space<hbm>>
      %dma_start3A_124 = arith.constant 0 : i32
      %dma_start3A_125 = tpu.memref_slice %arg12[%add3A_107, %dma_start3A_124] : memref<128x64xf32, #tpu.memory_space<vmem>> -> memref<1x64xf32, #tpu.memory_space<vmem>>
      %dma_start3A_126 = arith.constant 0 : i32
      %dma_start3A_127 = tpu.memref_slice %arg6[%squeeze3A_119, %dma_start3A_126] : memref<100000x64xf32, #tpu.memory_space<hbm>> -> memref<1x64xf32, #tpu.memory_space<hbm>>
      tpu.enqueue_dma source(%dma_start3A_127 : memref<1x64xf32, #tpu.memory_space<hbm>>) target(%dma_start3A_125 : memref<1x64xf32, #tpu.memory_space<vmem>>) target_semaphore(%arg17 : memref<!tpu.dma_semaphore, #tpu.memory_space<semaphore_mem>>)
      %mul3A_128 = arith.constant 16 : i32
      %mul3A_129 = arith.muli %scan3A_26, %mul3A_128 : i32
      %add3A_130 = arith.constant 4 : i32
      %add3A_131 = arith.addi %mul3A_129, %add3A_130 : i32
      %slice3A_132 = vector.extract_strided_slice %get3A_30 {offsets = [4], sizes = [1], strides = [1]} : vector<16xi32> to vector<1xi32>
      %squeeze3A_133 = vector.extract %slice3A_132[0] : i32 from vector<1xi32>
      %dma_start3A_134 = arith.constant 0 : i32
      %dma_start3A_135 = tpu.memref_slice %arg11[%add3A_131, %dma_start3A_134] : memref<128x64xf32, #tpu.memory_space<vmem>> -> memref<1x64xf32, #tpu.memory_space<vmem>>
      %dma_start3A_136 = arith.constant 0 : i32
      %dma_start3A_137 = tpu.memref_slice %arg5[%squeeze3A_133, %dma_start3A_136] : memref<100000x64xf32, #tpu.memory_space<hbm>> -> memref<1x64xf32, #tpu.memory_space<hbm>>
      %dma_start3A_138 = arith.constant 0 : i32
      %dma_start3A_139 = tpu.memref_slice %arg11[%add3A_131, %dma_start3A_138] : memref<128x64xf32, #tpu.memory_space<vmem>> -> memref<1x64xf32, #tpu.memory_space<vmem>>
      %dma_start3A_140 = arith.constant 0 : i32
      %dma_start3A_141 = tpu.memref_slice %arg5[%squeeze3A_133, %dma_start3A_140] : memref<100000x64xf32, #tpu.memory_space<hbm>> -> memref<1x64xf32, #tpu.memory_space<hbm>>
      tpu.enqueue_dma source(%dma_start3A_141 : memref<1x64xf32, #tpu.memory_space<hbm>>) target(%dma_start3A_139 : memref<1x64xf32, #tpu.memory_space<vmem>>) target_semaphore(%arg16 : memref<!tpu.dma_semaphore, #tpu.memory_space<semaphore_mem>>)
      %slice3A_142 = vector.extract_strided_slice %get3A_34 {offsets = [4], sizes = [1], strides = [1]} : vector<16xi32> to vector<1xi32>
      %squeeze3A_143 = vector.extract %slice3A_142[0] : i32 from vector<1xi32>
      %dma_start3A_144 = arith.constant 0 : i32
      %dma_start3A_145 = tpu.memref_slice %arg12[%add3A_131, %dma_start3A_144] : memref<128x64xf32, #tpu.memory_space<vmem>> -> memref<1x64xf32, #tpu.memory_space<vmem>>
      %dma_start3A_146 = arith.constant 0 : i32
      %dma_start3A_147 = tpu.memref_slice %arg6[%squeeze3A_143, %dma_start3A_146] : memref<100000x64xf32, #tpu.memory_space<hbm>> -> memref<1x64xf32, #tpu.memory_space<hbm>>
      %dma_start3A_148 = arith.constant 0 : i32
      %dma_start3A_149 = tpu.memref_slice %arg12[%add3A_131, %dma_start3A_148] : memref<128x64xf32, #tpu.memory_space<vmem>> -> memref<1x64xf32, #tpu.memory_space<vmem>>
      %dma_start3A_150 = arith.constant 0 : i32
      %dma_start3A_151 = tpu.memref_slice %arg6[%squeeze3A_143, %dma_start3A_150] : memref<100000x64xf32, #tpu.memory_space<hbm>> -> memref<1x64xf32, #tpu.memory_space<hbm>>
      tpu.enqueue_dma source(%dma_start3A_151 : memref<1x64xf32, #tpu.memory_space<hbm>>) target(%dma_start3A_149 : memref<1x64xf32, #tpu.memory_space<vmem>>) target_semaphore(%arg17 : memref<!tpu.dma_semaphore, #tpu.memory_space<semaphore_mem>>)
      %mul3A_152 = arith.constant 16 : i32
      %mul3A_153 = arith.muli %scan3A_26, %mul3A_152 : i32
      %add3A_154 = arith.constant 5 : i32
      %add3A_155 = arith.addi %mul3A_153, %add3A_154 : i32
      %slice3A_156 = vector.extract_strided_slice %get3A_30 {offsets = [5], sizes = [1], strides = [1]} : vector<16xi32> to vector<1xi32>
      %squeeze3A_157 = vector.extract %slice3A_156[0] : i32 from vector<1xi32>
      %dma_start3A_158 = arith.constant 0 : i32
      %dma_start3A_159 = tpu.memref_slice %arg11[%add3A_155, %dma_start3A_158] : memref<128x64xf32, #tpu.memory_space<vmem>> -> memref<1x64xf32, #tpu.memory_space<vmem>>
      %dma_start3A_160 = arith.constant 0 : i32
      %dma_start3A_161 = tpu.memref_slice %arg5[%squeeze3A_157, %dma_start3A_160] : memref<100000x64xf32, #tpu.memory_space<hbm>> -> memref<1x64xf32, #tpu.memory_space<hbm>>
      %dma_start3A_162 = arith.constant 0 : i32
      %dma_start3A_163 = tpu.memref_slice %arg11[%add3A_155, %dma_start3A_162] : memref<128x64xf32, #tpu.memory_space<vmem>> -> memref<1x64xf32, #tpu.memory_space<vmem>>
      %dma_start3A_164 = arith.constant 0 : i32
      %dma_start3A_165 = tpu.memref_slice %arg5[%squeeze3A_157, %dma_start3A_164] : memref<100000x64xf32, #tpu.memory_space<hbm>> -> memref<1x64xf32, #tpu.memory_space<hbm>>
      tpu.enqueue_dma source(%dma_start3A_165 : memref<1x64xf32, #tpu.memory_space<hbm>>) target(%dma_start3A_163 : memref<1x64xf32, #tpu.memory_space<vmem>>) target_semaphore(%arg16 : memref<!tpu.dma_semaphore, #tpu.memory_space<semaphore_mem>>)
      %slice3A_166 = vector.extract_strided_slice %get3A_34 {offsets = [5], sizes = [1], strides = [1]} : vector<16xi32> to vector<1xi32>
      %squeeze3A_167 = vector.extract %slice3A_166[0] : i32 from vector<1xi32>
      %dma_start3A_168 = arith.constant 0 : i32
      %dma_start3A_169 = tpu.memref_slice %arg12[%add3A_155, %dma_start3A_168] : memref<128x64xf32, #tpu.memory_space<vmem>> -> memref<1x64xf32, #tpu.memory_space<vmem>>
      %dma_start3A_170 = arith.constant 0 : i32
      %dma_start3A_171 = tpu.memref_slice %arg6[%squeeze3A_167, %dma_start3A_170] : memref<100000x64xf32, #tpu.memory_space<hbm>> -> memref<1x64xf32, #tpu.memory_space<hbm>>
      %dma_start3A_172 = arith.constant 0 : i32
      %dma_start3A_173 = tpu.memref_slice %arg12[%add3A_155, %dma_start3A_172] : memref<128x64xf32, #tpu.memory_space<vmem>> -> memref<1x64xf32, #tpu.memory_space<vmem>>
      %dma_start3A_174 = arith.constant 0 : i32
      %dma_start3A_175 = tpu.memref_slice %arg6[%squeeze3A_167, %dma_start3A_174] : memref<100000x64xf32, #tpu.memory_space<hbm>> -> memref<1x64xf32, #tpu.memory_space<hbm>>
      tpu.enqueue_dma source(%dma_start3A_175 : memref<1x64xf32, #tpu.memory_space<hbm>>) target(%dma_start3A_173 : memref<1x64xf32, #tpu.memory_space<vmem>>) target_semaphore(%arg17 : memref<!tpu.dma_semaphore, #tpu.memory_space<semaphore_mem>>)
      %mul3A_176 = arith.constant 16 : i32
      %mul3A_177 = arith.muli %scan3A_26, %mul3A_176 : i32
      %add3A_178 = arith.constant 6 : i32
      %add3A_179 = arith.addi %mul3A_177, %add3A_178 : i32
      %slice3A_180 = vector.extract_strided_slice %get3A_30 {offsets = [6], sizes = [1], strides = [1]} : vector<16xi32> to vector<1xi32>
      %squeeze3A_181 = vector.extract %slice3A_180[0] : i32 from vector<1xi32>
      %dma_start3A_182 = arith.constant 0 : i32
      %dma_start3A_183 = tpu.memref_slice %arg11[%add3A_179, %dma_start3A_182] : memref<128x64xf32, #tpu.memory_space<vmem>> -> memref<1x64xf32, #tpu.memory_space<vmem>>
      %dma_start3A_184 = arith.constant 0 : i32
      %dma_start3A_185 = tpu.memref_slice %arg5[%squeeze3A_181, %dma_start3A_184] : memref<100000x64xf32, #tpu.memory_space<hbm>> -> memref<1x64xf32, #tpu.memory_space<hbm>>
      %dma_start3A_186 = arith.constant 0 : i32
      %dma_start3A_187 = tpu.memref_slice %arg11[%add3A_179, %dma_start3A_186] : memref<128x64xf32, #tpu.memory_space<vmem>> -> memref<1x64xf32, #tpu.memory_space<vmem>>
      %dma_start3A_188 = arith.constant 0 : i32
      %dma_start3A_189 = tpu.memref_slice %arg5[%squeeze3A_181, %dma_start3A_188] : memref<100000x64xf32, #tpu.memory_space<hbm>> -> memref<1x64xf32, #tpu.memory_space<hbm>>
      tpu.enqueue_dma source(%dma_start3A_189 : memref<1x64xf32, #tpu.memory_space<hbm>>) target(%dma_start3A_187 : memref<1x64xf32, #tpu.memory_space<vmem>>) target_semaphore(%arg16 : memref<!tpu.dma_semaphore, #tpu.memory_space<semaphore_mem>>)
      %slice3A_190 = vector.extract_strided_slice %get3A_34 {offsets = [6], sizes = [1], strides = [1]} : vector<16xi32> to vector<1xi32>
      %squeeze3A_191 = vector.extract %slice3A_190[0] : i32 from vector<1xi32>
      %dma_start3A_192 = arith.constant 0 : i32
      %dma_start3A_193 = tpu.memref_slice %arg12[%add3A_179, %dma_start3A_192] : memref<128x64xf32, #tpu.memory_space<vmem>> -> memref<1x64xf32, #tpu.memory_space<vmem>>
      %dma_start3A_194 = arith.constant 0 : i32
      %dma_start3A_195 = tpu.memref_slice %arg6[%squeeze3A_191, %dma_start3A_194] : memref<100000x64xf32, #tpu.memory_space<hbm>> -> memref<1x64xf32, #tpu.memory_space<hbm>>
      %dma_start3A_196 = arith.constant 0 : i32
      %dma_start3A_197 = tpu.memref_slice %arg12[%add3A_179, %dma_start3A_196] : memref<128x64xf32, #tpu.memory_space<vmem>> -> memref<1x64xf32, #tpu.memory_space<vmem>>
      %dma_start3A_198 = arith.constant 0 : i32
      %dma_start3A_199 = tpu.memref_slice %arg6[%squeeze3A_191, %dma_start3A_198] : memref<100000x64xf32, #tpu.memory_space<hbm>> -> memref<1x64xf32, #tpu.memory_space<hbm>>
      tpu.enqueue_dma source(%dma_start3A_199 : memref<1x64xf32, #tpu.memory_space<hbm>>) target(%dma_start3A_197 : memref<1x64xf32, #tpu.memory_space<vmem>>) target_semaphore(%arg17 : memref<!tpu.dma_semaphore, #tpu.memory_space<semaphore_mem>>)
      %mul3A_200 = arith.constant 16 : i32
      %mul3A_201 = arith.muli %scan3A_26, %mul3A_200 : i32
      %add3A_202 = arith.constant 7 : i32
      %add3A_203 = arith.addi %mul3A_201, %add3A_202 : i32
      %slice3A_204 = vector.extract_strided_slice %get3A_30 {offsets = [7], sizes = [1], strides = [1]} : vector<16xi32> to vector<1xi32>
      %squeeze3A_205 = vector.extract %slice3A_204[0] : i32 from vector<1xi32>
      %dma_start3A_206 = arith.constant 0 : i32
      %dma_start3A_207 = tpu.memref_slice %arg11[%add3A_203, %dma_start3A_206] : memref<128x64xf32, #tpu.memory_space<vmem>> -> memref<1x64xf32, #tpu.memory_space<vmem>>
      %dma_start3A_208 = arith.constant 0 : i32
      %dma_start3A_209 = tpu.memref_slice %arg5[%squeeze3A_205, %dma_start3A_208] : memref<100000x64xf32, #tpu.memory_space<hbm>> -> memref<1x64xf32, #tpu.memory_space<hbm>>
      %dma_start3A_210 = arith.constant 0 : i32
      %dma_start3A_211 = tpu.memref_slice %arg11[%add3A_203, %dma_start3A_210] : memref<128x64xf32, #tpu.memory_space<vmem>> -> memref<1x64xf32, #tpu.memory_space<vmem>>
      %dma_start3A_212 = arith.constant 0 : i32
      %dma_start3A_213 = tpu.memref_slice %arg5[%squeeze3A_205, %dma_start3A_212] : memref<100000x64xf32, #tpu.memory_space<hbm>> -> memref<1x64xf32, #tpu.memory_space<hbm>>
      tpu.enqueue_dma source(%dma_start3A_213 : memref<1x64xf32, #tpu.memory_space<hbm>>) target(%dma_start3A_211 : memref<1x64xf32, #tpu.memory_space<vmem>>) target_semaphore(%arg16 : memref<!tpu.dma_semaphore, #tpu.memory_space<semaphore_mem>>)
      %slice3A_214 = vector.extract_strided_slice %get3A_34 {offsets = [7], sizes = [1], strides = [1]} : vector<16xi32> to vector<1xi32>
      %squeeze3A_215 = vector.extract %slice3A_214[0] : i32 from vector<1xi32>
      %dma_start3A_216 = arith.constant 0 : i32
      %dma_start3A_217 = tpu.memref_slice %arg12[%add3A_203, %dma_start3A_216] : memref<128x64xf32, #tpu.memory_space<vmem>> -> memref<1x64xf32, #tpu.memory_space<vmem>>
      %dma_start3A_218 = arith.constant 0 : i32
      %dma_start3A_219 = tpu.memref_slice %arg6[%squeeze3A_215, %dma_start3A_218] : memref<100000x64xf32, #tpu.memory_space<hbm>> -> memref<1x64xf32, #tpu.memory_space<hbm>>
      %dma_start3A_220 = arith.constant 0 : i32
      %dma_start3A_221 = tpu.memref_slice %arg12[%add3A_203, %dma_start3A_220] : memref<128x64xf32, #tpu.memory_space<vmem>> -> memref<1x64xf32, #tpu.memory_space<vmem>>
      %dma_start3A_222 = arith.constant 0 : i32
      %dma_start3A_223 = tpu.memref_slice %arg6[%squeeze3A_215, %dma_start3A_222] : memref<100000x64xf32, #tpu.memory_space<hbm>> -> memref<1x64xf32, #tpu.memory_space<hbm>>
      tpu.enqueue_dma source(%dma_start3A_223 : memref<1x64xf32, #tpu.memory_space<hbm>>) target(%dma_start3A_221 : memref<1x64xf32, #tpu.memory_space<vmem>>) target_semaphore(%arg17 : memref<!tpu.dma_semaphore, #tpu.memory_space<semaphore_mem>>)
      %mul3A_224 = arith.constant 16 : i32
      %mul3A_225 = arith.muli %scan3A_26, %mul3A_224 : i32
      %add3A_226 = arith.constant 8 : i32
      %add3A_227 = arith.addi %mul3A_225, %add3A_226 : i32
      %slice3A_228 = vector.extract_strided_slice %get3A_30 {offsets = [8], sizes = [1], strides = [1]} : vector<16xi32> to vector<1xi32>
      %squeeze3A_229 = vector.extract %slice3A_228[0] : i32 from vector<1xi32>
      %dma_start3A_230 = arith.constant 0 : i32
      %dma_start3A_231 = tpu.memref_slice %arg11[%add3A_227, %dma_start3A_230] : memref<128x64xf32, #tpu.memory_space<vmem>> -> memref<1x64xf32, #tpu.memory_space<vmem>>
      %dma_start3A_232 = arith.constant 0 : i32
      %dma_start3A_233 = tpu.memref_slice %arg5[%squeeze3A_229, %dma_start3A_232] : memref<100000x64xf32, #tpu.memory_space<hbm>> -> memref<1x64xf32, #tpu.memory_space<hbm>>
      %dma_start3A_234 = arith.constant 0 : i32
      %dma_start3A_235 = tpu.memref_slice %arg11[%add3A_227, %dma_start3A_234] : memref<128x64xf32, #tpu.memory_space<vmem>> -> memref<1x64xf32, #tpu.memory_space<vmem>>
      %dma_start3A_236 = arith.constant 0 : i32
      %dma_start3A_237 = tpu.memref_slice %arg5[%squeeze3A_229, %dma_start3A_236] : memref<100000x64xf32, #tpu.memory_space<hbm>> -> memref<1x64xf32, #tpu.memory_space<hbm>>
      tpu.enqueue_dma source(%dma_start3A_237 : memref<1x64xf32, #tpu.memory_space<hbm>>) target(%dma_start3A_235 : memref<1x64xf32, #tpu.memory_space<vmem>>) target_semaphore(%arg16 : memref<!tpu.dma_semaphore, #tpu.memory_space<semaphore_mem>>)
      %slice3A_238 = vector.extract_strided_slice %get3A_34 {offsets = [8], sizes = [1], strides = [1]} : vector<16xi32> to vector<1xi32>
      %squeeze3A_239 = vector.extract %slice3A_238[0] : i32 from vector<1xi32>
      %dma_start3A_240 = arith.constant 0 : i32
      %dma_start3A_241 = tpu.memref_slice %arg12[%add3A_227, %dma_start3A_240] : memref<128x64xf32, #tpu.memory_space<vmem>> -> memref<1x64xf32, #tpu.memory_space<vmem>>
      %dma_start3A_242 = arith.constant 0 : i32
      %dma_start3A_243 = tpu.memref_slice %arg6[%squeeze3A_239, %dma_start3A_242] : memref<100000x64xf32, #tpu.memory_space<hbm>> -> memref<1x64xf32, #tpu.memory_space<hbm>>
      %dma_start3A_244 = arith.constant 0 : i32
      %dma_start3A_245 = tpu.memref_slice %arg12[%add3A_227, %dma_start3A_244] : memref<128x64xf32, #tpu.memory_space<vmem>> -> memref<1x64xf32, #tpu.memory_space<vmem>>
      %dma_start3A_246 = arith.constant 0 : i32
      %dma_start3A_247 = tpu.memref_slice %arg6[%squeeze3A_239, %dma_start3A_246] : memref<100000x64xf32, #tpu.memory_space<hbm>> -> memref<1x64xf32, #tpu.memory_space<hbm>>
      tpu.enqueue_dma source(%dma_start3A_247 : memref<1x64xf32, #tpu.memory_space<hbm>>) target(%dma_start3A_245 : memref<1x64xf32, #tpu.memory_space<vmem>>) target_semaphore(%arg17 : memref<!tpu.dma_semaphore, #tpu.memory_space<semaphore_mem>>)
      %mul3A_248 = arith.constant 16 : i32
      %mul3A_249 = arith.muli %scan3A_26, %mul3A_248 : i32
      %add3A_250 = arith.constant 9 : i32
      %add3A_251 = arith.addi %mul3A_249, %add3A_250 : i32
      %slice3A_252 = vector.extract_strided_slice %get3A_30 {offsets = [9], sizes = [1], strides = [1]} : vector<16xi32> to vector<1xi32>
      %squeeze3A_253 = vector.extract %slice3A_252[0] : i32 from vector<1xi32>
      %dma_start3A_254 = arith.constant 0 : i32
      %dma_start3A_255 = tpu.memref_slice %arg11[%add3A_251, %dma_start3A_254] : memref<128x64xf32, #tpu.memory_space<vmem>> -> memref<1x64xf32, #tpu.memory_space<vmem>>
      %dma_start3A_256 = arith.constant 0 : i32
      %dma_start3A_257 = tpu.memref_slice %arg5[%squeeze3A_253, %dma_start3A_256] : memref<100000x64xf32, #tpu.memory_space<hbm>> -> memref<1x64xf32, #tpu.memory_space<hbm>>
      %dma_start3A_258 = arith.constant 0 : i32
      %dma_start3A_259 = tpu.memref_slice %arg11[%add3A_251, %dma_start3A_258] : memref<128x64xf32, #tpu.memory_space<vmem>> -> memref<1x64xf32, #tpu.memory_space<vmem>>
      %dma_start3A_260 = arith.constant 0 : i32
      %dma_start3A_261 = tpu.memref_slice %arg5[%squeeze3A_253, %dma_start3A_260] : memref<100000x64xf32, #tpu.memory_space<hbm>> -> memref<1x64xf32, #tpu.memory_space<hbm>>
      tpu.enqueue_dma source(%dma_start3A_261 : memref<1x64xf32, #tpu.memory_space<hbm>>) target(%dma_start3A_259 : memref<1x64xf32, #tpu.memory_space<vmem>>) target_semaphore(%arg16 : memref<!tpu.dma_semaphore, #tpu.memory_space<semaphore_mem>>)
      %slice3A_262 = vector.extract_strided_slice %get3A_34 {offsets = [9], sizes = [1], strides = [1]} : vector<16xi32> to vector<1xi32>
      %squeeze3A_263 = vector.extract %slice3A_262[0] : i32 from vector<1xi32>
      %dma_start3A_264 = arith.constant 0 : i32
      %dma_start3A_265 = tpu.memref_slice %arg12[%add3A_251, %dma_start3A_264] : memref<128x64xf32, #tpu.memory_space<vmem>> -> memref<1x64xf32, #tpu.memory_space<vmem>>
      %dma_start3A_266 = arith.constant 0 : i32
      %dma_start3A_267 = tpu.memref_slice %arg6[%squeeze3A_263, %dma_start3A_266] : memref<100000x64xf32, #tpu.memory_space<hbm>> -> memref<1x64xf32, #tpu.memory_space<hbm>>
      %dma_start3A_268 = arith.constant 0 : i32
      %dma_start3A_269 = tpu.memref_slice %arg12[%add3A_251, %dma_start3A_268] : memref<128x64xf32, #tpu.memory_space<vmem>> -> memref<1x64xf32, #tpu.memory_space<vmem>>
      %dma_start3A_270 = arith.constant 0 : i32
      %dma_start3A_271 = tpu.memref_slice %arg6[%squeeze3A_263, %dma_start3A_270] : memref<100000x64xf32, #tpu.memory_space<hbm>> -> memref<1x64xf32, #tpu.memory_space<hbm>>
      tpu.enqueue_dma source(%dma_start3A_271 : memref<1x64xf32, #tpu.memory_space<hbm>>) target(%dma_start3A_269 : memref<1x64xf32, #tpu.memory_space<vmem>>) target_semaphore(%arg17 : memref<!tpu.dma_semaphore, #tpu.memory_space<semaphore_mem>>)
      %mul3A_272 = arith.constant 16 : i32
      %mul3A_273 = arith.muli %scan3A_26, %mul3A_272 : i32
      %add3A_274 = arith.constant 10 : i32
      %add3A_275 = arith.addi %mul3A_273, %add3A_274 : i32
      %slice3A_276 = vector.extract_strided_slice %get3A_30 {offsets = [10], sizes = [1], strides = [1]} : vector<16xi32> to vector<1xi32>
      %squeeze3A_277 = vector.extract %slice3A_276[0] : i32 from vector<1xi32>
      %dma_start3A_278 = arith.constant 0 : i32
      %dma_start3A_279 = tpu.memref_slice %arg11[%add3A_275, %dma_start3A_278] : memref<128x64xf32, #tpu.memory_space<vmem>> -> memref<1x64xf32, #tpu.memory_space<vmem>>
      %dma_start3A_280 = arith.constant 0 : i32
      %dma_start3A_281 = tpu.memref_slice %arg5[%squeeze3A_277, %dma_start3A_280] : memref<100000x64xf32, #tpu.memory_space<hbm>> -> memref<1x64xf32, #tpu.memory_space<hbm>>
      %dma_start3A_282 = arith.constant 0 : i32
      %dma_start3A_283 = tpu.memref_slice %arg11[%add3A_275, %dma_start3A_282] : memref<128x64xf32, #tpu.memory_space<vmem>> -> memref<1x64xf32, #tpu.memory_space<vmem>>
      %dma_start3A_284 = arith.constant 0 : i32
      %dma_start3A_285 = tpu.memref_slice %arg5[%squeeze3A_277, %dma_start3A_284] : memref<100000x64xf32, #tpu.memory_space<hbm>> -> memref<1x64xf32, #tpu.memory_space<hbm>>
      tpu.enqueue_dma source(%dma_start3A_285 : memref<1x64xf32, #tpu.memory_space<hbm>>) target(%dma_start3A_283 : memref<1x64xf32, #tpu.memory_space<vmem>>) target_semaphore(%arg16 : memref<!tpu.dma_semaphore, #tpu.memory_space<semaphore_mem>>)
      %slice3A_286 = vector.extract_strided_slice %get3A_34 {offsets = [10], sizes = [1], strides = [1]} : vector<16xi32> to vector<1xi32>
      %squeeze3A_287 = vector.extract %slice3A_286[0] : i32 from vector<1xi32>
      %dma_start3A_288 = arith.constant 0 : i32
      %dma_start3A_289 = tpu.memref_slice %arg12[%add3A_275, %dma_start3A_288] : memref<128x64xf32, #tpu.memory_space<vmem>> -> memref<1x64xf32, #tpu.memory_space<vmem>>
      %dma_start3A_290 = arith.constant 0 : i32
      %dma_start3A_291 = tpu.memref_slice %arg6[%squeeze3A_287, %dma_start3A_290] : memref<100000x64xf32, #tpu.memory_space<hbm>> -> memref<1x64xf32, #tpu.memory_space<hbm>>
      %dma_start3A_292 = arith.constant 0 : i32
      %dma_start3A_293 = tpu.memref_slice %arg12[%add3A_275, %dma_start3A_292] : memref<128x64xf32, #tpu.memory_space<vmem>> -> memref<1x64xf32, #tpu.memory_space<vmem>>
      %dma_start3A_294 = arith.constant 0 : i32
      %dma_start3A_295 = tpu.memref_slice %arg6[%squeeze3A_287, %dma_start3A_294] : memref<100000x64xf32, #tpu.memory_space<hbm>> -> memref<1x64xf32, #tpu.memory_space<hbm>>
      tpu.enqueue_dma source(%dma_start3A_295 : memref<1x64xf32, #tpu.memory_space<hbm>>) target(%dma_start3A_293 : memref<1x64xf32, #tpu.memory_space<vmem>>) target_semaphore(%arg17 : memref<!tpu.dma_semaphore, #tpu.memory_space<semaphore_mem>>)
      %mul3A_296 = arith.constant 16 : i32
      %mul3A_297 = arith.muli %scan3A_26, %mul3A_296 : i32
      %add3A_298 = arith.constant 11 : i32
      %add3A_299 = arith.addi %mul3A_297, %add3A_298 : i32
      %slice3A_300 = vector.extract_strided_slice %get3A_30 {offsets = [11], sizes = [1], strides = [1]} : vector<16xi32> to vector<1xi32>
      %squeeze3A_301 = vector.extract %slice3A_300[0] : i32 from vector<1xi32>
      %dma_start3A_302 = arith.constant 0 : i32
      %dma_start3A_303 = tpu.memref_slice %arg11[%add3A_299, %dma_start3A_302] : memref<128x64xf32, #tpu.memory_space<vmem>> -> memref<1x64xf32, #tpu.memory_space<vmem>>
      %dma_start3A_304 = arith.constant 0 : i32
      %dma_start3A_305 = tpu.memref_slice %arg5[%squeeze3A_301, %dma_start3A_304] : memref<100000x64xf32, #tpu.memory_space<hbm>> -> memref<1x64xf32, #tpu.memory_space<hbm>>
      %dma_start3A_306 = arith.constant 0 : i32
      %dma_start3A_307 = tpu.memref_slice %arg11[%add3A_299, %dma_start3A_306] : memref<128x64xf32, #tpu.memory_space<vmem>> -> memref<1x64xf32, #tpu.memory_space<vmem>>
      %dma_start3A_308 = arith.constant 0 : i32
      %dma_start3A_309 = tpu.memref_slice %arg5[%squeeze3A_301, %dma_start3A_308] : memref<100000x64xf32, #tpu.memory_space<hbm>> -> memref<1x64xf32, #tpu.memory_space<hbm>>
      tpu.enqueue_dma source(%dma_start3A_309 : memref<1x64xf32, #tpu.memory_space<hbm>>) target(%dma_start3A_307 : memref<1x64xf32, #tpu.memory_space<vmem>>) target_semaphore(%arg16 : memref<!tpu.dma_semaphore, #tpu.memory_space<semaphore_mem>>)
      %slice3A_310 = vector.extract_strided_slice %get3A_34 {offsets = [11], sizes = [1], strides = [1]} : vector<16xi32> to vector<1xi32>
      %squeeze3A_311 = vector.extract %slice3A_310[0] : i32 from vector<1xi32>
      %dma_start3A_312 = arith.constant 0 : i32
      %dma_start3A_313 = tpu.memref_slice %arg12[%add3A_299, %dma_start3A_312] : memref<128x64xf32, #tpu.memory_space<vmem>> -> memref<1x64xf32, #tpu.memory_space<vmem>>
      %dma_start3A_314 = arith.constant 0 : i32
      %dma_start3A_315 = tpu.memref_slice %arg6[%squeeze3A_311, %dma_start3A_314] : memref<100000x64xf32, #tpu.memory_space<hbm>> -> memref<1x64xf32, #tpu.memory_space<hbm>>
      %dma_start3A_316 = arith.constant 0 : i32
      %dma_start3A_317 = tpu.memref_slice %arg12[%add3A_299, %dma_start3A_316] : memref<128x64xf32, #tpu.memory_space<vmem>> -> memref<1x64xf32, #tpu.memory_space<vmem>>
      %dma_start3A_318 = arith.constant 0 : i32
      %dma_start3A_319 = tpu.memref_slice %arg6[%squeeze3A_311, %dma_start3A_318] : memref<100000x64xf32, #tpu.memory_space<hbm>> -> memref<1x64xf32, #tpu.memory_space<hbm>>
      tpu.enqueue_dma source(%dma_start3A_319 : memref<1x64xf32, #tpu.memory_space<hbm>>) target(%dma_start3A_317 : memref<1x64xf32, #tpu.memory_space<vmem>>) target_semaphore(%arg17 : memref<!tpu.dma_semaphore, #tpu.memory_space<semaphore_mem>>)
      %mul3A_320 = arith.constant 16 : i32
      %mul3A_321 = arith.muli %scan3A_26, %mul3A_320 : i32
      %add3A_322 = arith.constant 12 : i32
      %add3A_323 = arith.addi %mul3A_321, %add3A_322 : i32
      %slice3A_324 = vector.extract_strided_slice %get3A_30 {offsets = [12], sizes = [1], strides = [1]} : vector<16xi32> to vector<1xi32>
      %squeeze3A_325 = vector.extract %slice3A_324[0] : i32 from vector<1xi32>
      %dma_start3A_326 = arith.constant 0 : i32
      %dma_start3A_327 = tpu.memref_slice %arg11[%add3A_323, %dma_start3A_326] : memref<128x64xf32, #tpu.memory_space<vmem>> -> memref<1x64xf32, #tpu.memory_space<vmem>>
      %dma_start3A_328 = arith.constant 0 : i32
      %dma_start3A_329 = tpu.memref_slice %arg5[%squeeze3A_325, %dma_start3A_328] : memref<100000x64xf32, #tpu.memory_space<hbm>> -> memref<1x64xf32, #tpu.memory_space<hbm>>
      %dma_start3A_330 = arith.constant 0 : i32
      %dma_start3A_331 = tpu.memref_slice %arg11[%add3A_323, %dma_start3A_330] : memref<128x64xf32, #tpu.memory_space<vmem>> -> memref<1x64xf32, #tpu.memory_space<vmem>>
      %dma_start3A_332 = arith.constant 0 : i32
      %dma_start3A_333 = tpu.memref_slice %arg5[%squeeze3A_325, %dma_start3A_332] : memref<100000x64xf32, #tpu.memory_space<hbm>> -> memref<1x64xf32, #tpu.memory_space<hbm>>
      tpu.enqueue_dma source(%dma_start3A_333 : memref<1x64xf32, #tpu.memory_space<hbm>>) target(%dma_start3A_331 : memref<1x64xf32, #tpu.memory_space<vmem>>) target_semaphore(%arg16 : memref<!tpu.dma_semaphore, #tpu.memory_space<semaphore_mem>>)
      %slice3A_334 = vector.extract_strided_slice %get3A_34 {offsets = [12], sizes = [1], strides = [1]} : vector<16xi32> to vector<1xi32>
      %squeeze3A_335 = vector.extract %slice3A_334[0] : i32 from vector<1xi32>
      %dma_start3A_336 = arith.constant 0 : i32
      %dma_start3A_337 = tpu.memref_slice %arg12[%add3A_323, %dma_start3A_336] : memref<128x64xf32, #tpu.memory_space<vmem>> -> memref<1x64xf32, #tpu.memory_space<vmem>>
      %dma_start3A_338 = arith.constant 0 : i32
      %dma_start3A_339 = tpu.memref_slice %arg6[%squeeze3A_335, %dma_start3A_338] : memref<100000x64xf32, #tpu.memory_space<hbm>> -> memref<1x64xf32, #tpu.memory_space<hbm>>
      %dma_start3A_340 = arith.constant 0 : i32
      %dma_start3A_341 = tpu.memref_slice %arg12[%add3A_323, %dma_start3A_340] : memref<128x64xf32, #tpu.memory_space<vmem>> -> memref<1x64xf32, #tpu.memory_space<vmem>>
      %dma_start3A_342 = arith.constant 0 : i32
      %dma_start3A_343 = tpu.memref_slice %arg6[%squeeze3A_335, %dma_start3A_342] : memref<100000x64xf32, #tpu.memory_space<hbm>> -> memref<1x64xf32, #tpu.memory_space<hbm>>
      tpu.enqueue_dma source(%dma_start3A_343 : memref<1x64xf32, #tpu.memory_space<hbm>>) target(%dma_start3A_341 : memref<1x64xf32, #tpu.memory_space<vmem>>) target_semaphore(%arg17 : memref<!tpu.dma_semaphore, #tpu.memory_space<semaphore_mem>>)
      %mul3A_344 = arith.constant 16 : i32
      %mul3A_345 = arith.muli %scan3A_26, %mul3A_344 : i32
      %add3A_346 = arith.constant 13 : i32
      %add3A_347 = arith.addi %mul3A_345, %add3A_346 : i32
      %slice3A_348 = vector.extract_strided_slice %get3A_30 {offsets = [13], sizes = [1], strides = [1]} : vector<16xi32> to vector<1xi32>
      %squeeze3A_349 = vector.extract %slice3A_348[0] : i32 from vector<1xi32>
      %dma_start3A_350 = arith.constant 0 : i32
      %dma_start3A_351 = tpu.memref_slice %arg11[%add3A_347, %dma_start3A_350] : memref<128x64xf32, #tpu.memory_space<vmem>> -> memref<1x64xf32, #tpu.memory_space<vmem>>
      %dma_start3A_352 = arith.constant 0 : i32
      %dma_start3A_353 = tpu.memref_slice %arg5[%squeeze3A_349, %dma_start3A_352] : memref<100000x64xf32, #tpu.memory_space<hbm>> -> memref<1x64xf32, #tpu.memory_space<hbm>>
      %dma_start3A_354 = arith.constant 0 : i32
      %dma_start3A_355 = tpu.memref_slice %arg11[%add3A_347, %dma_start3A_354] : memref<128x64xf32, #tpu.memory_space<vmem>> -> memref<1x64xf32, #tpu.memory_space<vmem>>
      %dma_start3A_356 = arith.constant 0 : i32
      %dma_start3A_357 = tpu.memref_slice %arg5[%squeeze3A_349, %dma_start3A_356] : memref<100000x64xf32, #tpu.memory_space<hbm>> -> memref<1x64xf32, #tpu.memory_space<hbm>>
      tpu.enqueue_dma source(%dma_start3A_357 : memref<1x64xf32, #tpu.memory_space<hbm>>) target(%dma_start3A_355 : memref<1x64xf32, #tpu.memory_space<vmem>>) target_semaphore(%arg16 : memref<!tpu.dma_semaphore, #tpu.memory_space<semaphore_mem>>)
      %slice3A_358 = vector.extract_strided_slice %get3A_34 {offsets = [13], sizes = [1], strides = [1]} : vector<16xi32> to vector<1xi32>
      %squeeze3A_359 = vector.extract %slice3A_358[0] : i32 from vector<1xi32>
      %dma_start3A_360 = arith.constant 0 : i32
      %dma_start3A_361 = tpu.memref_slice %arg12[%add3A_347, %dma_start3A_360] : memref<128x64xf32, #tpu.memory_space<vmem>> -> memref<1x64xf32, #tpu.memory_space<vmem>>
      %dma_start3A_362 = arith.constant 0 : i32
      %dma_start3A_363 = tpu.memref_slice %arg6[%squeeze3A_359, %dma_start3A_362] : memref<100000x64xf32, #tpu.memory_space<hbm>> -> memref<1x64xf32, #tpu.memory_space<hbm>>
      %dma_start3A_364 = arith.constant 0 : i32
      %dma_start3A_365 = tpu.memref_slice %arg12[%add3A_347, %dma_start3A_364] : memref<128x64xf32, #tpu.memory_space<vmem>> -> memref<1x64xf32, #tpu.memory_space<vmem>>
      %dma_start3A_366 = arith.constant 0 : i32
      %dma_start3A_367 = tpu.memref_slice %arg6[%squeeze3A_359, %dma_start3A_366] : memref<100000x64xf32, #tpu.memory_space<hbm>> -> memref<1x64xf32, #tpu.memory_space<hbm>>
      tpu.enqueue_dma source(%dma_start3A_367 : memref<1x64xf32, #tpu.memory_space<hbm>>) target(%dma_start3A_365 : memref<1x64xf32, #tpu.memory_space<vmem>>) target_semaphore(%arg17 : memref<!tpu.dma_semaphore, #tpu.memory_space<semaphore_mem>>)
      %mul3A_368 = arith.constant 16 : i32
      %mul3A_369 = arith.muli %scan3A_26, %mul3A_368 : i32
      %add3A_370 = arith.constant 14 : i32
      %add3A_371 = arith.addi %mul3A_369, %add3A_370 : i32
      %slice3A_372 = vector.extract_strided_slice %get3A_30 {offsets = [14], sizes = [1], strides = [1]} : vector<16xi32> to vector<1xi32>
      %squeeze3A_373 = vector.extract %slice3A_372[0] : i32 from vector<1xi32>
      %dma_start3A_374 = arith.constant 0 : i32
      %dma_start3A_375 = tpu.memref_slice %arg11[%add3A_371, %dma_start3A_374] : memref<128x64xf32, #tpu.memory_space<vmem>> -> memref<1x64xf32, #tpu.memory_space<vmem>>
      %dma_start3A_376 = arith.constant 0 : i32
      %dma_start3A_377 = tpu.memref_slice %arg5[%squeeze3A_373, %dma_start3A_376] : memref<100000x64xf32, #tpu.memory_space<hbm>> -> memref<1x64xf32, #tpu.memory_space<hbm>>
      %dma_start3A_378 = arith.constant 0 : i32
      %dma_start3A_379 = tpu.memref_slice %arg11[%add3A_371, %dma_start3A_378] : memref<128x64xf32, #tpu.memory_space<vmem>> -> memref<1x64xf32, #tpu.memory_space<vmem>>
      %dma_start3A_380 = arith.constant 0 : i32
      %dma_start3A_381 = tpu.memref_slice %arg5[%squeeze3A_373, %dma_start3A_380] : memref<100000x64xf32, #tpu.memory_space<hbm>> -> memref<1x64xf32, #tpu.memory_space<hbm>>
      tpu.enqueue_dma source(%dma_start3A_381 : memref<1x64xf32, #tpu.memory_space<hbm>>) target(%dma_start3A_379 : memref<1x64xf32, #tpu.memory_space<vmem>>) target_semaphore(%arg16 : memref<!tpu.dma_semaphore, #tpu.memory_space<semaphore_mem>>)
      %slice3A_382 = vector.extract_strided_slice %get3A_34 {offsets = [14], sizes = [1], strides = [1]} : vector<16xi32> to vector<1xi32>
      %squeeze3A_383 = vector.extract %slice3A_382[0] : i32 from vector<1xi32>
      %dma_start3A_384 = arith.constant 0 : i32
      %dma_start3A_385 = tpu.memref_slice %arg12[%add3A_371, %dma_start3A_384] : memref<128x64xf32, #tpu.memory_space<vmem>> -> memref<1x64xf32, #tpu.memory_space<vmem>>
      %dma_start3A_386 = arith.constant 0 : i32
      %dma_start3A_387 = tpu.memref_slice %arg6[%squeeze3A_383, %dma_start3A_386] : memref<100000x64xf32, #tpu.memory_space<hbm>> -> memref<1x64xf32, #tpu.memory_space<hbm>>
      %dma_start3A_388 = arith.constant 0 : i32
      %dma_start3A_389 = tpu.memref_slice %arg12[%add3A_371, %dma_start3A_388] : memref<128x64xf32, #tpu.memory_space<vmem>> -> memref<1x64xf32, #tpu.memory_space<vmem>>
      %dma_start3A_390 = arith.constant 0 : i32
      %dma_start3A_391 = tpu.memref_slice %arg6[%squeeze3A_383, %dma_start3A_390] : memref<100000x64xf32, #tpu.memory_space<hbm>> -> memref<1x64xf32, #tpu.memory_space<hbm>>
      tpu.enqueue_dma source(%dma_start3A_391 : memref<1x64xf32, #tpu.memory_space<hbm>>) target(%dma_start3A_389 : memref<1x64xf32, #tpu.memory_space<vmem>>) target_semaphore(%arg17 : memref<!tpu.dma_semaphore, #tpu.memory_space<semaphore_mem>>)
      %mul3A_392 = arith.constant 16 : i32
      %mul3A_393 = arith.muli %scan3A_26, %mul3A_392 : i32
      %add3A_394 = arith.constant 15 : i32
      %add3A_395 = arith.addi %mul3A_393, %add3A_394 : i32
      %slice3A_396 = vector.extract_strided_slice %get3A_30 {offsets = [15], sizes = [1], strides = [1]} : vector<16xi32> to vector<1xi32>
      %squeeze3A_397 = vector.extract %slice3A_396[0] : i32 from vector<1xi32>
      %dma_start3A_398 = arith.constant 0 : i32
      %dma_start3A_399 = tpu.memref_slice %arg11[%add3A_395, %dma_start3A_398] : memref<128x64xf32, #tpu.memory_space<vmem>> -> memref<1x64xf32, #tpu.memory_space<vmem>>
      %dma_start3A_400 = arith.constant 0 : i32
      %dma_start3A_401 = tpu.memref_slice %arg5[%squeeze3A_397, %dma_start3A_400] : memref<100000x64xf32, #tpu.memory_space<hbm>> -> memref<1x64xf32, #tpu.memory_space<hbm>>
      %dma_start3A_402 = arith.constant 0 : i32
      %dma_start3A_403 = tpu.memref_slice %arg11[%add3A_395, %dma_start3A_402] : memref<128x64xf32, #tpu.memory_space<vmem>> -> memref<1x64xf32, #tpu.memory_space<vmem>>
      %dma_start3A_404 = arith.constant 0 : i32
      %dma_start3A_405 = tpu.memref_slice %arg5[%squeeze3A_397, %dma_start3A_404] : memref<100000x64xf32, #tpu.memory_space<hbm>> -> memref<1x64xf32, #tpu.memory_space<hbm>>
      tpu.enqueue_dma source(%dma_start3A_405 : memref<1x64xf32, #tpu.memory_space<hbm>>) target(%dma_start3A_403 : memref<1x64xf32, #tpu.memory_space<vmem>>) target_semaphore(%arg16 : memref<!tpu.dma_semaphore, #tpu.memory_space<semaphore_mem>>)
      %slice3A_406 = vector.extract_strided_slice %get3A_34 {offsets = [15], sizes = [1], strides = [1]} : vector<16xi32> to vector<1xi32>
      %squeeze3A_407 = vector.extract %slice3A_406[0] : i32 from vector<1xi32>
      %dma_start3A_408 = arith.constant 0 : i32
      %dma_start3A_409 = tpu.memref_slice %arg12[%add3A_395, %dma_start3A_408] : memref<128x64xf32, #tpu.memory_space<vmem>> -> memref<1x64xf32, #tpu.memory_space<vmem>>
      %dma_start3A_410 = arith.constant 0 : i32
      %dma_start3A_411 = tpu.memref_slice %arg6[%squeeze3A_407, %dma_start3A_410] : memref<100000x64xf32, #tpu.memory_space<hbm>> -> memref<1x64xf32, #tpu.memory_space<hbm>>
      %dma_start3A_412 = arith.constant 0 : i32
      %dma_start3A_413 = tpu.memref_slice %arg12[%add3A_395, %dma_start3A_412] : memref<128x64xf32, #tpu.memory_space<vmem>> -> memref<1x64xf32, #tpu.memory_space<vmem>>
      %dma_start3A_414 = arith.constant 0 : i32
      %dma_start3A_415 = tpu.memref_slice %arg6[%squeeze3A_407, %dma_start3A_414] : memref<100000x64xf32, #tpu.memory_space<hbm>> -> memref<1x64xf32, #tpu.memory_space<hbm>>
      tpu.enqueue_dma source(%dma_start3A_415 : memref<1x64xf32, #tpu.memory_space<hbm>>) target(%dma_start3A_413 : memref<1x64xf32, #tpu.memory_space<vmem>>) target_semaphore(%arg17 : memref<!tpu.dma_semaphore, #tpu.memory_space<semaphore_mem>>)
    }
    %scan3A_7 = arith.constant 8 : i32
    "tpu.region"() ({
      %run_scoped3A = tpu.sem_alloc : memref<!tpu.dma_semaphore, #tpu.memory_space<semaphore_mem>>
      %dma_start3A = arith.constant 0 : i32
      %dma_start3A_26 = tpu.memref_slice %arg4[%mul3A_2, %dma_start3A] : memref<4096x128xf32, #tpu.memory_space<hbm>> -> memref<128x128xf32, #tpu.memory_space<hbm>>
      %dma_start3A_27 = arith.constant 0 : i32
      %dma_start3A_28 = tpu.memref_slice %arg4[%mul3A_2, %dma_start3A_27] : memref<4096x128xf32, #tpu.memory_space<hbm>> -> memref<128x128xf32, #tpu.memory_space<hbm>>
      tpu.enqueue_dma source(%dma_start3A_28 : memref<128x128xf32, #tpu.memory_space<hbm>>) target(%arg13 : memref<128x128xf32, #tpu.memory_space<vmem>>) target_semaphore(%run_scoped3A : memref<!tpu.dma_semaphore, #tpu.memory_space<semaphore_mem>>)
      %dma_wait3A_29 = arith.constant 0 : i32
      %dma_wait3A_30 = tpu.memref_slice %arg4[%mul3A_2, %dma_wait3A_29] : memref<4096x128xf32, #tpu.memory_space<hbm>> -> memref<128x128xf32, #tpu.memory_space<hbm>>
      %dma_wait3A_31 = arith.constant 0 : i32
      %dma_wait3A_32 = tpu.memref_slice %arg4[%mul3A_2, %dma_wait3A_31] : memref<4096x128xf32, #tpu.memory_space<hbm>> -> memref<128x128xf32, #tpu.memory_space<hbm>>
      tpu.wait_dma2 semaphore(%run_scoped3A : memref<!tpu.dma_semaphore, #tpu.memory_space<semaphore_mem>>) src(%dma_wait3A_32 : memref<128x128xf32, #tpu.memory_space<hbm>>) dst(%arg13 : memref<128x128xf32, #tpu.memory_space<vmem>>)
      tpu.yield
    }) : () -> ()
    "tpu.region"() ({
      %run_scoped3A = tpu.sem_alloc : memref<!tpu.dma_semaphore, #tpu.memory_space<semaphore_mem>>
      tpu.enqueue_dma source(%arg7 : memref<256xf32, #tpu.memory_space<hbm>>) target(%arg14 : memref<256xf32, #tpu.memory_space<vmem>>) target_semaphore(%run_scoped3A : memref<!tpu.dma_semaphore, #tpu.memory_space<semaphore_mem>>)
      tpu.wait_dma2 semaphore(%run_scoped3A : memref<!tpu.dma_semaphore, #tpu.memory_space<semaphore_mem>>) src(%arg7 : memref<256xf32, #tpu.memory_space<hbm>>) dst(%arg14 : memref<256xf32, #tpu.memory_space<vmem>>)
      tpu.yield
    }) : () -> ()
    %dma_wait3A = arith.constant 0 : i32
    %dma_wait3A_8 = arith.constant 0 : i32
    %dma_wait3A_9 = tpu.memref_slice %arg5[%dma_wait3A, %dma_wait3A_8] : memref<100000x64xf32, #tpu.memory_space<hbm>> -> memref<128x64xf32, #tpu.memory_space<hbm>>
    %dma_wait3A_10 = arith.constant 0 : i32
    %dma_wait3A_11 = arith.constant 0 : i32
    %dma_wait3A_12 = tpu.memref_slice %arg5[%dma_wait3A_10, %dma_wait3A_11] : memref<100000x64xf32, #tpu.memory_space<hbm>> -> memref<128x64xf32, #tpu.memory_space<hbm>>
    tpu.wait_dma2 semaphore(%arg16 : memref<!tpu.dma_semaphore, #tpu.memory_space<semaphore_mem>>) src(%dma_wait3A_12 : memref<128x64xf32, #tpu.memory_space<hbm>>) dst(%arg11 : memref<128x64xf32, #tpu.memory_space<vmem>>)
    %dma_wait3A_13 = arith.constant 0 : i32
    %dma_wait3A_14 = arith.constant 0 : i32
    %dma_wait3A_15 = tpu.memref_slice %arg6[%dma_wait3A_13, %dma_wait3A_14] : memref<100000x64xf32, #tpu.memory_space<hbm>> -> memref<128x64xf32, #tpu.memory_space<hbm>>
    %dma_wait3A_16 = arith.constant 0 : i32
    %dma_wait3A_17 = arith.constant 0 : i32
    %dma_wait3A_18 = tpu.memref_slice %arg6[%dma_wait3A_16, %dma_wait3A_17] : memref<100000x64xf32, #tpu.memory_space<hbm>> -> memref<128x64xf32, #tpu.memory_space<hbm>>
    tpu.wait_dma2 semaphore(%arg17 : memref<!tpu.dma_semaphore, #tpu.memory_space<semaphore_mem>>) src(%dma_wait3A_18 : memref<128x64xf32, #tpu.memory_space<hbm>>) dst(%arg12 : memref<128x64xf32, #tpu.memory_space<vmem>>)
    %iota3A = tpu.iota {dimensions = array<i32: 0>} : vector<16xi32>
    %get3A = arith.constant 192 : index
    %get3A_19 = tpu.vector_load %arg14[%get3A] {strides = array<i32>} : memref<256xf32, #tpu.memory_space<vmem>>, vector<16xf32>,
    %scan3A_20 = arith.constant 0 : i32
    %scan3A_21 = arith.constant 0 : i32
    %scan3A_22 = arith.constant 8 : i32
    %scan3A_23 = arith.addi %scan3A_21, %scan3A_22 : i32
    %scan3A_24 = arith.constant 1 : i32
    scf.for %scan3A_26 = %scan3A_21 to %scan3A_23 step %scan3A_24  : i32 {
      %broadcast_in_dim3A = arith.constant 0.000000e+00 : f32
      %broadcast_in_dim3A_27 = vector.broadcast %broadcast_in_dim3A : f32 to vector<16xf32>
      %mul3A_28 = arith.constant 16 : i32
      %mul3A_29 = arith.muli %scan3A_26, %mul3A_28 : i32
      %add3A_30 = arith.constant 0 : i32
      %add3A_31 = arith.addi %mul3A_29, %add3A_30 : i32
      %get3A_32 = arith.index_cast %add3A_31 : i32 to index
      %get3A_33 = arith.constant 0 : index
      %get3A_34 = tpu.vector_load %arg11[%get3A_32, %get3A_33] {strides = array<i32>} : memref<128x64xf32, #tpu.memory_space<vmem>>, vector<16xf32>,
      %get3A_35 = arith.index_cast %add3A_31 : i32 to index
      %get3A_36 = arith.constant 0 : index
      %get3A_37 = tpu.vector_load %arg12[%get3A_35, %get3A_36] {strides = array<i32>} : memref<128x64xf32, #tpu.memory_space<vmem>>, vector<16xf32>,
      %mul3A_38 = arith.mulf %get3A_34, %get3A_37 : vector<16xf32>
      %get3A_39 = arith.constant 0 : index
      %get3A_40 = tpu.vector_load %arg14[%get3A_39] {strides = array<i32>} : memref<256xf32, #tpu.memory_space<vmem>>, vector<16xf32>,
      %mul3A_41 = arith.mulf %mul3A_38, %get3A_40 : vector<16xf32>
      %add3A_42 = arith.addf %get3A_19, %mul3A_41 : vector<16xf32>
      %get3A_43 = arith.index_cast %add3A_31 : i32 to index
      %get3A_44 = arith.constant 16 : index
      %get3A_45 = tpu.vector_load %arg11[%get3A_43, %get3A_44] {strides = array<i32>} : memref<128x64xf32, #tpu.memory_space<vmem>>, vector<16xf32>,
      %get3A_46 = arith.index_cast %add3A_31 : i32 to index
      %get3A_47 = arith.constant 16 : index
      %get3A_48 = tpu.vector_load %arg12[%get3A_46, %get3A_47] {strides = array<i32>} : memref<128x64xf32, #tpu.memory_space<vmem>>, vector<16xf32>,
      %mul3A_49 = arith.mulf %get3A_45, %get3A_48 : vector<16xf32>
      %get3A_50 = arith.constant 16 : index
      %get3A_51 = tpu.vector_load %arg14[%get3A_50] {strides = array<i32>} : memref<256xf32, #tpu.memory_space<vmem>>, vector<16xf32>,
      %mul3A_52 = arith.mulf %mul3A_49, %get3A_51 : vector<16xf32>
      %add3A_53 = arith.addf %add3A_42, %mul3A_52 : vector<16xf32>
      %get3A_54 = arith.index_cast %add3A_31 : i32 to index
      %get3A_55 = arith.constant 32 : index
      %get3A_56 = tpu.vector_load %arg11[%get3A_54, %get3A_55] {strides = array<i32>} : memref<128x64xf32, #tpu.memory_space<vmem>>, vector<16xf32>,
      %get3A_57 = arith.index_cast %add3A_31 : i32 to index
      %get3A_58 = arith.constant 32 : index
      %get3A_59 = tpu.vector_load %arg12[%get3A_57, %get3A_58] {strides = array<i32>} : memref<128x64xf32, #tpu.memory_space<vmem>>, vector<16xf32>,
      %mul3A_60 = arith.mulf %get3A_56, %get3A_59 : vector<16xf32>
      %get3A_61 = arith.constant 32 : index
      %get3A_62 = tpu.vector_load %arg14[%get3A_61] {strides = array<i32>} : memref<256xf32, #tpu.memory_space<vmem>>, vector<16xf32>,
      %mul3A_63 = arith.mulf %mul3A_60, %get3A_62 : vector<16xf32>
      %add3A_64 = arith.addf %add3A_53, %mul3A_63 : vector<16xf32>
      %get3A_65 = arith.index_cast %add3A_31 : i32 to index
      %get3A_66 = arith.constant 48 : index
      %get3A_67 = tpu.vector_load %arg11[%get3A_65, %get3A_66] {strides = array<i32>} : memref<128x64xf32, #tpu.memory_space<vmem>>, vector<16xf32>,
      %get3A_68 = arith.index_cast %add3A_31 : i32 to index
      %get3A_69 = arith.constant 48 : index
      %get3A_70 = tpu.vector_load %arg12[%get3A_68, %get3A_69] {strides = array<i32>} : memref<128x64xf32, #tpu.memory_space<vmem>>, vector<16xf32>,
      %mul3A_71 = arith.mulf %get3A_67, %get3A_70 : vector<16xf32>
      %get3A_72 = arith.constant 48 : index
      %get3A_73 = tpu.vector_load %arg14[%get3A_72] {strides = array<i32>} : memref<256xf32, #tpu.memory_space<vmem>>, vector<16xf32>,
      %mul3A_74 = arith.mulf %mul3A_71, %get3A_73 : vector<16xf32>
      %add3A_75 = arith.addf %add3A_64, %mul3A_74 : vector<16xf32>
      %get3A_76 = arith.index_cast %add3A_31 : i32 to index
      %get3A_77 = arith.constant 0 : index
      %get3A_78 = tpu.vector_load %arg13[%get3A_76, %get3A_77] {strides = array<i32>} : memref<128x128xf32, #tpu.memory_space<vmem>>, vector<16xf32>,
      %get3A_79 = arith.constant 64 : index
      %get3A_80 = tpu.vector_load %arg14[%get3A_79] {strides = array<i32>} : memref<256xf32, #tpu.memory_space<vmem>>, vector<16xf32>,
      %mul3A_81 = arith.mulf %get3A_78, %get3A_80 : vector<16xf32>
      %add3A_82 = arith.addf %add3A_75, %mul3A_81 : vector<16xf32>
      %get3A_83 = arith.index_cast %add3A_31 : i32 to index
      %get3A_84 = arith.constant 16 : index
      %get3A_85 = tpu.vector_load %arg13[%get3A_83, %get3A_84] {strides = array<i32>} : memref<128x128xf32, #tpu.memory_space<vmem>>, vector<16xf32>,
      %get3A_86 = arith.constant 80 : index
      %get3A_87 = tpu.vector_load %arg14[%get3A_86] {strides = array<i32>} : memref<256xf32, #tpu.memory_space<vmem>>, vector<16xf32>,
      %mul3A_88 = arith.mulf %get3A_85, %get3A_87 : vector<16xf32>
      %add3A_89 = arith.addf %add3A_82, %mul3A_88 : vector<16xf32>
      %get3A_90 = arith.index_cast %add3A_31 : i32 to index
      %get3A_91 = arith.constant 32 : index
      %get3A_92 = tpu.vector_load %arg13[%get3A_90, %get3A_91] {strides = array<i32>} : memref<128x128xf32, #tpu.memory_space<vmem>>, vector<16xf32>,
      %get3A_93 = arith.constant 96 : index
      %get3A_94 = tpu.vector_load %arg14[%get3A_93] {strides = array<i32>} : memref<256xf32, #tpu.memory_space<vmem>>, vector<16xf32>,
      %mul3A_95 = arith.mulf %get3A_92, %get3A_94 : vector<16xf32>
      %add3A_96 = arith.addf %add3A_89, %mul3A_95 : vector<16xf32>
      %get3A_97 = arith.index_cast %add3A_31 : i32 to index
      %get3A_98 = arith.constant 48 : index
      %get3A_99 = tpu.vector_load %arg13[%get3A_97, %get3A_98] {strides = array<i32>} : memref<128x128xf32, #tpu.memory_space<vmem>>, vector<16xf32>,
      %get3A_100 = arith.constant 112 : index
      %get3A_101 = tpu.vector_load %arg14[%get3A_100] {strides = array<i32>} : memref<256xf32, #tpu.memory_space<vmem>>, vector<16xf32>,
      %mul3A_102 = arith.mulf %get3A_99, %get3A_101 : vector<16xf32>
      %add3A_103 = arith.addf %add3A_96, %mul3A_102 : vector<16xf32>
      %get3A_104 = arith.index_cast %add3A_31 : i32 to index
      %get3A_105 = arith.constant 64 : index
      %get3A_106 = tpu.vector_load %arg13[%get3A_104, %get3A_105] {strides = array<i32>} : memref<128x128xf32, #tpu.memory_space<vmem>>, vector<16xf32>,
      %get3A_107 = arith.constant 128 : index
      %get3A_108 = tpu.vector_load %arg14[%get3A_107] {strides = array<i32>} : memref<256xf32, #tpu.memory_space<vmem>>, vector<16xf32>,
      %mul3A_109 = arith.mulf %get3A_106, %get3A_108 : vector<16xf32>
      %add3A_110 = arith.addf %add3A_103, %mul3A_109 : vector<16xf32>
      %get3A_111 = arith.index_cast %add3A_31 : i32 to index
      %get3A_112 = arith.constant 80 : index
      %get3A_113 = tpu.vector_load %arg13[%get3A_111, %get3A_112] {strides = array<i32>} : memref<128x128xf32, #tpu.memory_space<vmem>>, vector<16xf32>,
      %get3A_114 = arith.constant 144 : index
      %get3A_115 = tpu.vector_load %arg14[%get3A_114] {strides = array<i32>} : memref<256xf32, #tpu.memory_space<vmem>>, vector<16xf32>,
      %mul3A_116 = arith.mulf %get3A_113, %get3A_115 : vector<16xf32>
      %add3A_117 = arith.addf %add3A_110, %mul3A_116 : vector<16xf32>
      %get3A_118 = arith.index_cast %add3A_31 : i32 to index
      %get3A_119 = arith.constant 96 : index
      %get3A_120 = tpu.vector_load %arg13[%get3A_118, %get3A_119] {strides = array<i32>} : memref<128x128xf32, #tpu.memory_space<vmem>>, vector<16xf32>,
      %get3A_121 = arith.constant 160 : index
      %get3A_122 = tpu.vector_load %arg14[%get3A_121] {strides = array<i32>} : memref<256xf32, #tpu.memory_space<vmem>>, vector<16xf32>,
      %mul3A_123 = arith.mulf %get3A_120, %get3A_122 : vector<16xf32>
      %add3A_124 = arith.addf %add3A_117, %mul3A_123 : vector<16xf32>
      %get3A_125 = arith.index_cast %add3A_31 : i32 to index
      %get3A_126 = arith.constant 112 : index
      %get3A_127 = tpu.vector_load %arg13[%get3A_125, %get3A_126] {strides = array<i32>} : memref<128x128xf32, #tpu.memory_space<vmem>>, vector<16xf32>,
      %get3A_128 = arith.constant 176 : index
      %get3A_129 = tpu.vector_load %arg14[%get3A_128] {strides = array<i32>} : memref<256xf32, #tpu.memory_space<vmem>>, vector<16xf32>,
      %mul3A_130 = arith.mulf %get3A_127, %get3A_129 : vector<16xf32>
      %add3A_131 = arith.addf %add3A_124, %mul3A_130 : vector<16xf32>
      %eq3A = arith.constant 0 : i32
      %eq3A_132 = vector.broadcast %eq3A : i32 to vector<16xi32>
      %eq3A_133 = arith.cmpi eq, %iota3A, %eq3A_132 : vector<16xi32>
      %reduce_sum3A = arith.constant true
      %reduce_sum3A_134 = vector.broadcast %reduce_sum3A : i1 to vector<16xi1>
      %reduce_sum3A_135 = tpu.scan <sum>, %add3A_131 masked %reduce_sum3A_134 : vector<16xf32>, vector<16xi1> -> vector<16xf32>
      %reduce_sum3A_136 = vector.extract %reduce_sum3A_135[15] : f32 from vector<16xf32>
      %broadcast_in_dim3A_137 = vector.broadcast %reduce_sum3A_136 : f32 to vector<16xf32>
      %select_n3A = arith.select %eq3A_133, %broadcast_in_dim3A_137, %broadcast_in_dim3A_27 : vector<16xi1>, vector<16xf32>
      %mul3A_138 = arith.constant 16 : i32
      %mul3A_139 = arith.muli %scan3A_26, %mul3A_138 : i32
      %add3A_140 = arith.constant 1 : i32
      %add3A_141 = arith.addi %mul3A_139, %add3A_140 : i32
      %get3A_142 = arith.index_cast %add3A_141 : i32 to index
      %get3A_143 = arith.constant 0 : index
      %get3A_144 = tpu.vector_load %arg11[%get3A_142, %get3A_143] {strides = array<i32>} : memref<128x64xf32, #tpu.memory_space<vmem>>, vector<16xf32>,
      %get3A_145 = arith.index_cast %add3A_141 : i32 to index
      %get3A_146 = arith.constant 0 : index
      %get3A_147 = tpu.vector_load %arg12[%get3A_145, %get3A_146] {strides = array<i32>} : memref<128x64xf32, #tpu.memory_space<vmem>>, vector<16xf32>,
      %mul3A_148 = arith.mulf %get3A_144, %get3A_147 : vector<16xf32>
      %get3A_149 = arith.constant 0 : index
      %get3A_150 = tpu.vector_load %arg14[%get3A_149] {strides = array<i32>} : memref<256xf32, #tpu.memory_space<vmem>>, vector<16xf32>,
      %mul3A_151 = arith.mulf %mul3A_148, %get3A_150 : vector<16xf32>
      %add3A_152 = arith.addf %get3A_19, %mul3A_151 : vector<16xf32>
      %get3A_153 = arith.index_cast %add3A_141 : i32 to index
      %get3A_154 = arith.constant 16 : index
      %get3A_155 = tpu.vector_load %arg11[%get3A_153, %get3A_154] {strides = array<i32>} : memref<128x64xf32, #tpu.memory_space<vmem>>, vector<16xf32>,
      %get3A_156 = arith.index_cast %add3A_141 : i32 to index
      %get3A_157 = arith.constant 16 : index
      %get3A_158 = tpu.vector_load %arg12[%get3A_156, %get3A_157] {strides = array<i32>} : memref<128x64xf32, #tpu.memory_space<vmem>>, vector<16xf32>,
      %mul3A_159 = arith.mulf %get3A_155, %get3A_158 : vector<16xf32>
      %get3A_160 = arith.constant 16 : index
      %get3A_161 = tpu.vector_load %arg14[%get3A_160] {strides = array<i32>} : memref<256xf32, #tpu.memory_space<vmem>>, vector<16xf32>,
      %mul3A_162 = arith.mulf %mul3A_159, %get3A_161 : vector<16xf32>
      %add3A_163 = arith.addf %add3A_152, %mul3A_162 : vector<16xf32>
      %get3A_164 = arith.index_cast %add3A_141 : i32 to index
      %get3A_165 = arith.constant 32 : index
      %get3A_166 = tpu.vector_load %arg11[%get3A_164, %get3A_165] {strides = array<i32>} : memref<128x64xf32, #tpu.memory_space<vmem>>, vector<16xf32>,
      %get3A_167 = arith.index_cast %add3A_141 : i32 to index
      %get3A_168 = arith.constant 32 : index
      %get3A_169 = tpu.vector_load %arg12[%get3A_167, %get3A_168] {strides = array<i32>} : memref<128x64xf32, #tpu.memory_space<vmem>>, vector<16xf32>,
      %mul3A_170 = arith.mulf %get3A_166, %get3A_169 : vector<16xf32>
      %get3A_171 = arith.constant 32 : index
      %get3A_172 = tpu.vector_load %arg14[%get3A_171] {strides = array<i32>} : memref<256xf32, #tpu.memory_space<vmem>>, vector<16xf32>,
      %mul3A_173 = arith.mulf %mul3A_170, %get3A_172 : vector<16xf32>
      %add3A_174 = arith.addf %add3A_163, %mul3A_173 : vector<16xf32>
      %get3A_175 = arith.index_cast %add3A_141 : i32 to index
      %get3A_176 = arith.constant 48 : index
      %get3A_177 = tpu.vector_load %arg11[%get3A_175, %get3A_176] {strides = array<i32>} : memref<128x64xf32, #tpu.memory_space<vmem>>, vector<16xf32>,
      %get3A_178 = arith.index_cast %add3A_141 : i32 to index
      %get3A_179 = arith.constant 48 : index
      %get3A_180 = tpu.vector_load %arg12[%get3A_178, %get3A_179] {strides = array<i32>} : memref<128x64xf32, #tpu.memory_space<vmem>>, vector<16xf32>,
      %mul3A_181 = arith.mulf %get3A_177, %get3A_180 : vector<16xf32>
      %get3A_182 = arith.constant 48 : index
      %get3A_183 = tpu.vector_load %arg14[%get3A_182] {strides = array<i32>} : memref<256xf32, #tpu.memory_space<vmem>>, vector<16xf32>,
      %mul3A_184 = arith.mulf %mul3A_181, %get3A_183 : vector<16xf32>
      %add3A_185 = arith.addf %add3A_174, %mul3A_184 : vector<16xf32>
      %get3A_186 = arith.index_cast %add3A_141 : i32 to index
      %get3A_187 = arith.constant 0 : index
      %get3A_188 = tpu.vector_load %arg13[%get3A_186, %get3A_187] {strides = array<i32>} : memref<128x128xf32, #tpu.memory_space<vmem>>, vector<16xf32>,
      %get3A_189 = arith.constant 64 : index
      %get3A_190 = tpu.vector_load %arg14[%get3A_189] {strides = array<i32>} : memref<256xf32, #tpu.memory_space<vmem>>, vector<16xf32>,
      %mul3A_191 = arith.mulf %get3A_188, %get3A_190 : vector<16xf32>
      %add3A_192 = arith.addf %add3A_185, %mul3A_191 : vector<16xf32>
      %get3A_193 = arith.index_cast %add3A_141 : i32 to index
      %get3A_194 = arith.constant 16 : index
      %get3A_195 = tpu.vector_load %arg13[%get3A_193, %get3A_194] {strides = array<i32>} : memref<128x128xf32, #tpu.memory_space<vmem>>, vector<16xf32>,
      %get3A_196 = arith.constant 80 : index
      %get3A_197 = tpu.vector_load %arg14[%get3A_196] {strides = array<i32>} : memref<256xf32, #tpu.memory_space<vmem>>, vector<16xf32>,
      %mul3A_198 = arith.mulf %get3A_195, %get3A_197 : vector<16xf32>
      %add3A_199 = arith.addf %add3A_192, %mul3A_198 : vector<16xf32>
      %get3A_200 = arith.index_cast %add3A_141 : i32 to index
      %get3A_201 = arith.constant 32 : index
      %get3A_202 = tpu.vector_load %arg13[%get3A_200, %get3A_201] {strides = array<i32>} : memref<128x128xf32, #tpu.memory_space<vmem>>, vector<16xf32>,
      %get3A_203 = arith.constant 96 : index
      %get3A_204 = tpu.vector_load %arg14[%get3A_203] {strides = array<i32>} : memref<256xf32, #tpu.memory_space<vmem>>, vector<16xf32>,
      %mul3A_205 = arith.mulf %get3A_202, %get3A_204 : vector<16xf32>
      %add3A_206 = arith.addf %add3A_199, %mul3A_205 : vector<16xf32>
      %get3A_207 = arith.index_cast %add3A_141 : i32 to index
      %get3A_208 = arith.constant 48 : index
      %get3A_209 = tpu.vector_load %arg13[%get3A_207, %get3A_208] {strides = array<i32>} : memref<128x128xf32, #tpu.memory_space<vmem>>, vector<16xf32>,
      %get3A_210 = arith.constant 112 : index
      %get3A_211 = tpu.vector_load %arg14[%get3A_210] {strides = array<i32>} : memref<256xf32, #tpu.memory_space<vmem>>, vector<16xf32>,
      %mul3A_212 = arith.mulf %get3A_209, %get3A_211 : vector<16xf32>
      %add3A_213 = arith.addf %add3A_206, %mul3A_212 : vector<16xf32>
      %get3A_214 = arith.index_cast %add3A_141 : i32 to index
      %get3A_215 = arith.constant 64 : index
      %get3A_216 = tpu.vector_load %arg13[%get3A_214, %get3A_215] {strides = array<i32>} : memref<128x128xf32, #tpu.memory_space<vmem>>, vector<16xf32>,
      %get3A_217 = arith.constant 128 : index
      %get3A_218 = tpu.vector_load %arg14[%get3A_217] {strides = array<i32>} : memref<256xf32, #tpu.memory_space<vmem>>, vector<16xf32>,
      %mul3A_219 = arith.mulf %get3A_216, %get3A_218 : vector<16xf32>
      %add3A_220 = arith.addf %add3A_213, %mul3A_219 : vector<16xf32>
      %get3A_221 = arith.index_cast %add3A_141 : i32 to index
      %get3A_222 = arith.constant 80 : index
      %get3A_223 = tpu.vector_load %arg13[%get3A_221, %get3A_222] {strides = array<i32>} : memref<128x128xf32, #tpu.memory_space<vmem>>, vector<16xf32>,
      %get3A_224 = arith.constant 144 : index
      %get3A_225 = tpu.vector_load %arg14[%get3A_224] {strides = array<i32>} : memref<256xf32, #tpu.memory_space<vmem>>, vector<16xf32>,
      %mul3A_226 = arith.mulf %get3A_223, %get3A_225 : vector<16xf32>
      %add3A_227 = arith.addf %add3A_220, %mul3A_226 : vector<16xf32>
      %get3A_228 = arith.index_cast %add3A_141 : i32 to index
      %get3A_229 = arith.constant 96 : index
      %get3A_230 = tpu.vector_load %arg13[%get3A_228, %get3A_229] {strides = array<i32>} : memref<128x128xf32, #tpu.memory_space<vmem>>, vector<16xf32>,
      %get3A_231 = arith.constant 160 : index
      %get3A_232 = tpu.vector_load %arg14[%get3A_231] {strides = array<i32>} : memref<256xf32, #tpu.memory_space<vmem>>, vector<16xf32>,
      %mul3A_233 = arith.mulf %get3A_230, %get3A_232 : vector<16xf32>
      %add3A_234 = arith.addf %add3A_227, %mul3A_233 : vector<16xf32>
      %get3A_235 = arith.index_cast %add3A_141 : i32 to index
      %get3A_236 = arith.constant 112 : index
      %get3A_237 = tpu.vector_load %arg13[%get3A_235, %get3A_236] {strides = array<i32>} : memref<128x128xf32, #tpu.memory_space<vmem>>, vector<16xf32>,
      %get3A_238 = arith.constant 176 : index
      %get3A_239 = tpu.vector_load %arg14[%get3A_238] {strides = array<i32>} : memref<256xf32, #tpu.memory_space<vmem>>, vector<16xf32>,
      %mul3A_240 = arith.mulf %get3A_237, %get3A_239 : vector<16xf32>
      %add3A_241 = arith.addf %add3A_234, %mul3A_240 : vector<16xf32>
      %eq3A_242 = arith.constant 1 : i32
      %eq3A_243 = vector.broadcast %eq3A_242 : i32 to vector<16xi32>
      %eq3A_244 = arith.cmpi eq, %iota3A, %eq3A_243 : vector<16xi32>
      %reduce_sum3A_245 = arith.constant true
      %reduce_sum3A_246 = vector.broadcast %reduce_sum3A_245 : i1 to vector<16xi1>
      %reduce_sum3A_247 = tpu.scan <sum>, %add3A_241 masked %reduce_sum3A_246 : vector<16xf32>, vector<16xi1> -> vector<16xf32>
      %reduce_sum3A_248 = vector.extract %reduce_sum3A_247[15] : f32 from vector<16xf32>
      %broadcast_in_dim3A_249 = vector.broadcast %reduce_sum3A_248 : f32 to vector<16xf32>
      %select_n3A_250 = arith.select %eq3A_244, %broadcast_in_dim3A_249, %select_n3A : vector<16xi1>, vector<16xf32>
      %mul3A_251 = arith.constant 16 : i32
      %mul3A_252 = arith.muli %scan3A_26, %mul3A_251 : i32
      %add3A_253 = arith.constant 2 : i32
      %add3A_254 = arith.addi %mul3A_252, %add3A_253 : i32
      %get3A_255 = arith.index_cast %add3A_254 : i32 to index
      %get3A_256 = arith.constant 0 : index
      %get3A_257 = tpu.vector_load %arg11[%get3A_255, %get3A_256] {strides = array<i32>} : memref<128x64xf32, #tpu.memory_space<vmem>>, vector<16xf32>,
      %get3A_258 = arith.index_cast %add3A_254 : i32 to index
      %get3A_259 = arith.constant 0 : index
      %get3A_260 = tpu.vector_load %arg12[%get3A_258, %get3A_259] {strides = array<i32>} : memref<128x64xf32, #tpu.memory_space<vmem>>, vector<16xf32>,
      %mul3A_261 = arith.mulf %get3A_257, %get3A_260 : vector<16xf32>
      %get3A_262 = arith.constant 0 : index
      %get3A_263 = tpu.vector_load %arg14[%get3A_262] {strides = array<i32>} : memref<256xf32, #tpu.memory_space<vmem>>, vector<16xf32>,
      %mul3A_264 = arith.mulf %mul3A_261, %get3A_263 : vector<16xf32>
      %add3A_265 = arith.addf %get3A_19, %mul3A_264 : vector<16xf32>
      %get3A_266 = arith.index_cast %add3A_254 : i32 to index
      %get3A_267 = arith.constant 16 : index
      %get3A_268 = tpu.vector_load %arg11[%get3A_266, %get3A_267] {strides = array<i32>} : memref<128x64xf32, #tpu.memory_space<vmem>>, vector<16xf32>,
      %get3A_269 = arith.index_cast %add3A_254 : i32 to index
      %get3A_270 = arith.constant 16 : index
      %get3A_271 = tpu.vector_load %arg12[%get3A_269, %get3A_270] {strides = array<i32>} : memref<128x64xf32, #tpu.memory_space<vmem>>, vector<16xf32>,
      %mul3A_272 = arith.mulf %get3A_268, %get3A_271 : vector<16xf32>
      %get3A_273 = arith.constant 16 : index
      %get3A_274 = tpu.vector_load %arg14[%get3A_273] {strides = array<i32>} : memref<256xf32, #tpu.memory_space<vmem>>, vector<16xf32>,
      %mul3A_275 = arith.mulf %mul3A_272, %get3A_274 : vector<16xf32>
      %add3A_276 = arith.addf %add3A_265, %mul3A_275 : vector<16xf32>
      %get3A_277 = arith.index_cast %add3A_254 : i32 to index
      %get3A_278 = arith.constant 32 : index
      %get3A_279 = tpu.vector_load %arg11[%get3A_277, %get3A_278] {strides = array<i32>} : memref<128x64xf32, #tpu.memory_space<vmem>>, vector<16xf32>,
      %get3A_280 = arith.index_cast %add3A_254 : i32 to index
      %get3A_281 = arith.constant 32 : index
      %get3A_282 = tpu.vector_load %arg12[%get3A_280, %get3A_281] {strides = array<i32>} : memref<128x64xf32, #tpu.memory_space<vmem>>, vector<16xf32>,
      %mul3A_283 = arith.mulf %get3A_279, %get3A_282 : vector<16xf32>
      %get3A_284 = arith.constant 32 : index
      %get3A_285 = tpu.vector_load %arg14[%get3A_284] {strides = array<i32>} : memref<256xf32, #tpu.memory_space<vmem>>, vector<16xf32>,
      %mul3A_286 = arith.mulf %mul3A_283, %get3A_285 : vector<16xf32>
      %add3A_287 = arith.addf %add3A_276, %mul3A_286 : vector<16xf32>
      %get3A_288 = arith.index_cast %add3A_254 : i32 to index
      %get3A_289 = arith.constant 48 : index
      %get3A_290 = tpu.vector_load %arg11[%get3A_288, %get3A_289] {strides = array<i32>} : memref<128x64xf32, #tpu.memory_space<vmem>>, vector<16xf32>,
      %get3A_291 = arith.index_cast %add3A_254 : i32 to index
      %get3A_292 = arith.constant 48 : index
      %get3A_293 = tpu.vector_load %arg12[%get3A_291, %get3A_292] {strides = array<i32>} : memref<128x64xf32, #tpu.memory_space<vmem>>, vector<16xf32>,
      %mul3A_294 = arith.mulf %get3A_290, %get3A_293 : vector<16xf32>
      %get3A_295 = arith.constant 48 : index
      %get3A_296 = tpu.vector_load %arg14[%get3A_295] {strides = array<i32>} : memref<256xf32, #tpu.memory_space<vmem>>, vector<16xf32>,
      %mul3A_297 = arith.mulf %mul3A_294, %get3A_296 : vector<16xf32>
      %add3A_298 = arith.addf %add3A_287, %mul3A_297 : vector<16xf32>
      %get3A_299 = arith.index_cast %add3A_254 : i32 to index
      %get3A_300 = arith.constant 0 : index
      %get3A_301 = tpu.vector_load %arg13[%get3A_299, %get3A_300] {strides = array<i32>} : memref<128x128xf32, #tpu.memory_space<vmem>>, vector<16xf32>,
      %get3A_302 = arith.constant 64 : index
      %get3A_303 = tpu.vector_load %arg14[%get3A_302] {strides = array<i32>} : memref<256xf32, #tpu.memory_space<vmem>>, vector<16xf32>,
      %mul3A_304 = arith.mulf %get3A_301, %get3A_303 : vector<16xf32>
      %add3A_305 = arith.addf %add3A_298, %mul3A_304 : vector<16xf32>
      %get3A_306 = arith.index_cast %add3A_254 : i32 to index
      %get3A_307 = arith.constant 16 : index
      %get3A_308 = tpu.vector_load %arg13[%get3A_306, %get3A_307] {strides = array<i32>} : memref<128x128xf32, #tpu.memory_space<vmem>>, vector<16xf32>,
      %get3A_309 = arith.constant 80 : index
      %get3A_310 = tpu.vector_load %arg14[%get3A_309] {strides = array<i32>} : memref<256xf32, #tpu.memory_space<vmem>>, vector<16xf32>,
      %mul3A_311 = arith.mulf %get3A_308, %get3A_310 : vector<16xf32>
      %add3A_312 = arith.addf %add3A_305, %mul3A_311 : vector<16xf32>
      %get3A_313 = arith.index_cast %add3A_254 : i32 to index
      %get3A_314 = arith.constant 32 : index
      %get3A_315 = tpu.vector_load %arg13[%get3A_313, %get3A_314] {strides = array<i32>} : memref<128x128xf32, #tpu.memory_space<vmem>>, vector<16xf32>,
      %get3A_316 = arith.constant 96 : index
      %get3A_317 = tpu.vector_load %arg14[%get3A_316] {strides = array<i32>} : memref<256xf32, #tpu.memory_space<vmem>>, vector<16xf32>,
      %mul3A_318 = arith.mulf %get3A_315, %get3A_317 : vector<16xf32>
      %add3A_319 = arith.addf %add3A_312, %mul3A_318 : vector<16xf32>
      %get3A_320 = arith.index_cast %add3A_254 : i32 to index
      %get3A_321 = arith.constant 48 : index
      %get3A_322 = tpu.vector_load %arg13[%get3A_320, %get3A_321] {strides = array<i32>} : memref<128x128xf32, #tpu.memory_space<vmem>>, vector<16xf32>,
      %get3A_323 = arith.constant 112 : index
      %get3A_324 = tpu.vector_load %arg14[%get3A_323] {strides = array<i32>} : memref<256xf32, #tpu.memory_space<vmem>>, vector<16xf32>,
      %mul3A_325 = arith.mulf %get3A_322, %get3A_324 : vector<16xf32>
      %add3A_326 = arith.addf %add3A_319, %mul3A_325 : vector<16xf32>
      %get3A_327 = arith.index_cast %add3A_254 : i32 to index
      %get3A_328 = arith.constant 64 : index
      %get3A_329 = tpu.vector_load %arg13[%get3A_327, %get3A_328] {strides = array<i32>} : memref<128x128xf32, #tpu.memory_space<vmem>>, vector<16xf32>,
      %get3A_330 = arith.constant 128 : index
      %get3A_331 = tpu.vector_load %arg14[%get3A_330] {strides = array<i32>} : memref<256xf32, #tpu.memory_space<vmem>>, vector<16xf32>,
      %mul3A_332 = arith.mulf %get3A_329, %get3A_331 : vector<16xf32>
      %add3A_333 = arith.addf %add3A_326, %mul3A_332 : vector<16xf32>
      %get3A_334 = arith.index_cast %add3A_254 : i32 to index
      %get3A_335 = arith.constant 80 : index
      %get3A_336 = tpu.vector_load %arg13[%get3A_334, %get3A_335] {strides = array<i32>} : memref<128x128xf32, #tpu.memory_space<vmem>>, vector<16xf32>,
      %get3A_337 = arith.constant 144 : index
      %get3A_338 = tpu.vector_load %arg14[%get3A_337] {strides = array<i32>} : memref<256xf32, #tpu.memory_space<vmem>>, vector<16xf32>,
      %mul3A_339 = arith.mulf %get3A_336, %get3A_338 : vector<16xf32>
      %add3A_340 = arith.addf %add3A_333, %mul3A_339 : vector<16xf32>
      %get3A_341 = arith.index_cast %add3A_254 : i32 to index
      %get3A_342 = arith.constant 96 : index
      %get3A_343 = tpu.vector_load %arg13[%get3A_341, %get3A_342] {strides = array<i32>} : memref<128x128xf32, #tpu.memory_space<vmem>>, vector<16xf32>,
      %get3A_344 = arith.constant 160 : index
      %get3A_345 = tpu.vector_load %arg14[%get3A_344] {strides = array<i32>} : memref<256xf32, #tpu.memory_space<vmem>>, vector<16xf32>,
      %mul3A_346 = arith.mulf %get3A_343, %get3A_345 : vector<16xf32>
      %add3A_347 = arith.addf %add3A_340, %mul3A_346 : vector<16xf32>
      %get3A_348 = arith.index_cast %add3A_254 : i32 to index
      %get3A_349 = arith.constant 112 : index
      %get3A_350 = tpu.vector_load %arg13[%get3A_348, %get3A_349] {strides = array<i32>} : memref<128x128xf32, #tpu.memory_space<vmem>>, vector<16xf32>,
      %get3A_351 = arith.constant 176 : index
      %get3A_352 = tpu.vector_load %arg14[%get3A_351] {strides = array<i32>} : memref<256xf32, #tpu.memory_space<vmem>>, vector<16xf32>,
      %mul3A_353 = arith.mulf %get3A_350, %get3A_352 : vector<16xf32>
      %add3A_354 = arith.addf %add3A_347, %mul3A_353 : vector<16xf32>
      %eq3A_355 = arith.constant 2 : i32
      %eq3A_356 = vector.broadcast %eq3A_355 : i32 to vector<16xi32>
      %eq3A_357 = arith.cmpi eq, %iota3A, %eq3A_356 : vector<16xi32>
      %reduce_sum3A_358 = arith.constant true
      %reduce_sum3A_359 = vector.broadcast %reduce_sum3A_358 : i1 to vector<16xi1>
      %reduce_sum3A_360 = tpu.scan <sum>, %add3A_354 masked %reduce_sum3A_359 : vector<16xf32>, vector<16xi1> -> vector<16xf32>
      %reduce_sum3A_361 = vector.extract %reduce_sum3A_360[15] : f32 from vector<16xf32>
      %broadcast_in_dim3A_362 = vector.broadcast %reduce_sum3A_361 : f32 to vector<16xf32>
      %select_n3A_363 = arith.select %eq3A_357, %broadcast_in_dim3A_362, %select_n3A_250 : vector<16xi1>, vector<16xf32>
      %mul3A_364 = arith.constant 16 : i32
      %mul3A_365 = arith.muli %scan3A_26, %mul3A_364 : i32
      %add3A_366 = arith.constant 3 : i32
      %add3A_367 = arith.addi %mul3A_365, %add3A_366 : i32
      %get3A_368 = arith.index_cast %add3A_367 : i32 to index
      %get3A_369 = arith.constant 0 : index
      %get3A_370 = tpu.vector_load %arg11[%get3A_368, %get3A_369] {strides = array<i32>} : memref<128x64xf32, #tpu.memory_space<vmem>>, vector<16xf32>,
      %get3A_371 = arith.index_cast %add3A_367 : i32 to index
      %get3A_372 = arith.constant 0 : index
      %get3A_373 = tpu.vector_load %arg12[%get3A_371, %get3A_372] {strides = array<i32>} : memref<128x64xf32, #tpu.memory_space<vmem>>, vector<16xf32>,
      %mul3A_374 = arith.mulf %get3A_370, %get3A_373 : vector<16xf32>
      %get3A_375 = arith.constant 0 : index
      %get3A_376 = tpu.vector_load %arg14[%get3A_375] {strides = array<i32>} : memref<256xf32, #tpu.memory_space<vmem>>, vector<16xf32>,
      %mul3A_377 = arith.mulf %mul3A_374, %get3A_376 : vector<16xf32>
      %add3A_378 = arith.addf %get3A_19, %mul3A_377 : vector<16xf32>
      %get3A_379 = arith.index_cast %add3A_367 : i32 to index
      %get3A_380 = arith.constant 16 : index
      %get3A_381 = tpu.vector_load %arg11[%get3A_379, %get3A_380] {strides = array<i32>} : memref<128x64xf32, #tpu.memory_space<vmem>>, vector<16xf32>,
      %get3A_382 = arith.index_cast %add3A_367 : i32 to index
      %get3A_383 = arith.constant 16 : index
      %get3A_384 = tpu.vector_load %arg12[%get3A_382, %get3A_383] {strides = array<i32>} : memref<128x64xf32, #tpu.memory_space<vmem>>, vector<16xf32>,
      %mul3A_385 = arith.mulf %get3A_381, %get3A_384 : vector<16xf32>
      %get3A_386 = arith.constant 16 : index
      %get3A_387 = tpu.vector_load %arg14[%get3A_386] {strides = array<i32>} : memref<256xf32, #tpu.memory_space<vmem>>, vector<16xf32>,
      %mul3A_388 = arith.mulf %mul3A_385, %get3A_387 : vector<16xf32>
      %add3A_389 = arith.addf %add3A_378, %mul3A_388 : vector<16xf32>
      %get3A_390 = arith.index_cast %add3A_367 : i32 to index
      %get3A_391 = arith.constant 32 : index
      %get3A_392 = tpu.vector_load %arg11[%get3A_390, %get3A_391] {strides = array<i32>} : memref<128x64xf32, #tpu.memory_space<vmem>>, vector<16xf32>,
      %get3A_393 = arith.index_cast %add3A_367 : i32 to index
      %get3A_394 = arith.constant 32 : index
      %get3A_395 = tpu.vector_load %arg12[%get3A_393, %get3A_394] {strides = array<i32>} : memref<128x64xf32, #tpu.memory_space<vmem>>, vector<16xf32>,
      %mul3A_396 = arith.mulf %get3A_392, %get3A_395 : vector<16xf32>
      %get3A_397 = arith.constant 32 : index
      %get3A_398 = tpu.vector_load %arg14[%get3A_397] {strides = array<i32>} : memref<256xf32, #tpu.memory_space<vmem>>, vector<16xf32>,
      %mul3A_399 = arith.mulf %mul3A_396, %get3A_398 : vector<16xf32>
      %add3A_400 = arith.addf %add3A_389, %mul3A_399 : vector<16xf32>
      %get3A_401 = arith.index_cast %add3A_367 : i32 to index
      %get3A_402 = arith.constant 48 : index
      %get3A_403 = tpu.vector_load %arg11[%get3A_401, %get3A_402] {strides = array<i32>} : memref<128x64xf32, #tpu.memory_space<vmem>>, vector<16xf32>,
      %get3A_404 = arith.index_cast %add3A_367 : i32 to index
      %get3A_405 = arith.constant 48 : index
      %get3A_406 = tpu.vector_load %arg12[%get3A_404, %get3A_405] {strides = array<i32>} : memref<128x64xf32, #tpu.memory_space<vmem>>, vector<16xf32>,
      %mul3A_407 = arith.mulf %get3A_403, %get3A_406 : vector<16xf32>
      %get3A_408 = arith.constant 48 : index
      %get3A_409 = tpu.vector_load %arg14[%get3A_408] {strides = array<i32>} : memref<256xf32, #tpu.memory_space<vmem>>, vector<16xf32>,
      %mul3A_410 = arith.mulf %mul3A_407, %get3A_409 : vector<16xf32>
      %add3A_411 = arith.addf %add3A_400, %mul3A_410 : vector<16xf32>
      %get3A_412 = arith.index_cast %add3A_367 : i32 to index
      %get3A_413 = arith.constant 0 : index
      %get3A_414 = tpu.vector_load %arg13[%get3A_412, %get3A_413] {strides = array<i32>} : memref<128x128xf32, #tpu.memory_space<vmem>>, vector<16xf32>,
      %get3A_415 = arith.constant 64 : index
      %get3A_416 = tpu.vector_load %arg14[%get3A_415] {strides = array<i32>} : memref<256xf32, #tpu.memory_space<vmem>>, vector<16xf32>,
      %mul3A_417 = arith.mulf %get3A_414, %get3A_416 : vector<16xf32>
      %add3A_418 = arith.addf %add3A_411, %mul3A_417 : vector<16xf32>
      %get3A_419 = arith.index_cast %add3A_367 : i32 to index
      %get3A_420 = arith.constant 16 : index
      %get3A_421 = tpu.vector_load %arg13[%get3A_419, %get3A_420] {strides = array<i32>} : memref<128x128xf32, #tpu.memory_space<vmem>>, vector<16xf32>,
      %get3A_422 = arith.constant 80 : index
      %get3A_423 = tpu.vector_load %arg14[%get3A_422] {strides = array<i32>} : memref<256xf32, #tpu.memory_space<vmem>>, vector<16xf32>,
      %mul3A_424 = arith.mulf %get3A_421, %get3A_423 : vector<16xf32>
      %add3A_425 = arith.addf %add3A_418, %mul3A_424 : vector<16xf32>
      %get3A_426 = arith.index_cast %add3A_367 : i32 to index
      %get3A_427 = arith.constant 32 : index
      %get3A_428 = tpu.vector_load %arg13[%get3A_426, %get3A_427] {strides = array<i32>} : memref<128x128xf32, #tpu.memory_space<vmem>>, vector<16xf32>,
      %get3A_429 = arith.constant 96 : index
      %get3A_430 = tpu.vector_load %arg14[%get3A_429] {strides = array<i32>} : memref<256xf32, #tpu.memory_space<vmem>>, vector<16xf32>,
      %mul3A_431 = arith.mulf %get3A_428, %get3A_430 : vector<16xf32>
      %add3A_432 = arith.addf %add3A_425, %mul3A_431 : vector<16xf32>
      %get3A_433 = arith.index_cast %add3A_367 : i32 to index
      %get3A_434 = arith.constant 48 : index
      %get3A_435 = tpu.vector_load %arg13[%get3A_433, %get3A_434] {strides = array<i32>} : memref<128x128xf32, #tpu.memory_space<vmem>>, vector<16xf32>,
      %get3A_436 = arith.constant 112 : index
      %get3A_437 = tpu.vector_load %arg14[%get3A_436] {strides = array<i32>} : memref<256xf32, #tpu.memory_space<vmem>>, vector<16xf32>,
      %mul3A_438 = arith.mulf %get3A_435, %get3A_437 : vector<16xf32>
      %add3A_439 = arith.addf %add3A_432, %mul3A_438 : vector<16xf32>
      %get3A_440 = arith.index_cast %add3A_367 : i32 to index
      %get3A_441 = arith.constant 64 : index
      %get3A_442 = tpu.vector_load %arg13[%get3A_440, %get3A_441] {strides = array<i32>} : memref<128x128xf32, #tpu.memory_space<vmem>>, vector<16xf32>,
      %get3A_443 = arith.constant 128 : index
      %get3A_444 = tpu.vector_load %arg14[%get3A_443] {strides = array<i32>} : memref<256xf32, #tpu.memory_space<vmem>>, vector<16xf32>,
      %mul3A_445 = arith.mulf %get3A_442, %get3A_444 : vector<16xf32>
      %add3A_446 = arith.addf %add3A_439, %mul3A_445 : vector<16xf32>
      %get3A_447 = arith.index_cast %add3A_367 : i32 to index
      %get3A_448 = arith.constant 80 : index
      %get3A_449 = tpu.vector_load %arg13[%get3A_447, %get3A_448] {strides = array<i32>} : memref<128x128xf32, #tpu.memory_space<vmem>>, vector<16xf32>,
      %get3A_450 = arith.constant 144 : index
      %get3A_451 = tpu.vector_load %arg14[%get3A_450] {strides = array<i32>} : memref<256xf32, #tpu.memory_space<vmem>>, vector<16xf32>,
      %mul3A_452 = arith.mulf %get3A_449, %get3A_451 : vector<16xf32>
      %add3A_453 = arith.addf %add3A_446, %mul3A_452 : vector<16xf32>
      %get3A_454 = arith.index_cast %add3A_367 : i32 to index
      %get3A_455 = arith.constant 96 : index
      %get3A_456 = tpu.vector_load %arg13[%get3A_454, %get3A_455] {strides = array<i32>} : memref<128x128xf32, #tpu.memory_space<vmem>>, vector<16xf32>,
      %get3A_457 = arith.constant 160 : index
      %get3A_458 = tpu.vector_load %arg14[%get3A_457] {strides = array<i32>} : memref<256xf32, #tpu.memory_space<vmem>>, vector<16xf32>,
      %mul3A_459 = arith.mulf %get3A_456, %get3A_458 : vector<16xf32>
      %add3A_460 = arith.addf %add3A_453, %mul3A_459 : vector<16xf32>
      %get3A_461 = arith.index_cast %add3A_367 : i32 to index
      %get3A_462 = arith.constant 112 : index
      %get3A_463 = tpu.vector_load %arg13[%get3A_461, %get3A_462] {strides = array<i32>} : memref<128x128xf32, #tpu.memory_space<vmem>>, vector<16xf32>,
      %get3A_464 = arith.constant 176 : index
      %get3A_465 = tpu.vector_load %arg14[%get3A_464] {strides = array<i32>} : memref<256xf32, #tpu.memory_space<vmem>>, vector<16xf32>,
      %mul3A_466 = arith.mulf %get3A_463, %get3A_465 : vector<16xf32>
      %add3A_467 = arith.addf %add3A_460, %mul3A_466 : vector<16xf32>
      %eq3A_468 = arith.constant 3 : i32
      %eq3A_469 = vector.broadcast %eq3A_468 : i32 to vector<16xi32>
      %eq3A_470 = arith.cmpi eq, %iota3A, %eq3A_469 : vector<16xi32>
      %reduce_sum3A_471 = arith.constant true
      %reduce_sum3A_472 = vector.broadcast %reduce_sum3A_471 : i1 to vector<16xi1>
      %reduce_sum3A_473 = tpu.scan <sum>, %add3A_467 masked %reduce_sum3A_472 : vector<16xf32>, vector<16xi1> -> vector<16xf32>
      %reduce_sum3A_474 = vector.extract %reduce_sum3A_473[15] : f32 from vector<16xf32>
      %broadcast_in_dim3A_475 = vector.broadcast %reduce_sum3A_474 : f32 to vector<16xf32>
      %select_n3A_476 = arith.select %eq3A_470, %broadcast_in_dim3A_475, %select_n3A_363 : vector<16xi1>, vector<16xf32>
      %mul3A_477 = arith.constant 16 : i32
      %mul3A_478 = arith.muli %scan3A_26, %mul3A_477 : i32
      %add3A_479 = arith.constant 4 : i32
      %add3A_480 = arith.addi %mul3A_478, %add3A_479 : i32
      %get3A_481 = arith.index_cast %add3A_480 : i32 to index
      %get3A_482 = arith.constant 0 : index
      %get3A_483 = tpu.vector_load %arg11[%get3A_481, %get3A_482] {strides = array<i32>} : memref<128x64xf32, #tpu.memory_space<vmem>>, vector<16xf32>,
      %get3A_484 = arith.index_cast %add3A_480 : i32 to index
      %get3A_485 = arith.constant 0 : index
      %get3A_486 = tpu.vector_load %arg12[%get3A_484, %get3A_485] {strides = array<i32>} : memref<128x64xf32, #tpu.memory_space<vmem>>, vector<16xf32>,
      %mul3A_487 = arith.mulf %get3A_483, %get3A_486 : vector<16xf32>
      %get3A_488 = arith.constant 0 : index
      %get3A_489 = tpu.vector_load %arg14[%get3A_488] {strides = array<i32>} : memref<256xf32, #tpu.memory_space<vmem>>, vector<16xf32>,
      %mul3A_490 = arith.mulf %mul3A_487, %get3A_489 : vector<16xf32>
      %add3A_491 = arith.addf %get3A_19, %mul3A_490 : vector<16xf32>
      %get3A_492 = arith.index_cast %add3A_480 : i32 to index
      %get3A_493 = arith.constant 16 : index
      %get3A_494 = tpu.vector_load %arg11[%get3A_492, %get3A_493] {strides = array<i32>} : memref<128x64xf32, #tpu.memory_space<vmem>>, vector<16xf32>,
      %get3A_495 = arith.index_cast %add3A_480 : i32 to index
      %get3A_496 = arith.constant 16 : index
      %get3A_497 = tpu.vector_load %arg12[%get3A_495, %get3A_496] {strides = array<i32>} : memref<128x64xf32, #tpu.memory_space<vmem>>, vector<16xf32>,
      %mul3A_498 = arith.mulf %get3A_494, %get3A_497 : vector<16xf32>
      %get3A_499 = arith.constant 16 : index
      %get3A_500 = tpu.vector_load %arg14[%get3A_499] {strides = array<i32>} : memref<256xf32, #tpu.memory_space<vmem>>, vector<16xf32>,
      %mul3A_501 = arith.mulf %mul3A_498, %get3A_500 : vector<16xf32>
      %add3A_502 = arith.addf %add3A_491, %mul3A_501 : vector<16xf32>
      %get3A_503 = arith.index_cast %add3A_480 : i32 to index
      %get3A_504 = arith.constant 32 : index
      %get3A_505 = tpu.vector_load %arg11[%get3A_503, %get3A_504] {strides = array<i32>} : memref<128x64xf32, #tpu.memory_space<vmem>>, vector<16xf32>,
      %get3A_506 = arith.index_cast %add3A_480 : i32 to index
      %get3A_507 = arith.constant 32 : index
      %get3A_508 = tpu.vector_load %arg12[%get3A_506, %get3A_507] {strides = array<i32>} : memref<128x64xf32, #tpu.memory_space<vmem>>, vector<16xf32>,
      %mul3A_509 = arith.mulf %get3A_505, %get3A_508 : vector<16xf32>
      %get3A_510 = arith.constant 32 : index
      %get3A_511 = tpu.vector_load %arg14[%get3A_510] {strides = array<i32>} : memref<256xf32, #tpu.memory_space<vmem>>, vector<16xf32>,
      %mul3A_512 = arith.mulf %mul3A_509, %get3A_511 : vector<16xf32>
      %add3A_513 = arith.addf %add3A_502, %mul3A_512 : vector<16xf32>
      %get3A_514 = arith.index_cast %add3A_480 : i32 to index
      %get3A_515 = arith.constant 48 : index
      %get3A_516 = tpu.vector_load %arg11[%get3A_514, %get3A_515] {strides = array<i32>} : memref<128x64xf32, #tpu.memory_space<vmem>>, vector<16xf32>,
      %get3A_517 = arith.index_cast %add3A_480 : i32 to index
      %get3A_518 = arith.constant 48 : index
      %get3A_519 = tpu.vector_load %arg12[%get3A_517, %get3A_518] {strides = array<i32>} : memref<128x64xf32, #tpu.memory_space<vmem>>, vector<16xf32>,
      %mul3A_520 = arith.mulf %get3A_516, %get3A_519 : vector<16xf32>
      %get3A_521 = arith.constant 48 : index
      %get3A_522 = tpu.vector_load %arg14[%get3A_521] {strides = array<i32>} : memref<256xf32, #tpu.memory_space<vmem>>, vector<16xf32>,
      %mul3A_523 = arith.mulf %mul3A_520, %get3A_522 : vector<16xf32>
      %add3A_524 = arith.addf %add3A_513, %mul3A_523 : vector<16xf32>
      %get3A_525 = arith.index_cast %add3A_480 : i32 to index
      %get3A_526 = arith.constant 0 : index
      %get3A_527 = tpu.vector_load %arg13[%get3A_525, %get3A_526] {strides = array<i32>} : memref<128x128xf32, #tpu.memory_space<vmem>>, vector<16xf32>,
      %get3A_528 = arith.constant 64 : index
      %get3A_529 = tpu.vector_load %arg14[%get3A_528] {strides = array<i32>} : memref<256xf32, #tpu.memory_space<vmem>>, vector<16xf32>,
      %mul3A_530 = arith.mulf %get3A_527, %get3A_529 : vector<16xf32>
      %add3A_531 = arith.addf %add3A_524, %mul3A_530 : vector<16xf32>
      %get3A_532 = arith.index_cast %add3A_480 : i32 to index
      %get3A_533 = arith.constant 16 : index
      %get3A_534 = tpu.vector_load %arg13[%get3A_532, %get3A_533] {strides = array<i32>} : memref<128x128xf32, #tpu.memory_space<vmem>>, vector<16xf32>,
      %get3A_535 = arith.constant 80 : index
      %get3A_536 = tpu.vector_load %arg14[%get3A_535] {strides = array<i32>} : memref<256xf32, #tpu.memory_space<vmem>>, vector<16xf32>,
      %mul3A_537 = arith.mulf %get3A_534, %get3A_536 : vector<16xf32>
      %add3A_538 = arith.addf %add3A_531, %mul3A_537 : vector<16xf32>
      %get3A_539 = arith.index_cast %add3A_480 : i32 to index
      %get3A_540 = arith.constant 32 : index
      %get3A_541 = tpu.vector_load %arg13[%get3A_539, %get3A_540] {strides = array<i32>} : memref<128x128xf32, #tpu.memory_space<vmem>>, vector<16xf32>,
      %get3A_542 = arith.constant 96 : index
      %get3A_543 = tpu.vector_load %arg14[%get3A_542] {strides = array<i32>} : memref<256xf32, #tpu.memory_space<vmem>>, vector<16xf32>,
      %mul3A_544 = arith.mulf %get3A_541, %get3A_543 : vector<16xf32>
      %add3A_545 = arith.addf %add3A_538, %mul3A_544 : vector<16xf32>
      %get3A_546 = arith.index_cast %add3A_480 : i32 to index
      %get3A_547 = arith.constant 48 : index
      %get3A_548 = tpu.vector_load %arg13[%get3A_546, %get3A_547] {strides = array<i32>} : memref<128x128xf32, #tpu.memory_space<vmem>>, vector<16xf32>,
      %get3A_549 = arith.constant 112 : index
      %get3A_550 = tpu.vector_load %arg14[%get3A_549] {strides = array<i32>} : memref<256xf32, #tpu.memory_space<vmem>>, vector<16xf32>,
      %mul3A_551 = arith.mulf %get3A_548, %get3A_550 : vector<16xf32>
      %add3A_552 = arith.addf %add3A_545, %mul3A_551 : vector<16xf32>
      %get3A_553 = arith.index_cast %add3A_480 : i32 to index
      %get3A_554 = arith.constant 64 : index
      %get3A_555 = tpu.vector_load %arg13[%get3A_553, %get3A_554] {strides = array<i32>} : memref<128x128xf32, #tpu.memory_space<vmem>>, vector<16xf32>,
      %get3A_556 = arith.constant 128 : index
      %get3A_557 = tpu.vector_load %arg14[%get3A_556] {strides = array<i32>} : memref<256xf32, #tpu.memory_space<vmem>>, vector<16xf32>,
      %mul3A_558 = arith.mulf %get3A_555, %get3A_557 : vector<16xf32>
      %add3A_559 = arith.addf %add3A_552, %mul3A_558 : vector<16xf32>
      %get3A_560 = arith.index_cast %add3A_480 : i32 to index
      %get3A_561 = arith.constant 80 : index
      %get3A_562 = tpu.vector_load %arg13[%get3A_560, %get3A_561] {strides = array<i32>} : memref<128x128xf32, #tpu.memory_space<vmem>>, vector<16xf32>,
      %get3A_563 = arith.constant 144 : index
      %get3A_564 = tpu.vector_load %arg14[%get3A_563] {strides = array<i32>} : memref<256xf32, #tpu.memory_space<vmem>>, vector<16xf32>,
      %mul3A_565 = arith.mulf %get3A_562, %get3A_564 : vector<16xf32>
      %add3A_566 = arith.addf %add3A_559, %mul3A_565 : vector<16xf32>
      %get3A_567 = arith.index_cast %add3A_480 : i32 to index
      %get3A_568 = arith.constant 96 : index
      %get3A_569 = tpu.vector_load %arg13[%get3A_567, %get3A_568] {strides = array<i32>} : memref<128x128xf32, #tpu.memory_space<vmem>>, vector<16xf32>,
      %get3A_570 = arith.constant 160 : index
      %get3A_571 = tpu.vector_load %arg14[%get3A_570] {strides = array<i32>} : memref<256xf32, #tpu.memory_space<vmem>>, vector<16xf32>,
      %mul3A_572 = arith.mulf %get3A_569, %get3A_571 : vector<16xf32>
      %add3A_573 = arith.addf %add3A_566, %mul3A_572 : vector<16xf32>
      %get3A_574 = arith.index_cast %add3A_480 : i32 to index
      %get3A_575 = arith.constant 112 : index
      %get3A_576 = tpu.vector_load %arg13[%get3A_574, %get3A_575] {strides = array<i32>} : memref<128x128xf32, #tpu.memory_space<vmem>>, vector<16xf32>,
      %get3A_577 = arith.constant 176 : index
      %get3A_578 = tpu.vector_load %arg14[%get3A_577] {strides = array<i32>} : memref<256xf32, #tpu.memory_space<vmem>>, vector<16xf32>,
      %mul3A_579 = arith.mulf %get3A_576, %get3A_578 : vector<16xf32>
      %add3A_580 = arith.addf %add3A_573, %mul3A_579 : vector<16xf32>
      %eq3A_581 = arith.constant 4 : i32
      %eq3A_582 = vector.broadcast %eq3A_581 : i32 to vector<16xi32>
      %eq3A_583 = arith.cmpi eq, %iota3A, %eq3A_582 : vector<16xi32>
      %reduce_sum3A_584 = arith.constant true
      %reduce_sum3A_585 = vector.broadcast %reduce_sum3A_584 : i1 to vector<16xi1>
      %reduce_sum3A_586 = tpu.scan <sum>, %add3A_580 masked %reduce_sum3A_585 : vector<16xf32>, vector<16xi1> -> vector<16xf32>
      %reduce_sum3A_587 = vector.extract %reduce_sum3A_586[15] : f32 from vector<16xf32>
      %broadcast_in_dim3A_588 = vector.broadcast %reduce_sum3A_587 : f32 to vector<16xf32>
      %select_n3A_589 = arith.select %eq3A_583, %broadcast_in_dim3A_588, %select_n3A_476 : vector<16xi1>, vector<16xf32>
      %mul3A_590 = arith.constant 16 : i32
      %mul3A_591 = arith.muli %scan3A_26, %mul3A_590 : i32
      %add3A_592 = arith.constant 5 : i32
      %add3A_593 = arith.addi %mul3A_591, %add3A_592 : i32
      %get3A_594 = arith.index_cast %add3A_593 : i32 to index
      %get3A_595 = arith.constant 0 : index
      %get3A_596 = tpu.vector_load %arg11[%get3A_594, %get3A_595] {strides = array<i32>} : memref<128x64xf32, #tpu.memory_space<vmem>>, vector<16xf32>,
      %get3A_597 = arith.index_cast %add3A_593 : i32 to index
      %get3A_598 = arith.constant 0 : index
      %get3A_599 = tpu.vector_load %arg12[%get3A_597, %get3A_598] {strides = array<i32>} : memref<128x64xf32, #tpu.memory_space<vmem>>, vector<16xf32>,
      %mul3A_600 = arith.mulf %get3A_596, %get3A_599 : vector<16xf32>
      %get3A_601 = arith.constant 0 : index
      %get3A_602 = tpu.vector_load %arg14[%get3A_601] {strides = array<i32>} : memref<256xf32, #tpu.memory_space<vmem>>, vector<16xf32>,
      %mul3A_603 = arith.mulf %mul3A_600, %get3A_602 : vector<16xf32>
      %add3A_604 = arith.addf %get3A_19, %mul3A_603 : vector<16xf32>
      %get3A_605 = arith.index_cast %add3A_593 : i32 to index
      %get3A_606 = arith.constant 16 : index
      %get3A_607 = tpu.vector_load %arg11[%get3A_605, %get3A_606] {strides = array<i32>} : memref<128x64xf32, #tpu.memory_space<vmem>>, vector<16xf32>,
      %get3A_608 = arith.index_cast %add3A_593 : i32 to index
      %get3A_609 = arith.constant 16 : index
      %get3A_610 = tpu.vector_load %arg12[%get3A_608, %get3A_609] {strides = array<i32>} : memref<128x64xf32, #tpu.memory_space<vmem>>, vector<16xf32>,
      %mul3A_611 = arith.mulf %get3A_607, %get3A_610 : vector<16xf32>
      %get3A_612 = arith.constant 16 : index
      %get3A_613 = tpu.vector_load %arg14[%get3A_612] {strides = array<i32>} : memref<256xf32, #tpu.memory_space<vmem>>, vector<16xf32>,
      %mul3A_614 = arith.mulf %mul3A_611, %get3A_613 : vector<16xf32>
      %add3A_615 = arith.addf %add3A_604, %mul3A_614 : vector<16xf32>
      %get3A_616 = arith.index_cast %add3A_593 : i32 to index
      %get3A_617 = arith.constant 32 : index
      %get3A_618 = tpu.vector_load %arg11[%get3A_616, %get3A_617] {strides = array<i32>} : memref<128x64xf32, #tpu.memory_space<vmem>>, vector<16xf32>,
      %get3A_619 = arith.index_cast %add3A_593 : i32 to index
      %get3A_620 = arith.constant 32 : index
      %get3A_621 = tpu.vector_load %arg12[%get3A_619, %get3A_620] {strides = array<i32>} : memref<128x64xf32, #tpu.memory_space<vmem>>, vector<16xf32>,
      %mul3A_622 = arith.mulf %get3A_618, %get3A_621 : vector<16xf32>
      %get3A_623 = arith.constant 32 : index
      %get3A_624 = tpu.vector_load %arg14[%get3A_623] {strides = array<i32>} : memref<256xf32, #tpu.memory_space<vmem>>, vector<16xf32>,
      %mul3A_625 = arith.mulf %mul3A_622, %get3A_624 : vector<16xf32>
      %add3A_626 = arith.addf %add3A_615, %mul3A_625 : vector<16xf32>
      %get3A_627 = arith.index_cast %add3A_593 : i32 to index
      %get3A_628 = arith.constant 48 : index
      %get3A_629 = tpu.vector_load %arg11[%get3A_627, %get3A_628] {strides = array<i32>} : memref<128x64xf32, #tpu.memory_space<vmem>>, vector<16xf32>,
      %get3A_630 = arith.index_cast %add3A_593 : i32 to index
      %get3A_631 = arith.constant 48 : index
      %get3A_632 = tpu.vector_load %arg12[%get3A_630, %get3A_631] {strides = array<i32>} : memref<128x64xf32, #tpu.memory_space<vmem>>, vector<16xf32>,
      %mul3A_633 = arith.mulf %get3A_629, %get3A_632 : vector<16xf32>
      %get3A_634 = arith.constant 48 : index
      %get3A_635 = tpu.vector_load %arg14[%get3A_634] {strides = array<i32>} : memref<256xf32, #tpu.memory_space<vmem>>, vector<16xf32>,
      %mul3A_636 = arith.mulf %mul3A_633, %get3A_635 : vector<16xf32>
      %add3A_637 = arith.addf %add3A_626, %mul3A_636 : vector<16xf32>
      %get3A_638 = arith.index_cast %add3A_593 : i32 to index
      %get3A_639 = arith.constant 0 : index
      %get3A_640 = tpu.vector_load %arg13[%get3A_638, %get3A_639] {strides = array<i32>} : memref<128x128xf32, #tpu.memory_space<vmem>>, vector<16xf32>,
      %get3A_641 = arith.constant 64 : index
      %get3A_642 = tpu.vector_load %arg14[%get3A_641] {strides = array<i32>} : memref<256xf32, #tpu.memory_space<vmem>>, vector<16xf32>,
      %mul3A_643 = arith.mulf %get3A_640, %get3A_642 : vector<16xf32>
      %add3A_644 = arith.addf %add3A_637, %mul3A_643 : vector<16xf32>
      %get3A_645 = arith.index_cast %add3A_593 : i32 to index
      %get3A_646 = arith.constant 16 : index
      %get3A_647 = tpu.vector_load %arg13[%get3A_645, %get3A_646] {strides = array<i32>} : memref<128x128xf32, #tpu.memory_space<vmem>>, vector<16xf32>,
      %get3A_648 = arith.constant 80 : index
      %get3A_649 = tpu.vector_load %arg14[%get3A_648] {strides = array<i32>} : memref<256xf32, #tpu.memory_space<vmem>>, vector<16xf32>,
      %mul3A_650 = arith.mulf %get3A_647, %get3A_649 : vector<16xf32>
      %add3A_651 = arith.addf %add3A_644, %mul3A_650 : vector<16xf32>
      %get3A_652 = arith.index_cast %add3A_593 : i32 to index
      %get3A_653 = arith.constant 32 : index
      %get3A_654 = tpu.vector_load %arg13[%get3A_652, %get3A_653] {strides = array<i32>} : memref<128x128xf32, #tpu.memory_space<vmem>>, vector<16xf32>,
      %get3A_655 = arith.constant 96 : index
      %get3A_656 = tpu.vector_load %arg14[%get3A_655] {strides = array<i32>} : memref<256xf32, #tpu.memory_space<vmem>>, vector<16xf32>,
      %mul3A_657 = arith.mulf %get3A_654, %get3A_656 : vector<16xf32>
      %add3A_658 = arith.addf %add3A_651, %mul3A_657 : vector<16xf32>
      %get3A_659 = arith.index_cast %add3A_593 : i32 to index
      %get3A_660 = arith.constant 48 : index
      %get3A_661 = tpu.vector_load %arg13[%get3A_659, %get3A_660] {strides = array<i32>} : memref<128x128xf32, #tpu.memory_space<vmem>>, vector<16xf32>,
      %get3A_662 = arith.constant 112 : index
      %get3A_663 = tpu.vector_load %arg14[%get3A_662] {strides = array<i32>} : memref<256xf32, #tpu.memory_space<vmem>>, vector<16xf32>,
      %mul3A_664 = arith.mulf %get3A_661, %get3A_663 : vector<16xf32>
      %add3A_665 = arith.addf %add3A_658, %mul3A_664 : vector<16xf32>
      %get3A_666 = arith.index_cast %add3A_593 : i32 to index
      %get3A_667 = arith.constant 64 : index
      %get3A_668 = tpu.vector_load %arg13[%get3A_666, %get3A_667] {strides = array<i32>} : memref<128x128xf32, #tpu.memory_space<vmem>>, vector<16xf32>,
      %get3A_669 = arith.constant 128 : index
      %get3A_670 = tpu.vector_load %arg14[%get3A_669] {strides = array<i32>} : memref<256xf32, #tpu.memory_space<vmem>>, vector<16xf32>,
      %mul3A_671 = arith.mulf %get3A_668, %get3A_670 : vector<16xf32>
      %add3A_672 = arith.addf %add3A_665, %mul3A_671 : vector<16xf32>
      %get3A_673 = arith.index_cast %add3A_593 : i32 to index
      %get3A_674 = arith.constant 80 : index
      %get3A_675 = tpu.vector_load %arg13[%get3A_673, %get3A_674] {strides = array<i32>} : memref<128x128xf32, #tpu.memory_space<vmem>>, vector<16xf32>,
      %get3A_676 = arith.constant 144 : index
      %get3A_677 = tpu.vector_load %arg14[%get3A_676] {strides = array<i32>} : memref<256xf32, #tpu.memory_space<vmem>>, vector<16xf32>,
      %mul3A_678 = arith.mulf %get3A_675, %get3A_677 : vector<16xf32>
      %add3A_679 = arith.addf %add3A_672, %mul3A_678 : vector<16xf32>
      %get3A_680 = arith.index_cast %add3A_593 : i32 to index
      %get3A_681 = arith.constant 96 : index
      %get3A_682 = tpu.vector_load %arg13[%get3A_680, %get3A_681] {strides = array<i32>} : memref<128x128xf32, #tpu.memory_space<vmem>>, vector<16xf32>,
      %get3A_683 = arith.constant 160 : index
      %get3A_684 = tpu.vector_load %arg14[%get3A_683] {strides = array<i32>} : memref<256xf32, #tpu.memory_space<vmem>>, vector<16xf32>,
      %mul3A_685 = arith.mulf %get3A_682, %get3A_684 : vector<16xf32>
      %add3A_686 = arith.addf %add3A_679, %mul3A_685 : vector<16xf32>
      %get3A_687 = arith.index_cast %add3A_593 : i32 to index
      %get3A_688 = arith.constant 112 : index
      %get3A_689 = tpu.vector_load %arg13[%get3A_687, %get3A_688] {strides = array<i32>} : memref<128x128xf32, #tpu.memory_space<vmem>>, vector<16xf32>,
      %get3A_690 = arith.constant 176 : index
      %get3A_691 = tpu.vector_load %arg14[%get3A_690] {strides = array<i32>} : memref<256xf32, #tpu.memory_space<vmem>>, vector<16xf32>,
      %mul3A_692 = arith.mulf %get3A_689, %get3A_691 : vector<16xf32>
      %add3A_693 = arith.addf %add3A_686, %mul3A_692 : vector<16xf32>
      %eq3A_694 = arith.constant 5 : i32
      %eq3A_695 = vector.broadcast %eq3A_694 : i32 to vector<16xi32>
      %eq3A_696 = arith.cmpi eq, %iota3A, %eq3A_695 : vector<16xi32>
      %reduce_sum3A_697 = arith.constant true
      %reduce_sum3A_698 = vector.broadcast %reduce_sum3A_697 : i1 to vector<16xi1>
      %reduce_sum3A_699 = tpu.scan <sum>, %add3A_693 masked %reduce_sum3A_698 : vector<16xf32>, vector<16xi1> -> vector<16xf32>
      %reduce_sum3A_700 = vector.extract %reduce_sum3A_699[15] : f32 from vector<16xf32>
      %broadcast_in_dim3A_701 = vector.broadcast %reduce_sum3A_700 : f32 to vector<16xf32>
      %select_n3A_702 = arith.select %eq3A_696, %broadcast_in_dim3A_701, %select_n3A_589 : vector<16xi1>, vector<16xf32>
      %mul3A_703 = arith.constant 16 : i32
      %mul3A_704 = arith.muli %scan3A_26, %mul3A_703 : i32
      %add3A_705 = arith.constant 6 : i32
      %add3A_706 = arith.addi %mul3A_704, %add3A_705 : i32
      %get3A_707 = arith.index_cast %add3A_706 : i32 to index
      %get3A_708 = arith.constant 0 : index
      %get3A_709 = tpu.vector_load %arg11[%get3A_707, %get3A_708] {strides = array<i32>} : memref<128x64xf32, #tpu.memory_space<vmem>>, vector<16xf32>,
      %get3A_710 = arith.index_cast %add3A_706 : i32 to index
      %get3A_711 = arith.constant 0 : index
      %get3A_712 = tpu.vector_load %arg12[%get3A_710, %get3A_711] {strides = array<i32>} : memref<128x64xf32, #tpu.memory_space<vmem>>, vector<16xf32>,
      %mul3A_713 = arith.mulf %get3A_709, %get3A_712 : vector<16xf32>
      %get3A_714 = arith.constant 0 : index
      %get3A_715 = tpu.vector_load %arg14[%get3A_714] {strides = array<i32>} : memref<256xf32, #tpu.memory_space<vmem>>, vector<16xf32>,
      %mul3A_716 = arith.mulf %mul3A_713, %get3A_715 : vector<16xf32>
      %add3A_717 = arith.addf %get3A_19, %mul3A_716 : vector<16xf32>
      %get3A_718 = arith.index_cast %add3A_706 : i32 to index
      %get3A_719 = arith.constant 16 : index
      %get3A_720 = tpu.vector_load %arg11[%get3A_718, %get3A_719] {strides = array<i32>} : memref<128x64xf32, #tpu.memory_space<vmem>>, vector<16xf32>,
      %get3A_721 = arith.index_cast %add3A_706 : i32 to index
      %get3A_722 = arith.constant 16 : index
      %get3A_723 = tpu.vector_load %arg12[%get3A_721, %get3A_722] {strides = array<i32>} : memref<128x64xf32, #tpu.memory_space<vmem>>, vector<16xf32>,
      %mul3A_724 = arith.mulf %get3A_720, %get3A_723 : vector<16xf32>
      %get3A_725 = arith.constant 16 : index
      %get3A_726 = tpu.vector_load %arg14[%get3A_725] {strides = array<i32>} : memref<256xf32, #tpu.memory_space<vmem>>, vector<16xf32>,
      %mul3A_727 = arith.mulf %mul3A_724, %get3A_726 : vector<16xf32>
      %add3A_728 = arith.addf %add3A_717, %mul3A_727 : vector<16xf32>
      %get3A_729 = arith.index_cast %add3A_706 : i32 to index
      %get3A_730 = arith.constant 32 : index
      %get3A_731 = tpu.vector_load %arg11[%get3A_729, %get3A_730] {strides = array<i32>} : memref<128x64xf32, #tpu.memory_space<vmem>>, vector<16xf32>,
      %get3A_732 = arith.index_cast %add3A_706 : i32 to index
      %get3A_733 = arith.constant 32 : index
      %get3A_734 = tpu.vector_load %arg12[%get3A_732, %get3A_733] {strides = array<i32>} : memref<128x64xf32, #tpu.memory_space<vmem>>, vector<16xf32>,
      %mul3A_735 = arith.mulf %get3A_731, %get3A_734 : vector<16xf32>
      %get3A_736 = arith.constant 32 : index
      %get3A_737 = tpu.vector_load %arg14[%get3A_736] {strides = array<i32>} : memref<256xf32, #tpu.memory_space<vmem>>, vector<16xf32>,
      %mul3A_738 = arith.mulf %mul3A_735, %get3A_737 : vector<16xf32>
      %add3A_739 = arith.addf %add3A_728, %mul3A_738 : vector<16xf32>
      %get3A_740 = arith.index_cast %add3A_706 : i32 to index
      %get3A_741 = arith.constant 48 : index
      %get3A_742 = tpu.vector_load %arg11[%get3A_740, %get3A_741] {strides = array<i32>} : memref<128x64xf32, #tpu.memory_space<vmem>>, vector<16xf32>,
      %get3A_743 = arith.index_cast %add3A_706 : i32 to index
      %get3A_744 = arith.constant 48 : index
      %get3A_745 = tpu.vector_load %arg12[%get3A_743, %get3A_744] {strides = array<i32>} : memref<128x64xf32, #tpu.memory_space<vmem>>, vector<16xf32>,
      %mul3A_746 = arith.mulf %get3A_742, %get3A_745 : vector<16xf32>
      %get3A_747 = arith.constant 48 : index
      %get3A_748 = tpu.vector_load %arg14[%get3A_747] {strides = array<i32>} : memref<256xf32, #tpu.memory_space<vmem>>, vector<16xf32>,
      %mul3A_749 = arith.mulf %mul3A_746, %get3A_748 : vector<16xf32>
      %add3A_750 = arith.addf %add3A_739, %mul3A_749 : vector<16xf32>
      %get3A_751 = arith.index_cast %add3A_706 : i32 to index
      %get3A_752 = arith.constant 0 : index
      %get3A_753 = tpu.vector_load %arg13[%get3A_751, %get3A_752] {strides = array<i32>} : memref<128x128xf32, #tpu.memory_space<vmem>>, vector<16xf32>,
      %get3A_754 = arith.constant 64 : index
      %get3A_755 = tpu.vector_load %arg14[%get3A_754] {strides = array<i32>} : memref<256xf32, #tpu.memory_space<vmem>>, vector<16xf32>,
      %mul3A_756 = arith.mulf %get3A_753, %get3A_755 : vector<16xf32>
      %add3A_757 = arith.addf %add3A_750, %mul3A_756 : vector<16xf32>
      %get3A_758 = arith.index_cast %add3A_706 : i32 to index
      %get3A_759 = arith.constant 16 : index
      %get3A_760 = tpu.vector_load %arg13[%get3A_758, %get3A_759] {strides = array<i32>} : memref<128x128xf32, #tpu.memory_space<vmem>>, vector<16xf32>,
      %get3A_761 = arith.constant 80 : index
      %get3A_762 = tpu.vector_load %arg14[%get3A_761] {strides = array<i32>} : memref<256xf32, #tpu.memory_space<vmem>>, vector<16xf32>,
      %mul3A_763 = arith.mulf %get3A_760, %get3A_762 : vector<16xf32>
      %add3A_764 = arith.addf %add3A_757, %mul3A_763 : vector<16xf32>
      %get3A_765 = arith.index_cast %add3A_706 : i32 to index
      %get3A_766 = arith.constant 32 : index
      %get3A_767 = tpu.vector_load %arg13[%get3A_765, %get3A_766] {strides = array<i32>} : memref<128x128xf32, #tpu.memory_space<vmem>>, vector<16xf32>,
      %get3A_768 = arith.constant 96 : index
      %get3A_769 = tpu.vector_load %arg14[%get3A_768] {strides = array<i32>} : memref<256xf32, #tpu.memory_space<vmem>>, vector<16xf32>,
      %mul3A_770 = arith.mulf %get3A_767, %get3A_769 : vector<16xf32>
      %add3A_771 = arith.addf %add3A_764, %mul3A_770 : vector<16xf32>
      %get3A_772 = arith.index_cast %add3A_706 : i32 to index
      %get3A_773 = arith.constant 48 : index
      %get3A_774 = tpu.vector_load %arg13[%get3A_772, %get3A_773] {strides = array<i32>} : memref<128x128xf32, #tpu.memory_space<vmem>>, vector<16xf32>,
      %get3A_775 = arith.constant 112 : index
      %get3A_776 = tpu.vector_load %arg14[%get3A_775] {strides = array<i32>} : memref<256xf32, #tpu.memory_space<vmem>>, vector<16xf32>,
      %mul3A_777 = arith.mulf %get3A_774, %get3A_776 : vector<16xf32>
      %add3A_778 = arith.addf %add3A_771, %mul3A_777 : vector<16xf32>
      %get3A_779 = arith.index_cast %add3A_706 : i32 to index
      %get3A_780 = arith.constant 64 : index
      %get3A_781 = tpu.vector_load %arg13[%get3A_779, %get3A_780] {strides = array<i32>} : memref<128x128xf32, #tpu.memory_space<vmem>>, vector<16xf32>,
      %get3A_782 = arith.constant 128 : index
      %get3A_783 = tpu.vector_load %arg14[%get3A_782] {strides = array<i32>} : memref<256xf32, #tpu.memory_space<vmem>>, vector<16xf32>,
      %mul3A_784 = arith.mulf %get3A_781, %get3A_783 : vector<16xf32>
      %add3A_785 = arith.addf %add3A_778, %mul3A_784 : vector<16xf32>
      %get3A_786 = arith.index_cast %add3A_706 : i32 to index
      %get3A_787 = arith.constant 80 : index
      %get3A_788 = tpu.vector_load %arg13[%get3A_786, %get3A_787] {strides = array<i32>} : memref<128x128xf32, #tpu.memory_space<vmem>>, vector<16xf32>,
      %get3A_789 = arith.constant 144 : index
      %get3A_790 = tpu.vector_load %arg14[%get3A_789] {strides = array<i32>} : memref<256xf32, #tpu.memory_space<vmem>>, vector<16xf32>,
      %mul3A_791 = arith.mulf %get3A_788, %get3A_790 : vector<16xf32>
      %add3A_792 = arith.addf %add3A_785, %mul3A_791 : vector<16xf32>
      %get3A_793 = arith.index_cast %add3A_706 : i32 to index
      %get3A_794 = arith.constant 96 : index
      %get3A_795 = tpu.vector_load %arg13[%get3A_793, %get3A_794] {strides = array<i32>} : memref<128x128xf32, #tpu.memory_space<vmem>>, vector<16xf32>,
      %get3A_796 = arith.constant 160 : index
      %get3A_797 = tpu.vector_load %arg14[%get3A_796] {strides = array<i32>} : memref<256xf32, #tpu.memory_space<vmem>>, vector<16xf32>,
      %mul3A_798 = arith.mulf %get3A_795, %get3A_797 : vector<16xf32>
      %add3A_799 = arith.addf %add3A_792, %mul3A_798 : vector<16xf32>
      %get3A_800 = arith.index_cast %add3A_706 : i32 to index
      %get3A_801 = arith.constant 112 : index
      %get3A_802 = tpu.vector_load %arg13[%get3A_800, %get3A_801] {strides = array<i32>} : memref<128x128xf32, #tpu.memory_space<vmem>>, vector<16xf32>,
      %get3A_803 = arith.constant 176 : index
      %get3A_804 = tpu.vector_load %arg14[%get3A_803] {strides = array<i32>} : memref<256xf32, #tpu.memory_space<vmem>>, vector<16xf32>,
      %mul3A_805 = arith.mulf %get3A_802, %get3A_804 : vector<16xf32>
      %add3A_806 = arith.addf %add3A_799, %mul3A_805 : vector<16xf32>
      %eq3A_807 = arith.constant 6 : i32
      %eq3A_808 = vector.broadcast %eq3A_807 : i32 to vector<16xi32>
      %eq3A_809 = arith.cmpi eq, %iota3A, %eq3A_808 : vector<16xi32>
      %reduce_sum3A_810 = arith.constant true
      %reduce_sum3A_811 = vector.broadcast %reduce_sum3A_810 : i1 to vector<16xi1>
      %reduce_sum3A_812 = tpu.scan <sum>, %add3A_806 masked %reduce_sum3A_811 : vector<16xf32>, vector<16xi1> -> vector<16xf32>
      %reduce_sum3A_813 = vector.extract %reduce_sum3A_812[15] : f32 from vector<16xf32>
      %broadcast_in_dim3A_814 = vector.broadcast %reduce_sum3A_813 : f32 to vector<16xf32>
      %select_n3A_815 = arith.select %eq3A_809, %broadcast_in_dim3A_814, %select_n3A_702 : vector<16xi1>, vector<16xf32>
      %mul3A_816 = arith.constant 16 : i32
      %mul3A_817 = arith.muli %scan3A_26, %mul3A_816 : i32
      %add3A_818 = arith.constant 7 : i32
      %add3A_819 = arith.addi %mul3A_817, %add3A_818 : i32
      %get3A_820 = arith.index_cast %add3A_819 : i32 to index
      %get3A_821 = arith.constant 0 : index
      %get3A_822 = tpu.vector_load %arg11[%get3A_820, %get3A_821] {strides = array<i32>} : memref<128x64xf32, #tpu.memory_space<vmem>>, vector<16xf32>,
      %get3A_823 = arith.index_cast %add3A_819 : i32 to index
      %get3A_824 = arith.constant 0 : index
      %get3A_825 = tpu.vector_load %arg12[%get3A_823, %get3A_824] {strides = array<i32>} : memref<128x64xf32, #tpu.memory_space<vmem>>, vector<16xf32>,
      %mul3A_826 = arith.mulf %get3A_822, %get3A_825 : vector<16xf32>
      %get3A_827 = arith.constant 0 : index
      %get3A_828 = tpu.vector_load %arg14[%get3A_827] {strides = array<i32>} : memref<256xf32, #tpu.memory_space<vmem>>, vector<16xf32>,
      %mul3A_829 = arith.mulf %mul3A_826, %get3A_828 : vector<16xf32>
      %add3A_830 = arith.addf %get3A_19, %mul3A_829 : vector<16xf32>
      %get3A_831 = arith.index_cast %add3A_819 : i32 to index
      %get3A_832 = arith.constant 16 : index
      %get3A_833 = tpu.vector_load %arg11[%get3A_831, %get3A_832] {strides = array<i32>} : memref<128x64xf32, #tpu.memory_space<vmem>>, vector<16xf32>,
      %get3A_834 = arith.index_cast %add3A_819 : i32 to index
      %get3A_835 = arith.constant 16 : index
      %get3A_836 = tpu.vector_load %arg12[%get3A_834, %get3A_835] {strides = array<i32>} : memref<128x64xf32, #tpu.memory_space<vmem>>, vector<16xf32>,
      %mul3A_837 = arith.mulf %get3A_833, %get3A_836 : vector<16xf32>
      %get3A_838 = arith.constant 16 : index
      %get3A_839 = tpu.vector_load %arg14[%get3A_838] {strides = array<i32>} : memref<256xf32, #tpu.memory_space<vmem>>, vector<16xf32>,
      %mul3A_840 = arith.mulf %mul3A_837, %get3A_839 : vector<16xf32>
      %add3A_841 = arith.addf %add3A_830, %mul3A_840 : vector<16xf32>
      %get3A_842 = arith.index_cast %add3A_819 : i32 to index
      %get3A_843 = arith.constant 32 : index
      %get3A_844 = tpu.vector_load %arg11[%get3A_842, %get3A_843] {strides = array<i32>} : memref<128x64xf32, #tpu.memory_space<vmem>>, vector<16xf32>,
      %get3A_845 = arith.index_cast %add3A_819 : i32 to index
      %get3A_846 = arith.constant 32 : index
      %get3A_847 = tpu.vector_load %arg12[%get3A_845, %get3A_846] {strides = array<i32>} : memref<128x64xf32, #tpu.memory_space<vmem>>, vector<16xf32>,
      %mul3A_848 = arith.mulf %get3A_844, %get3A_847 : vector<16xf32>
      %get3A_849 = arith.constant 32 : index
      %get3A_850 = tpu.vector_load %arg14[%get3A_849] {strides = array<i32>} : memref<256xf32, #tpu.memory_space<vmem>>, vector<16xf32>,
      %mul3A_851 = arith.mulf %mul3A_848, %get3A_850 : vector<16xf32>
      %add3A_852 = arith.addf %add3A_841, %mul3A_851 : vector<16xf32>
      %get3A_853 = arith.index_cast %add3A_819 : i32 to index
      %get3A_854 = arith.constant 48 : index
      %get3A_855 = tpu.vector_load %arg11[%get3A_853, %get3A_854] {strides = array<i32>} : memref<128x64xf32, #tpu.memory_space<vmem>>, vector<16xf32>,
      %get3A_856 = arith.index_cast %add3A_819 : i32 to index
      %get3A_857 = arith.constant 48 : index
      %get3A_858 = tpu.vector_load %arg12[%get3A_856, %get3A_857] {strides = array<i32>} : memref<128x64xf32, #tpu.memory_space<vmem>>, vector<16xf32>,
      %mul3A_859 = arith.mulf %get3A_855, %get3A_858 : vector<16xf32>
      %get3A_860 = arith.constant 48 : index
      %get3A_861 = tpu.vector_load %arg14[%get3A_860] {strides = array<i32>} : memref<256xf32, #tpu.memory_space<vmem>>, vector<16xf32>,
      %mul3A_862 = arith.mulf %mul3A_859, %get3A_861 : vector<16xf32>
      %add3A_863 = arith.addf %add3A_852, %mul3A_862 : vector<16xf32>
      %get3A_864 = arith.index_cast %add3A_819 : i32 to index
      %get3A_865 = arith.constant 0 : index
      %get3A_866 = tpu.vector_load %arg13[%get3A_864, %get3A_865] {strides = array<i32>} : memref<128x128xf32, #tpu.memory_space<vmem>>, vector<16xf32>,
      %get3A_867 = arith.constant 64 : index
      %get3A_868 = tpu.vector_load %arg14[%get3A_867] {strides = array<i32>} : memref<256xf32, #tpu.memory_space<vmem>>, vector<16xf32>,
      %mul3A_869 = arith.mulf %get3A_866, %get3A_868 : vector<16xf32>
      %add3A_870 = arith.addf %add3A_863, %mul3A_869 : vector<16xf32>
      %get3A_871 = arith.index_cast %add3A_819 : i32 to index
      %get3A_872 = arith.constant 16 : index
      %get3A_873 = tpu.vector_load %arg13[%get3A_871, %get3A_872] {strides = array<i32>} : memref<128x128xf32, #tpu.memory_space<vmem>>, vector<16xf32>,
      %get3A_874 = arith.constant 80 : index
      %get3A_875 = tpu.vector_load %arg14[%get3A_874] {strides = array<i32>} : memref<256xf32, #tpu.memory_space<vmem>>, vector<16xf32>,
      %mul3A_876 = arith.mulf %get3A_873, %get3A_875 : vector<16xf32>
      %add3A_877 = arith.addf %add3A_870, %mul3A_876 : vector<16xf32>
      %get3A_878 = arith.index_cast %add3A_819 : i32 to index
      %get3A_879 = arith.constant 32 : index
      %get3A_880 = tpu.vector_load %arg13[%get3A_878, %get3A_879] {strides = array<i32>} : memref<128x128xf32, #tpu.memory_space<vmem>>, vector<16xf32>,
      %get3A_881 = arith.constant 96 : index
      %get3A_882 = tpu.vector_load %arg14[%get3A_881] {strides = array<i32>} : memref<256xf32, #tpu.memory_space<vmem>>, vector<16xf32>,
      %mul3A_883 = arith.mulf %get3A_880, %get3A_882 : vector<16xf32>
      %add3A_884 = arith.addf %add3A_877, %mul3A_883 : vector<16xf32>
      %get3A_885 = arith.index_cast %add3A_819 : i32 to index
      %get3A_886 = arith.constant 48 : index
      %get3A_887 = tpu.vector_load %arg13[%get3A_885, %get3A_886] {strides = array<i32>} : memref<128x128xf32, #tpu.memory_space<vmem>>, vector<16xf32>,
      %get3A_888 = arith.constant 112 : index
      %get3A_889 = tpu.vector_load %arg14[%get3A_888] {strides = array<i32>} : memref<256xf32, #tpu.memory_space<vmem>>, vector<16xf32>,
      %mul3A_890 = arith.mulf %get3A_887, %get3A_889 : vector<16xf32>
      %add3A_891 = arith.addf %add3A_884, %mul3A_890 : vector<16xf32>
      %get3A_892 = arith.index_cast %add3A_819 : i32 to index
      %get3A_893 = arith.constant 64 : index
      %get3A_894 = tpu.vector_load %arg13[%get3A_892, %get3A_893] {strides = array<i32>} : memref<128x128xf32, #tpu.memory_space<vmem>>, vector<16xf32>,
      %get3A_895 = arith.constant 128 : index
      %get3A_896 = tpu.vector_load %arg14[%get3A_895] {strides = array<i32>} : memref<256xf32, #tpu.memory_space<vmem>>, vector<16xf32>,
      %mul3A_897 = arith.mulf %get3A_894, %get3A_896 : vector<16xf32>
      %add3A_898 = arith.addf %add3A_891, %mul3A_897 : vector<16xf32>
      %get3A_899 = arith.index_cast %add3A_819 : i32 to index
      %get3A_900 = arith.constant 80 : index
      %get3A_901 = tpu.vector_load %arg13[%get3A_899, %get3A_900] {strides = array<i32>} : memref<128x128xf32, #tpu.memory_space<vmem>>, vector<16xf32>,
      %get3A_902 = arith.constant 144 : index
      %get3A_903 = tpu.vector_load %arg14[%get3A_902] {strides = array<i32>} : memref<256xf32, #tpu.memory_space<vmem>>, vector<16xf32>,
      %mul3A_904 = arith.mulf %get3A_901, %get3A_903 : vector<16xf32>
      %add3A_905 = arith.addf %add3A_898, %mul3A_904 : vector<16xf32>
      %get3A_906 = arith.index_cast %add3A_819 : i32 to index
      %get3A_907 = arith.constant 96 : index
      %get3A_908 = tpu.vector_load %arg13[%get3A_906, %get3A_907] {strides = array<i32>} : memref<128x128xf32, #tpu.memory_space<vmem>>, vector<16xf32>,
      %get3A_909 = arith.constant 160 : index
      %get3A_910 = tpu.vector_load %arg14[%get3A_909] {strides = array<i32>} : memref<256xf32, #tpu.memory_space<vmem>>, vector<16xf32>,
      %mul3A_911 = arith.mulf %get3A_908, %get3A_910 : vector<16xf32>
      %add3A_912 = arith.addf %add3A_905, %mul3A_911 : vector<16xf32>
      %get3A_913 = arith.index_cast %add3A_819 : i32 to index
      %get3A_914 = arith.constant 112 : index
      %get3A_915 = tpu.vector_load %arg13[%get3A_913, %get3A_914] {strides = array<i32>} : memref<128x128xf32, #tpu.memory_space<vmem>>, vector<16xf32>,
      %get3A_916 = arith.constant 176 : index
      %get3A_917 = tpu.vector_load %arg14[%get3A_916] {strides = array<i32>} : memref<256xf32, #tpu.memory_space<vmem>>, vector<16xf32>,
      %mul3A_918 = arith.mulf %get3A_915, %get3A_917 : vector<16xf32>
      %add3A_919 = arith.addf %add3A_912, %mul3A_918 : vector<16xf32>
      %eq3A_920 = arith.constant 7 : i32
      %eq3A_921 = vector.broadcast %eq3A_920 : i32 to vector<16xi32>
      %eq3A_922 = arith.cmpi eq, %iota3A, %eq3A_921 : vector<16xi32>
      %reduce_sum3A_923 = arith.constant true
      %reduce_sum3A_924 = vector.broadcast %reduce_sum3A_923 : i1 to vector<16xi1>
      %reduce_sum3A_925 = tpu.scan <sum>, %add3A_919 masked %reduce_sum3A_924 : vector<16xf32>, vector<16xi1> -> vector<16xf32>
      %reduce_sum3A_926 = vector.extract %reduce_sum3A_925[15] : f32 from vector<16xf32>
      %broadcast_in_dim3A_927 = vector.broadcast %reduce_sum3A_926 : f32 to vector<16xf32>
      %select_n3A_928 = arith.select %eq3A_922, %broadcast_in_dim3A_927, %select_n3A_815 : vector<16xi1>, vector<16xf32>
      %mul3A_929 = arith.constant 16 : i32
      %mul3A_930 = arith.muli %scan3A_26, %mul3A_929 : i32
      %add3A_931 = arith.constant 8 : i32
      %add3A_932 = arith.addi %mul3A_930, %add3A_931 : i32
      %get3A_933 = arith.index_cast %add3A_932 : i32 to index
      %get3A_934 = arith.constant 0 : index
      %get3A_935 = tpu.vector_load %arg11[%get3A_933, %get3A_934] {strides = array<i32>} : memref<128x64xf32, #tpu.memory_space<vmem>>, vector<16xf32>,
      %get3A_936 = arith.index_cast %add3A_932 : i32 to index
      %get3A_937 = arith.constant 0 : index
      %get3A_938 = tpu.vector_load %arg12[%get3A_936, %get3A_937] {strides = array<i32>} : memref<128x64xf32, #tpu.memory_space<vmem>>, vector<16xf32>,
      %mul3A_939 = arith.mulf %get3A_935, %get3A_938 : vector<16xf32>
      %get3A_940 = arith.constant 0 : index
      %get3A_941 = tpu.vector_load %arg14[%get3A_940] {strides = array<i32>} : memref<256xf32, #tpu.memory_space<vmem>>, vector<16xf32>,
      %mul3A_942 = arith.mulf %mul3A_939, %get3A_941 : vector<16xf32>
      %add3A_943 = arith.addf %get3A_19, %mul3A_942 : vector<16xf32>
      %get3A_944 = arith.index_cast %add3A_932 : i32 to index
      %get3A_945 = arith.constant 16 : index
      %get3A_946 = tpu.vector_load %arg11[%get3A_944, %get3A_945] {strides = array<i32>} : memref<128x64xf32, #tpu.memory_space<vmem>>, vector<16xf32>,
      %get3A_947 = arith.index_cast %add3A_932 : i32 to index
      %get3A_948 = arith.constant 16 : index
      %get3A_949 = tpu.vector_load %arg12[%get3A_947, %get3A_948] {strides = array<i32>} : memref<128x64xf32, #tpu.memory_space<vmem>>, vector<16xf32>,
      %mul3A_950 = arith.mulf %get3A_946, %get3A_949 : vector<16xf32>
      %get3A_951 = arith.constant 16 : index
      %get3A_952 = tpu.vector_load %arg14[%get3A_951] {strides = array<i32>} : memref<256xf32, #tpu.memory_space<vmem>>, vector<16xf32>,
      %mul3A_953 = arith.mulf %mul3A_950, %get3A_952 : vector<16xf32>
      %add3A_954 = arith.addf %add3A_943, %mul3A_953 : vector<16xf32>
      %get3A_955 = arith.index_cast %add3A_932 : i32 to index
      %get3A_956 = arith.constant 32 : index
      %get3A_957 = tpu.vector_load %arg11[%get3A_955, %get3A_956] {strides = array<i32>} : memref<128x64xf32, #tpu.memory_space<vmem>>, vector<16xf32>,
      %get3A_958 = arith.index_cast %add3A_932 : i32 to index
      %get3A_959 = arith.constant 32 : index
      %get3A_960 = tpu.vector_load %arg12[%get3A_958, %get3A_959] {strides = array<i32>} : memref<128x64xf32, #tpu.memory_space<vmem>>, vector<16xf32>,
      %mul3A_961 = arith.mulf %get3A_957, %get3A_960 : vector<16xf32>
      %get3A_962 = arith.constant 32 : index
      %get3A_963 = tpu.vector_load %arg14[%get3A_962] {strides = array<i32>} : memref<256xf32, #tpu.memory_space<vmem>>, vector<16xf32>,
      %mul3A_964 = arith.mulf %mul3A_961, %get3A_963 : vector<16xf32>
      %add3A_965 = arith.addf %add3A_954, %mul3A_964 : vector<16xf32>
      %get3A_966 = arith.index_cast %add3A_932 : i32 to index
      %get3A_967 = arith.constant 48 : index
      %get3A_968 = tpu.vector_load %arg11[%get3A_966, %get3A_967] {strides = array<i32>} : memref<128x64xf32, #tpu.memory_space<vmem>>, vector<16xf32>,
      %get3A_969 = arith.index_cast %add3A_932 : i32 to index
      %get3A_970 = arith.constant 48 : index
      %get3A_971 = tpu.vector_load %arg12[%get3A_969, %get3A_970] {strides = array<i32>} : memref<128x64xf32, #tpu.memory_space<vmem>>, vector<16xf32>,
      %mul3A_972 = arith.mulf %get3A_968, %get3A_971 : vector<16xf32>
      %get3A_973 = arith.constant 48 : index
      %get3A_974 = tpu.vector_load %arg14[%get3A_973] {strides = array<i32>} : memref<256xf32, #tpu.memory_space<vmem>>, vector<16xf32>,
      %mul3A_975 = arith.mulf %mul3A_972, %get3A_974 : vector<16xf32>
      %add3A_976 = arith.addf %add3A_965, %mul3A_975 : vector<16xf32>
      %get3A_977 = arith.index_cast %add3A_932 : i32 to index
      %get3A_978 = arith.constant 0 : index
      %get3A_979 = tpu.vector_load %arg13[%get3A_977, %get3A_978] {strides = array<i32>} : memref<128x128xf32, #tpu.memory_space<vmem>>, vector<16xf32>,
      %get3A_980 = arith.constant 64 : index
      %get3A_981 = tpu.vector_load %arg14[%get3A_980] {strides = array<i32>} : memref<256xf32, #tpu.memory_space<vmem>>, vector<16xf32>,
      %mul3A_982 = arith.mulf %get3A_979, %get3A_981 : vector<16xf32>
      %add3A_983 = arith.addf %add3A_976, %mul3A_982 : vector<16xf32>
      %get3A_984 = arith.index_cast %add3A_932 : i32 to index
      %get3A_985 = arith.constant 16 : index
      %get3A_986 = tpu.vector_load %arg13[%get3A_984, %get3A_985] {strides = array<i32>} : memref<128x128xf32, #tpu.memory_space<vmem>>, vector<16xf32>,
      %get3A_987 = arith.constant 80 : index
      %get3A_988 = tpu.vector_load %arg14[%get3A_987] {strides = array<i32>} : memref<256xf32, #tpu.memory_space<vmem>>, vector<16xf32>,
      %mul3A_989 = arith.mulf %get3A_986, %get3A_988 : vector<16xf32>
      %add3A_990 = arith.addf %add3A_983, %mul3A_989 : vector<16xf32>
      %get3A_991 = arith.index_cast %add3A_932 : i32 to index
      %get3A_992 = arith.constant 32 : index
      %get3A_993 = tpu.vector_load %arg13[%get3A_991, %get3A_992] {strides = array<i32>} : memref<128x128xf32, #tpu.memory_space<vmem>>, vector<16xf32>,
      %get3A_994 = arith.constant 96 : index
      %get3A_995 = tpu.vector_load %arg14[%get3A_994] {strides = array<i32>} : memref<256xf32, #tpu.memory_space<vmem>>, vector<16xf32>,
      %mul3A_996 = arith.mulf %get3A_993, %get3A_995 : vector<16xf32>
      %add3A_997 = arith.addf %add3A_990, %mul3A_996 : vector<16xf32>
      %get3A_998 = arith.index_cast %add3A_932 : i32 to index
      %get3A_999 = arith.constant 48 : index
      %get3A_1000 = tpu.vector_load %arg13[%get3A_998, %get3A_999] {strides = array<i32>} : memref<128x128xf32, #tpu.memory_space<vmem>>, vector<16xf32>,
      %get3A_1001 = arith.constant 112 : index
      %get3A_1002 = tpu.vector_load %arg14[%get3A_1001] {strides = array<i32>} : memref<256xf32, #tpu.memory_space<vmem>>, vector<16xf32>,
      %mul3A_1003 = arith.mulf %get3A_1000, %get3A_1002 : vector<16xf32>
      %add3A_1004 = arith.addf %add3A_997, %mul3A_1003 : vector<16xf32>
      %get3A_1005 = arith.index_cast %add3A_932 : i32 to index
      %get3A_1006 = arith.constant 64 : index
      %get3A_1007 = tpu.vector_load %arg13[%get3A_1005, %get3A_1006] {strides = array<i32>} : memref<128x128xf32, #tpu.memory_space<vmem>>, vector<16xf32>,
      %get3A_1008 = arith.constant 128 : index
      %get3A_1009 = tpu.vector_load %arg14[%get3A_1008] {strides = array<i32>} : memref<256xf32, #tpu.memory_space<vmem>>, vector<16xf32>,
      %mul3A_1010 = arith.mulf %get3A_1007, %get3A_1009 : vector<16xf32>
      %add3A_1011 = arith.addf %add3A_1004, %mul3A_1010 : vector<16xf32>
      %get3A_1012 = arith.index_cast %add3A_932 : i32 to index
      %get3A_1013 = arith.constant 80 : index
      %get3A_1014 = tpu.vector_load %arg13[%get3A_1012, %get3A_1013] {strides = array<i32>} : memref<128x128xf32, #tpu.memory_space<vmem>>, vector<16xf32>,
      %get3A_1015 = arith.constant 144 : index
      %get3A_1016 = tpu.vector_load %arg14[%get3A_1015] {strides = array<i32>} : memref<256xf32, #tpu.memory_space<vmem>>, vector<16xf32>,
      %mul3A_1017 = arith.mulf %get3A_1014, %get3A_1016 : vector<16xf32>
      %add3A_1018 = arith.addf %add3A_1011, %mul3A_1017 : vector<16xf32>
      %get3A_1019 = arith.index_cast %add3A_932 : i32 to index
      %get3A_1020 = arith.constant 96 : index
      %get3A_1021 = tpu.vector_load %arg13[%get3A_1019, %get3A_1020] {strides = array<i32>} : memref<128x128xf32, #tpu.memory_space<vmem>>, vector<16xf32>,
      %get3A_1022 = arith.constant 160 : index
      %get3A_1023 = tpu.vector_load %arg14[%get3A_1022] {strides = array<i32>} : memref<256xf32, #tpu.memory_space<vmem>>, vector<16xf32>,
      %mul3A_1024 = arith.mulf %get3A_1021, %get3A_1023 : vector<16xf32>
      %add3A_1025 = arith.addf %add3A_1018, %mul3A_1024 : vector<16xf32>
      %get3A_1026 = arith.index_cast %add3A_932 : i32 to index
      %get3A_1027 = arith.constant 112 : index
      %get3A_1028 = tpu.vector_load %arg13[%get3A_1026, %get3A_1027] {strides = array<i32>} : memref<128x128xf32, #tpu.memory_space<vmem>>, vector<16xf32>,
      %get3A_1029 = arith.constant 176 : index
      %get3A_1030 = tpu.vector_load %arg14[%get3A_1029] {strides = array<i32>} : memref<256xf32, #tpu.memory_space<vmem>>, vector<16xf32>,
      %mul3A_1031 = arith.mulf %get3A_1028, %get3A_1030 : vector<16xf32>
      %add3A_1032 = arith.addf %add3A_1025, %mul3A_1031 : vector<16xf32>
      %eq3A_1033 = arith.constant 8 : i32
      %eq3A_1034 = vector.broadcast %eq3A_1033 : i32 to vector<16xi32>
      %eq3A_1035 = arith.cmpi eq, %iota3A, %eq3A_1034 : vector<16xi32>
      %reduce_sum3A_1036 = arith.constant true
      %reduce_sum3A_1037 = vector.broadcast %reduce_sum3A_1036 : i1 to vector<16xi1>
      %reduce_sum3A_1038 = tpu.scan <sum>, %add3A_1032 masked %reduce_sum3A_1037 : vector<16xf32>, vector<16xi1> -> vector<16xf32>
      %reduce_sum3A_1039 = vector.extract %reduce_sum3A_1038[15] : f32 from vector<16xf32>
      %broadcast_in_dim3A_1040 = vector.broadcast %reduce_sum3A_1039 : f32 to vector<16xf32>
      %select_n3A_1041 = arith.select %eq3A_1035, %broadcast_in_dim3A_1040, %select_n3A_928 : vector<16xi1>, vector<16xf32>
      %mul3A_1042 = arith.constant 16 : i32
      %mul3A_1043 = arith.muli %scan3A_26, %mul3A_1042 : i32
      %add3A_1044 = arith.constant 9 : i32
      %add3A_1045 = arith.addi %mul3A_1043, %add3A_1044 : i32
      %get3A_1046 = arith.index_cast %add3A_1045 : i32 to index
      %get3A_1047 = arith.constant 0 : index
      %get3A_1048 = tpu.vector_load %arg11[%get3A_1046, %get3A_1047] {strides = array<i32>} : memref<128x64xf32, #tpu.memory_space<vmem>>, vector<16xf32>,
      %get3A_1049 = arith.index_cast %add3A_1045 : i32 to index
      %get3A_1050 = arith.constant 0 : index
      %get3A_1051 = tpu.vector_load %arg12[%get3A_1049, %get3A_1050] {strides = array<i32>} : memref<128x64xf32, #tpu.memory_space<vmem>>, vector<16xf32>,
      %mul3A_1052 = arith.mulf %get3A_1048, %get3A_1051 : vector<16xf32>
      %get3A_1053 = arith.constant 0 : index
      %get3A_1054 = tpu.vector_load %arg14[%get3A_1053] {strides = array<i32>} : memref<256xf32, #tpu.memory_space<vmem>>, vector<16xf32>,
      %mul3A_1055 = arith.mulf %mul3A_1052, %get3A_1054 : vector<16xf32>
      %add3A_1056 = arith.addf %get3A_19, %mul3A_1055 : vector<16xf32>
      %get3A_1057 = arith.index_cast %add3A_1045 : i32 to index
      %get3A_1058 = arith.constant 16 : index
      %get3A_1059 = tpu.vector_load %arg11[%get3A_1057, %get3A_1058] {strides = array<i32>} : memref<128x64xf32, #tpu.memory_space<vmem>>, vector<16xf32>,
      %get3A_1060 = arith.index_cast %add3A_1045 : i32 to index
      %get3A_1061 = arith.constant 16 : index
      %get3A_1062 = tpu.vector_load %arg12[%get3A_1060, %get3A_1061] {strides = array<i32>} : memref<128x64xf32, #tpu.memory_space<vmem>>, vector<16xf32>,
      %mul3A_1063 = arith.mulf %get3A_1059, %get3A_1062 : vector<16xf32>
      %get3A_1064 = arith.constant 16 : index
      %get3A_1065 = tpu.vector_load %arg14[%get3A_1064] {strides = array<i32>} : memref<256xf32, #tpu.memory_space<vmem>>, vector<16xf32>,
      %mul3A_1066 = arith.mulf %mul3A_1063, %get3A_1065 : vector<16xf32>
      %add3A_1067 = arith.addf %add3A_1056, %mul3A_1066 : vector<16xf32>
      %get3A_1068 = arith.index_cast %add3A_1045 : i32 to index
      %get3A_1069 = arith.constant 32 : index
      %get3A_1070 = tpu.vector_load %arg11[%get3A_1068, %get3A_1069] {strides = array<i32>} : memref<128x64xf32, #tpu.memory_space<vmem>>, vector<16xf32>,
      %get3A_1071 = arith.index_cast %add3A_1045 : i32 to index
      %get3A_1072 = arith.constant 32 : index
      %get3A_1073 = tpu.vector_load %arg12[%get3A_1071, %get3A_1072] {strides = array<i32>} : memref<128x64xf32, #tpu.memory_space<vmem>>, vector<16xf32>,
      %mul3A_1074 = arith.mulf %get3A_1070, %get3A_1073 : vector<16xf32>
      %get3A_1075 = arith.constant 32 : index
      %get3A_1076 = tpu.vector_load %arg14[%get3A_1075] {strides = array<i32>} : memref<256xf32, #tpu.memory_space<vmem>>, vector<16xf32>,
      %mul3A_1077 = arith.mulf %mul3A_1074, %get3A_1076 : vector<16xf32>
      %add3A_1078 = arith.addf %add3A_1067, %mul3A_1077 : vector<16xf32>
      %get3A_1079 = arith.index_cast %add3A_1045 : i32 to index
      %get3A_1080 = arith.constant 48 : index
      %get3A_1081 = tpu.vector_load %arg11[%get3A_1079, %get3A_1080] {strides = array<i32>} : memref<128x64xf32, #tpu.memory_space<vmem>>, vector<16xf32>,
      %get3A_1082 = arith.index_cast %add3A_1045 : i32 to index
      %get3A_1083 = arith.constant 48 : index
      %get3A_1084 = tpu.vector_load %arg12[%get3A_1082, %get3A_1083] {strides = array<i32>} : memref<128x64xf32, #tpu.memory_space<vmem>>, vector<16xf32>,
      %mul3A_1085 = arith.mulf %get3A_1081, %get3A_1084 : vector<16xf32>
      %get3A_1086 = arith.constant 48 : index
      %get3A_1087 = tpu.vector_load %arg14[%get3A_1086] {strides = array<i32>} : memref<256xf32, #tpu.memory_space<vmem>>, vector<16xf32>,
      %mul3A_1088 = arith.mulf %mul3A_1085, %get3A_1087 : vector<16xf32>
      %add3A_1089 = arith.addf %add3A_1078, %mul3A_1088 : vector<16xf32>
      %get3A_1090 = arith.index_cast %add3A_1045 : i32 to index
      %get3A_1091 = arith.constant 0 : index
      %get3A_1092 = tpu.vector_load %arg13[%get3A_1090, %get3A_1091] {strides = array<i32>} : memref<128x128xf32, #tpu.memory_space<vmem>>, vector<16xf32>,
      %get3A_1093 = arith.constant 64 : index
      %get3A_1094 = tpu.vector_load %arg14[%get3A_1093] {strides = array<i32>} : memref<256xf32, #tpu.memory_space<vmem>>, vector<16xf32>,
      %mul3A_1095 = arith.mulf %get3A_1092, %get3A_1094 : vector<16xf32>
      %add3A_1096 = arith.addf %add3A_1089, %mul3A_1095 : vector<16xf32>
      %get3A_1097 = arith.index_cast %add3A_1045 : i32 to index
      %get3A_1098 = arith.constant 16 : index
      %get3A_1099 = tpu.vector_load %arg13[%get3A_1097, %get3A_1098] {strides = array<i32>} : memref<128x128xf32, #tpu.memory_space<vmem>>, vector<16xf32>,
      %get3A_1100 = arith.constant 80 : index
      %get3A_1101 = tpu.vector_load %arg14[%get3A_1100] {strides = array<i32>} : memref<256xf32, #tpu.memory_space<vmem>>, vector<16xf32>,
      %mul3A_1102 = arith.mulf %get3A_1099, %get3A_1101 : vector<16xf32>
      %add3A_1103 = arith.addf %add3A_1096, %mul3A_1102 : vector<16xf32>
      %get3A_1104 = arith.index_cast %add3A_1045 : i32 to index
      %get3A_1105 = arith.constant 32 : index
      %get3A_1106 = tpu.vector_load %arg13[%get3A_1104, %get3A_1105] {strides = array<i32>} : memref<128x128xf32, #tpu.memory_space<vmem>>, vector<16xf32>,
      %get3A_1107 = arith.constant 96 : index
      %get3A_1108 = tpu.vector_load %arg14[%get3A_1107] {strides = array<i32>} : memref<256xf32, #tpu.memory_space<vmem>>, vector<16xf32>,
      %mul3A_1109 = arith.mulf %get3A_1106, %get3A_1108 : vector<16xf32>
      %add3A_1110 = arith.addf %add3A_1103, %mul3A_1109 : vector<16xf32>
      %get3A_1111 = arith.index_cast %add3A_1045 : i32 to index
      %get3A_1112 = arith.constant 48 : index
      %get3A_1113 = tpu.vector_load %arg13[%get3A_1111, %get3A_1112] {strides = array<i32>} : memref<128x128xf32, #tpu.memory_space<vmem>>, vector<16xf32>,
      %get3A_1114 = arith.constant 112 : index
      %get3A_1115 = tpu.vector_load %arg14[%get3A_1114] {strides = array<i32>} : memref<256xf32, #tpu.memory_space<vmem>>, vector<16xf32>,
      %mul3A_1116 = arith.mulf %get3A_1113, %get3A_1115 : vector<16xf32>
      %add3A_1117 = arith.addf %add3A_1110, %mul3A_1116 : vector<16xf32>
      %get3A_1118 = arith.index_cast %add3A_1045 : i32 to index
      %get3A_1119 = arith.constant 64 : index
      %get3A_1120 = tpu.vector_load %arg13[%get3A_1118, %get3A_1119] {strides = array<i32>} : memref<128x128xf32, #tpu.memory_space<vmem>>, vector<16xf32>,
      %get3A_1121 = arith.constant 128 : index
      %get3A_1122 = tpu.vector_load %arg14[%get3A_1121] {strides = array<i32>} : memref<256xf32, #tpu.memory_space<vmem>>, vector<16xf32>,
      %mul3A_1123 = arith.mulf %get3A_1120, %get3A_1122 : vector<16xf32>
      %add3A_1124 = arith.addf %add3A_1117, %mul3A_1123 : vector<16xf32>
      %get3A_1125 = arith.index_cast %add3A_1045 : i32 to index
      %get3A_1126 = arith.constant 80 : index
      %get3A_1127 = tpu.vector_load %arg13[%get3A_1125, %get3A_1126] {strides = array<i32>} : memref<128x128xf32, #tpu.memory_space<vmem>>, vector<16xf32>,
      %get3A_1128 = arith.constant 144 : index
      %get3A_1129 = tpu.vector_load %arg14[%get3A_1128] {strides = array<i32>} : memref<256xf32, #tpu.memory_space<vmem>>, vector<16xf32>,
      %mul3A_1130 = arith.mulf %get3A_1127, %get3A_1129 : vector<16xf32>
      %add3A_1131 = arith.addf %add3A_1124, %mul3A_1130 : vector<16xf32>
      %get3A_1132 = arith.index_cast %add3A_1045 : i32 to index
      %get3A_1133 = arith.constant 96 : index
      %get3A_1134 = tpu.vector_load %arg13[%get3A_1132, %get3A_1133] {strides = array<i32>} : memref<128x128xf32, #tpu.memory_space<vmem>>, vector<16xf32>,
      %get3A_1135 = arith.constant 160 : index
      %get3A_1136 = tpu.vector_load %arg14[%get3A_1135] {strides = array<i32>} : memref<256xf32, #tpu.memory_space<vmem>>, vector<16xf32>,
      %mul3A_1137 = arith.mulf %get3A_1134, %get3A_1136 : vector<16xf32>
      %add3A_1138 = arith.addf %add3A_1131, %mul3A_1137 : vector<16xf32>
      %get3A_1139 = arith.index_cast %add3A_1045 : i32 to index
      %get3A_1140 = arith.constant 112 : index
      %get3A_1141 = tpu.vector_load %arg13[%get3A_1139, %get3A_1140] {strides = array<i32>} : memref<128x128xf32, #tpu.memory_space<vmem>>, vector<16xf32>,
      %get3A_1142 = arith.constant 176 : index
      %get3A_1143 = tpu.vector_load %arg14[%get3A_1142] {strides = array<i32>} : memref<256xf32, #tpu.memory_space<vmem>>, vector<16xf32>,
      %mul3A_1144 = arith.mulf %get3A_1141, %get3A_1143 : vector<16xf32>
      %add3A_1145 = arith.addf %add3A_1138, %mul3A_1144 : vector<16xf32>
      %eq3A_1146 = arith.constant 9 : i32
      %eq3A_1147 = vector.broadcast %eq3A_1146 : i32 to vector<16xi32>
      %eq3A_1148 = arith.cmpi eq, %iota3A, %eq3A_1147 : vector<16xi32>
      %reduce_sum3A_1149 = arith.constant true
      %reduce_sum3A_1150 = vector.broadcast %reduce_sum3A_1149 : i1 to vector<16xi1>
      %reduce_sum3A_1151 = tpu.scan <sum>, %add3A_1145 masked %reduce_sum3A_1150 : vector<16xf32>, vector<16xi1> -> vector<16xf32>
      %reduce_sum3A_1152 = vector.extract %reduce_sum3A_1151[15] : f32 from vector<16xf32>
      %broadcast_in_dim3A_1153 = vector.broadcast %reduce_sum3A_1152 : f32 to vector<16xf32>
      %select_n3A_1154 = arith.select %eq3A_1148, %broadcast_in_dim3A_1153, %select_n3A_1041 : vector<16xi1>, vector<16xf32>
      %mul3A_1155 = arith.constant 16 : i32
      %mul3A_1156 = arith.muli %scan3A_26, %mul3A_1155 : i32
      %add3A_1157 = arith.constant 10 : i32
      %add3A_1158 = arith.addi %mul3A_1156, %add3A_1157 : i32
      %get3A_1159 = arith.index_cast %add3A_1158 : i32 to index
      %get3A_1160 = arith.constant 0 : index
      %get3A_1161 = tpu.vector_load %arg11[%get3A_1159, %get3A_1160] {strides = array<i32>} : memref<128x64xf32, #tpu.memory_space<vmem>>, vector<16xf32>,
      %get3A_1162 = arith.index_cast %add3A_1158 : i32 to index
      %get3A_1163 = arith.constant 0 : index
      %get3A_1164 = tpu.vector_load %arg12[%get3A_1162, %get3A_1163] {strides = array<i32>} : memref<128x64xf32, #tpu.memory_space<vmem>>, vector<16xf32>,
      %mul3A_1165 = arith.mulf %get3A_1161, %get3A_1164 : vector<16xf32>
      %get3A_1166 = arith.constant 0 : index
      %get3A_1167 = tpu.vector_load %arg14[%get3A_1166] {strides = array<i32>} : memref<256xf32, #tpu.memory_space<vmem>>, vector<16xf32>,
      %mul3A_1168 = arith.mulf %mul3A_1165, %get3A_1167 : vector<16xf32>
      %add3A_1169 = arith.addf %get3A_19, %mul3A_1168 : vector<16xf32>
      %get3A_1170 = arith.index_cast %add3A_1158 : i32 to index
      %get3A_1171 = arith.constant 16 : index
      %get3A_1172 = tpu.vector_load %arg11[%get3A_1170, %get3A_1171] {strides = array<i32>} : memref<128x64xf32, #tpu.memory_space<vmem>>, vector<16xf32>,
      %get3A_1173 = arith.index_cast %add3A_1158 : i32 to index
      %get3A_1174 = arith.constant 16 : index
      %get3A_1175 = tpu.vector_load %arg12[%get3A_1173, %get3A_1174] {strides = array<i32>} : memref<128x64xf32, #tpu.memory_space<vmem>>, vector<16xf32>,
      %mul3A_1176 = arith.mulf %get3A_1172, %get3A_1175 : vector<16xf32>
      %get3A_1177 = arith.constant 16 : index
      %get3A_1178 = tpu.vector_load %arg14[%get3A_1177] {strides = array<i32>} : memref<256xf32, #tpu.memory_space<vmem>>, vector<16xf32>,
      %mul3A_1179 = arith.mulf %mul3A_1176, %get3A_1178 : vector<16xf32>
      %add3A_1180 = arith.addf %add3A_1169, %mul3A_1179 : vector<16xf32>
      %get3A_1181 = arith.index_cast %add3A_1158 : i32 to index
      %get3A_1182 = arith.constant 32 : index
      %get3A_1183 = tpu.vector_load %arg11[%get3A_1181, %get3A_1182] {strides = array<i32>} : memref<128x64xf32, #tpu.memory_space<vmem>>, vector<16xf32>,
      %get3A_1184 = arith.index_cast %add3A_1158 : i32 to index
      %get3A_1185 = arith.constant 32 : index
      %get3A_1186 = tpu.vector_load %arg12[%get3A_1184, %get3A_1185] {strides = array<i32>} : memref<128x64xf32, #tpu.memory_space<vmem>>, vector<16xf32>,
      %mul3A_1187 = arith.mulf %get3A_1183, %get3A_1186 : vector<16xf32>
      %get3A_1188 = arith.constant 32 : index
      %get3A_1189 = tpu.vector_load %arg14[%get3A_1188] {strides = array<i32>} : memref<256xf32, #tpu.memory_space<vmem>>, vector<16xf32>,
      %mul3A_1190 = arith.mulf %mul3A_1187, %get3A_1189 : vector<16xf32>
      %add3A_1191 = arith.addf %add3A_1180, %mul3A_1190 : vector<16xf32>
      %get3A_1192 = arith.index_cast %add3A_1158 : i32 to index
      %get3A_1193 = arith.constant 48 : index
      %get3A_1194 = tpu.vector_load %arg11[%get3A_1192, %get3A_1193] {strides = array<i32>} : memref<128x64xf32, #tpu.memory_space<vmem>>, vector<16xf32>,
      %get3A_1195 = arith.index_cast %add3A_1158 : i32 to index
      %get3A_1196 = arith.constant 48 : index
      %get3A_1197 = tpu.vector_load %arg12[%get3A_1195, %get3A_1196] {strides = array<i32>} : memref<128x64xf32, #tpu.memory_space<vmem>>, vector<16xf32>,
      %mul3A_1198 = arith.mulf %get3A_1194, %get3A_1197 : vector<16xf32>
      %get3A_1199 = arith.constant 48 : index
      %get3A_1200 = tpu.vector_load %arg14[%get3A_1199] {strides = array<i32>} : memref<256xf32, #tpu.memory_space<vmem>>, vector<16xf32>,
      %mul3A_1201 = arith.mulf %mul3A_1198, %get3A_1200 : vector<16xf32>
      %add3A_1202 = arith.addf %add3A_1191, %mul3A_1201 : vector<16xf32>
      %get3A_1203 = arith.index_cast %add3A_1158 : i32 to index
      %get3A_1204 = arith.constant 0 : index
      %get3A_1205 = tpu.vector_load %arg13[%get3A_1203, %get3A_1204] {strides = array<i32>} : memref<128x128xf32, #tpu.memory_space<vmem>>, vector<16xf32>,
      %get3A_1206 = arith.constant 64 : index
      %get3A_1207 = tpu.vector_load %arg14[%get3A_1206] {strides = array<i32>} : memref<256xf32, #tpu.memory_space<vmem>>, vector<16xf32>,
      %mul3A_1208 = arith.mulf %get3A_1205, %get3A_1207 : vector<16xf32>
      %add3A_1209 = arith.addf %add3A_1202, %mul3A_1208 : vector<16xf32>
      %get3A_1210 = arith.index_cast %add3A_1158 : i32 to index
      %get3A_1211 = arith.constant 16 : index
      %get3A_1212 = tpu.vector_load %arg13[%get3A_1210, %get3A_1211] {strides = array<i32>} : memref<128x128xf32, #tpu.memory_space<vmem>>, vector<16xf32>,
      %get3A_1213 = arith.constant 80 : index
      %get3A_1214 = tpu.vector_load %arg14[%get3A_1213] {strides = array<i32>} : memref<256xf32, #tpu.memory_space<vmem>>, vector<16xf32>,
      %mul3A_1215 = arith.mulf %get3A_1212, %get3A_1214 : vector<16xf32>
      %add3A_1216 = arith.addf %add3A_1209, %mul3A_1215 : vector<16xf32>
      %get3A_1217 = arith.index_cast %add3A_1158 : i32 to index
      %get3A_1218 = arith.constant 32 : index
      %get3A_1219 = tpu.vector_load %arg13[%get3A_1217, %get3A_1218] {strides = array<i32>} : memref<128x128xf32, #tpu.memory_space<vmem>>, vector<16xf32>,
      %get3A_1220 = arith.constant 96 : index
      %get3A_1221 = tpu.vector_load %arg14[%get3A_1220] {strides = array<i32>} : memref<256xf32, #tpu.memory_space<vmem>>, vector<16xf32>,
      %mul3A_1222 = arith.mulf %get3A_1219, %get3A_1221 : vector<16xf32>
      %add3A_1223 = arith.addf %add3A_1216, %mul3A_1222 : vector<16xf32>
      %get3A_1224 = arith.index_cast %add3A_1158 : i32 to index
      %get3A_1225 = arith.constant 48 : index
      %get3A_1226 = tpu.vector_load %arg13[%get3A_1224, %get3A_1225] {strides = array<i32>} : memref<128x128xf32, #tpu.memory_space<vmem>>, vector<16xf32>,
      %get3A_1227 = arith.constant 112 : index
      %get3A_1228 = tpu.vector_load %arg14[%get3A_1227] {strides = array<i32>} : memref<256xf32, #tpu.memory_space<vmem>>, vector<16xf32>,
      %mul3A_1229 = arith.mulf %get3A_1226, %get3A_1228 : vector<16xf32>
      %add3A_1230 = arith.addf %add3A_1223, %mul3A_1229 : vector<16xf32>
      %get3A_1231 = arith.index_cast %add3A_1158 : i32 to index
      %get3A_1232 = arith.constant 64 : index
      %get3A_1233 = tpu.vector_load %arg13[%get3A_1231, %get3A_1232] {strides = array<i32>} : memref<128x128xf32, #tpu.memory_space<vmem>>, vector<16xf32>,
      %get3A_1234 = arith.constant 128 : index
      %get3A_1235 = tpu.vector_load %arg14[%get3A_1234] {strides = array<i32>} : memref<256xf32, #tpu.memory_space<vmem>>, vector<16xf32>,
      %mul3A_1236 = arith.mulf %get3A_1233, %get3A_1235 : vector<16xf32>
      %add3A_1237 = arith.addf %add3A_1230, %mul3A_1236 : vector<16xf32>
      %get3A_1238 = arith.index_cast %add3A_1158 : i32 to index
      %get3A_1239 = arith.constant 80 : index
      %get3A_1240 = tpu.vector_load %arg13[%get3A_1238, %get3A_1239] {strides = array<i32>} : memref<128x128xf32, #tpu.memory_space<vmem>>, vector<16xf32>,
      %get3A_1241 = arith.constant 144 : index
      %get3A_1242 = tpu.vector_load %arg14[%get3A_1241] {strides = array<i32>} : memref<256xf32, #tpu.memory_space<vmem>>, vector<16xf32>,
      %mul3A_1243 = arith.mulf %get3A_1240, %get3A_1242 : vector<16xf32>
      %add3A_1244 = arith.addf %add3A_1237, %mul3A_1243 : vector<16xf32>
      %get3A_1245 = arith.index_cast %add3A_1158 : i32 to index
      %get3A_1246 = arith.constant 96 : index
      %get3A_1247 = tpu.vector_load %arg13[%get3A_1245, %get3A_1246] {strides = array<i32>} : memref<128x128xf32, #tpu.memory_space<vmem>>, vector<16xf32>,
      %get3A_1248 = arith.constant 160 : index
      %get3A_1249 = tpu.vector_load %arg14[%get3A_1248] {strides = array<i32>} : memref<256xf32, #tpu.memory_space<vmem>>, vector<16xf32>,
      %mul3A_1250 = arith.mulf %get3A_1247, %get3A_1249 : vector<16xf32>
      %add3A_1251 = arith.addf %add3A_1244, %mul3A_1250 : vector<16xf32>
      %get3A_1252 = arith.index_cast %add3A_1158 : i32 to index
      %get3A_1253 = arith.constant 112 : index
      %get3A_1254 = tpu.vector_load %arg13[%get3A_1252, %get3A_1253] {strides = array<i32>} : memref<128x128xf32, #tpu.memory_space<vmem>>, vector<16xf32>,
      %get3A_1255 = arith.constant 176 : index
      %get3A_1256 = tpu.vector_load %arg14[%get3A_1255] {strides = array<i32>} : memref<256xf32, #tpu.memory_space<vmem>>, vector<16xf32>,
      %mul3A_1257 = arith.mulf %get3A_1254, %get3A_1256 : vector<16xf32>
      %add3A_1258 = arith.addf %add3A_1251, %mul3A_1257 : vector<16xf32>
      %eq3A_1259 = arith.constant 10 : i32
      %eq3A_1260 = vector.broadcast %eq3A_1259 : i32 to vector<16xi32>
      %eq3A_1261 = arith.cmpi eq, %iota3A, %eq3A_1260 : vector<16xi32>
      %reduce_sum3A_1262 = arith.constant true
      %reduce_sum3A_1263 = vector.broadcast %reduce_sum3A_1262 : i1 to vector<16xi1>
      %reduce_sum3A_1264 = tpu.scan <sum>, %add3A_1258 masked %reduce_sum3A_1263 : vector<16xf32>, vector<16xi1> -> vector<16xf32>
      %reduce_sum3A_1265 = vector.extract %reduce_sum3A_1264[15] : f32 from vector<16xf32>
      %broadcast_in_dim3A_1266 = vector.broadcast %reduce_sum3A_1265 : f32 to vector<16xf32>
      %select_n3A_1267 = arith.select %eq3A_1261, %broadcast_in_dim3A_1266, %select_n3A_1154 : vector<16xi1>, vector<16xf32>
      %mul3A_1268 = arith.constant 16 : i32
      %mul3A_1269 = arith.muli %scan3A_26, %mul3A_1268 : i32
      %add3A_1270 = arith.constant 11 : i32
      %add3A_1271 = arith.addi %mul3A_1269, %add3A_1270 : i32
      %get3A_1272 = arith.index_cast %add3A_1271 : i32 to index
      %get3A_1273 = arith.constant 0 : index
      %get3A_1274 = tpu.vector_load %arg11[%get3A_1272, %get3A_1273] {strides = array<i32>} : memref<128x64xf32, #tpu.memory_space<vmem>>, vector<16xf32>,
      %get3A_1275 = arith.index_cast %add3A_1271 : i32 to index
      %get3A_1276 = arith.constant 0 : index
      %get3A_1277 = tpu.vector_load %arg12[%get3A_1275, %get3A_1276] {strides = array<i32>} : memref<128x64xf32, #tpu.memory_space<vmem>>, vector<16xf32>,
      %mul3A_1278 = arith.mulf %get3A_1274, %get3A_1277 : vector<16xf32>
      %get3A_1279 = arith.constant 0 : index
      %get3A_1280 = tpu.vector_load %arg14[%get3A_1279] {strides = array<i32>} : memref<256xf32, #tpu.memory_space<vmem>>, vector<16xf32>,
      %mul3A_1281 = arith.mulf %mul3A_1278, %get3A_1280 : vector<16xf32>
      %add3A_1282 = arith.addf %get3A_19, %mul3A_1281 : vector<16xf32>
      %get3A_1283 = arith.index_cast %add3A_1271 : i32 to index
      %get3A_1284 = arith.constant 16 : index
      %get3A_1285 = tpu.vector_load %arg11[%get3A_1283, %get3A_1284] {strides = array<i32>} : memref<128x64xf32, #tpu.memory_space<vmem>>, vector<16xf32>,
      %get3A_1286 = arith.index_cast %add3A_1271 : i32 to index
      %get3A_1287 = arith.constant 16 : index
      %get3A_1288 = tpu.vector_load %arg12[%get3A_1286, %get3A_1287] {strides = array<i32>} : memref<128x64xf32, #tpu.memory_space<vmem>>, vector<16xf32>,
      %mul3A_1289 = arith.mulf %get3A_1285, %get3A_1288 : vector<16xf32>
      %get3A_1290 = arith.constant 16 : index
      %get3A_1291 = tpu.vector_load %arg14[%get3A_1290] {strides = array<i32>} : memref<256xf32, #tpu.memory_space<vmem>>, vector<16xf32>,
      %mul3A_1292 = arith.mulf %mul3A_1289, %get3A_1291 : vector<16xf32>
      %add3A_1293 = arith.addf %add3A_1282, %mul3A_1292 : vector<16xf32>
      %get3A_1294 = arith.index_cast %add3A_1271 : i32 to index
      %get3A_1295 = arith.constant 32 : index
      %get3A_1296 = tpu.vector_load %arg11[%get3A_1294, %get3A_1295] {strides = array<i32>} : memref<128x64xf32, #tpu.memory_space<vmem>>, vector<16xf32>,
      %get3A_1297 = arith.index_cast %add3A_1271 : i32 to index
      %get3A_1298 = arith.constant 32 : index
      %get3A_1299 = tpu.vector_load %arg12[%get3A_1297, %get3A_1298] {strides = array<i32>} : memref<128x64xf32, #tpu.memory_space<vmem>>, vector<16xf32>,
      %mul3A_1300 = arith.mulf %get3A_1296, %get3A_1299 : vector<16xf32>
      %get3A_1301 = arith.constant 32 : index
      %get3A_1302 = tpu.vector_load %arg14[%get3A_1301] {strides = array<i32>} : memref<256xf32, #tpu.memory_space<vmem>>, vector<16xf32>,
      %mul3A_1303 = arith.mulf %mul3A_1300, %get3A_1302 : vector<16xf32>
      %add3A_1304 = arith.addf %add3A_1293, %mul3A_1303 : vector<16xf32>
      %get3A_1305 = arith.index_cast %add3A_1271 : i32 to index
      %get3A_1306 = arith.constant 48 : index
      %get3A_1307 = tpu.vector_load %arg11[%get3A_1305, %get3A_1306] {strides = array<i32>} : memref<128x64xf32, #tpu.memory_space<vmem>>, vector<16xf32>,
      %get3A_1308 = arith.index_cast %add3A_1271 : i32 to index
      %get3A_1309 = arith.constant 48 : index
      %get3A_1310 = tpu.vector_load %arg12[%get3A_1308, %get3A_1309] {strides = array<i32>} : memref<128x64xf32, #tpu.memory_space<vmem>>, vector<16xf32>,
      %mul3A_1311 = arith.mulf %get3A_1307, %get3A_1310 : vector<16xf32>
      %get3A_1312 = arith.constant 48 : index
      %get3A_1313 = tpu.vector_load %arg14[%get3A_1312] {strides = array<i32>} : memref<256xf32, #tpu.memory_space<vmem>>, vector<16xf32>,
      %mul3A_1314 = arith.mulf %mul3A_1311, %get3A_1313 : vector<16xf32>
      %add3A_1315 = arith.addf %add3A_1304, %mul3A_1314 : vector<16xf32>
      %get3A_1316 = arith.index_cast %add3A_1271 : i32 to index
      %get3A_1317 = arith.constant 0 : index
      %get3A_1318 = tpu.vector_load %arg13[%get3A_1316, %get3A_1317] {strides = array<i32>} : memref<128x128xf32, #tpu.memory_space<vmem>>, vector<16xf32>,
      %get3A_1319 = arith.constant 64 : index
      %get3A_1320 = tpu.vector_load %arg14[%get3A_1319] {strides = array<i32>} : memref<256xf32, #tpu.memory_space<vmem>>, vector<16xf32>,
      %mul3A_1321 = arith.mulf %get3A_1318, %get3A_1320 : vector<16xf32>
      %add3A_1322 = arith.addf %add3A_1315, %mul3A_1321 : vector<16xf32>
      %get3A_1323 = arith.index_cast %add3A_1271 : i32 to index
      %get3A_1324 = arith.constant 16 : index
      %get3A_1325 = tpu.vector_load %arg13[%get3A_1323, %get3A_1324] {strides = array<i32>} : memref<128x128xf32, #tpu.memory_space<vmem>>, vector<16xf32>,
      %get3A_1326 = arith.constant 80 : index
      %get3A_1327 = tpu.vector_load %arg14[%get3A_1326] {strides = array<i32>} : memref<256xf32, #tpu.memory_space<vmem>>, vector<16xf32>,
      %mul3A_1328 = arith.mulf %get3A_1325, %get3A_1327 : vector<16xf32>
      %add3A_1329 = arith.addf %add3A_1322, %mul3A_1328 : vector<16xf32>
      %get3A_1330 = arith.index_cast %add3A_1271 : i32 to index
      %get3A_1331 = arith.constant 32 : index
      %get3A_1332 = tpu.vector_load %arg13[%get3A_1330, %get3A_1331] {strides = array<i32>} : memref<128x128xf32, #tpu.memory_space<vmem>>, vector<16xf32>,
      %get3A_1333 = arith.constant 96 : index
      %get3A_1334 = tpu.vector_load %arg14[%get3A_1333] {strides = array<i32>} : memref<256xf32, #tpu.memory_space<vmem>>, vector<16xf32>,
      %mul3A_1335 = arith.mulf %get3A_1332, %get3A_1334 : vector<16xf32>
      %add3A_1336 = arith.addf %add3A_1329, %mul3A_1335 : vector<16xf32>
      %get3A_1337 = arith.index_cast %add3A_1271 : i32 to index
      %get3A_1338 = arith.constant 48 : index
      %get3A_1339 = tpu.vector_load %arg13[%get3A_1337, %get3A_1338] {strides = array<i32>} : memref<128x128xf32, #tpu.memory_space<vmem>>, vector<16xf32>,
      %get3A_1340 = arith.constant 112 : index
      %get3A_1341 = tpu.vector_load %arg14[%get3A_1340] {strides = array<i32>} : memref<256xf32, #tpu.memory_space<vmem>>, vector<16xf32>,
      %mul3A_1342 = arith.mulf %get3A_1339, %get3A_1341 : vector<16xf32>
      %add3A_1343 = arith.addf %add3A_1336, %mul3A_1342 : vector<16xf32>
      %get3A_1344 = arith.index_cast %add3A_1271 : i32 to index
      %get3A_1345 = arith.constant 64 : index
      %get3A_1346 = tpu.vector_load %arg13[%get3A_1344, %get3A_1345] {strides = array<i32>} : memref<128x128xf32, #tpu.memory_space<vmem>>, vector<16xf32>,
      %get3A_1347 = arith.constant 128 : index
      %get3A_1348 = tpu.vector_load %arg14[%get3A_1347] {strides = array<i32>} : memref<256xf32, #tpu.memory_space<vmem>>, vector<16xf32>,
      %mul3A_1349 = arith.mulf %get3A_1346, %get3A_1348 : vector<16xf32>
      %add3A_1350 = arith.addf %add3A_1343, %mul3A_1349 : vector<16xf32>
      %get3A_1351 = arith.index_cast %add3A_1271 : i32 to index
      %get3A_1352 = arith.constant 80 : index
      %get3A_1353 = tpu.vector_load %arg13[%get3A_1351, %get3A_1352] {strides = array<i32>} : memref<128x128xf32, #tpu.memory_space<vmem>>, vector<16xf32>,
      %get3A_1354 = arith.constant 144 : index
      %get3A_1355 = tpu.vector_load %arg14[%get3A_1354] {strides = array<i32>} : memref<256xf32, #tpu.memory_space<vmem>>, vector<16xf32>,
      %mul3A_1356 = arith.mulf %get3A_1353, %get3A_1355 : vector<16xf32>
      %add3A_1357 = arith.addf %add3A_1350, %mul3A_1356 : vector<16xf32>
      %get3A_1358 = arith.index_cast %add3A_1271 : i32 to index
      %get3A_1359 = arith.constant 96 : index
      %get3A_1360 = tpu.vector_load %arg13[%get3A_1358, %get3A_1359] {strides = array<i32>} : memref<128x128xf32, #tpu.memory_space<vmem>>, vector<16xf32>,
      %get3A_1361 = arith.constant 160 : index
      %get3A_1362 = tpu.vector_load %arg14[%get3A_1361] {strides = array<i32>} : memref<256xf32, #tpu.memory_space<vmem>>, vector<16xf32>,
      %mul3A_1363 = arith.mulf %get3A_1360, %get3A_1362 : vector<16xf32>
      %add3A_1364 = arith.addf %add3A_1357, %mul3A_1363 : vector<16xf32>
      %get3A_1365 = arith.index_cast %add3A_1271 : i32 to index
      %get3A_1366 = arith.constant 112 : index
      %get3A_1367 = tpu.vector_load %arg13[%get3A_1365, %get3A_1366] {strides = array<i32>} : memref<128x128xf32, #tpu.memory_space<vmem>>, vector<16xf32>,
      %get3A_1368 = arith.constant 176 : index
      %get3A_1369 = tpu.vector_load %arg14[%get3A_1368] {strides = array<i32>} : memref<256xf32, #tpu.memory_space<vmem>>, vector<16xf32>,
      %mul3A_1370 = arith.mulf %get3A_1367, %get3A_1369 : vector<16xf32>
      %add3A_1371 = arith.addf %add3A_1364, %mul3A_1370 : vector<16xf32>
      %eq3A_1372 = arith.constant 11 : i32
      %eq3A_1373 = vector.broadcast %eq3A_1372 : i32 to vector<16xi32>
      %eq3A_1374 = arith.cmpi eq, %iota3A, %eq3A_1373 : vector<16xi32>
      %reduce_sum3A_1375 = arith.constant true
      %reduce_sum3A_1376 = vector.broadcast %reduce_sum3A_1375 : i1 to vector<16xi1>
      %reduce_sum3A_1377 = tpu.scan <sum>, %add3A_1371 masked %reduce_sum3A_1376 : vector<16xf32>, vector<16xi1> -> vector<16xf32>
      %reduce_sum3A_1378 = vector.extract %reduce_sum3A_1377[15] : f32 from vector<16xf32>
      %broadcast_in_dim3A_1379 = vector.broadcast %reduce_sum3A_1378 : f32 to vector<16xf32>
      %select_n3A_1380 = arith.select %eq3A_1374, %broadcast_in_dim3A_1379, %select_n3A_1267 : vector<16xi1>, vector<16xf32>
      %mul3A_1381 = arith.constant 16 : i32
      %mul3A_1382 = arith.muli %scan3A_26, %mul3A_1381 : i32
      %add3A_1383 = arith.constant 12 : i32
      %add3A_1384 = arith.addi %mul3A_1382, %add3A_1383 : i32
      %get3A_1385 = arith.index_cast %add3A_1384 : i32 to index
      %get3A_1386 = arith.constant 0 : index
      %get3A_1387 = tpu.vector_load %arg11[%get3A_1385, %get3A_1386] {strides = array<i32>} : memref<128x64xf32, #tpu.memory_space<vmem>>, vector<16xf32>,
      %get3A_1388 = arith.index_cast %add3A_1384 : i32 to index
      %get3A_1389 = arith.constant 0 : index
      %get3A_1390 = tpu.vector_load %arg12[%get3A_1388, %get3A_1389] {strides = array<i32>} : memref<128x64xf32, #tpu.memory_space<vmem>>, vector<16xf32>,
      %mul3A_1391 = arith.mulf %get3A_1387, %get3A_1390 : vector<16xf32>
      %get3A_1392 = arith.constant 0 : index
      %get3A_1393 = tpu.vector_load %arg14[%get3A_1392] {strides = array<i32>} : memref<256xf32, #tpu.memory_space<vmem>>, vector<16xf32>,
      %mul3A_1394 = arith.mulf %mul3A_1391, %get3A_1393 : vector<16xf32>
      %add3A_1395 = arith.addf %get3A_19, %mul3A_1394 : vector<16xf32>
      %get3A_1396 = arith.index_cast %add3A_1384 : i32 to index
      %get3A_1397 = arith.constant 16 : index
      %get3A_1398 = tpu.vector_load %arg11[%get3A_1396, %get3A_1397] {strides = array<i32>} : memref<128x64xf32, #tpu.memory_space<vmem>>, vector<16xf32>,
      %get3A_1399 = arith.index_cast %add3A_1384 : i32 to index
      %get3A_1400 = arith.constant 16 : index
      %get3A_1401 = tpu.vector_load %arg12[%get3A_1399, %get3A_1400] {strides = array<i32>} : memref<128x64xf32, #tpu.memory_space<vmem>>, vector<16xf32>,
      %mul3A_1402 = arith.mulf %get3A_1398, %get3A_1401 : vector<16xf32>
      %get3A_1403 = arith.constant 16 : index
      %get3A_1404 = tpu.vector_load %arg14[%get3A_1403] {strides = array<i32>} : memref<256xf32, #tpu.memory_space<vmem>>, vector<16xf32>,
      %mul3A_1405 = arith.mulf %mul3A_1402, %get3A_1404 : vector<16xf32>
      %add3A_1406 = arith.addf %add3A_1395, %mul3A_1405 : vector<16xf32>
      %get3A_1407 = arith.index_cast %add3A_1384 : i32 to index
      %get3A_1408 = arith.constant 32 : index
      %get3A_1409 = tpu.vector_load %arg11[%get3A_1407, %get3A_1408] {strides = array<i32>} : memref<128x64xf32, #tpu.memory_space<vmem>>, vector<16xf32>,
      %get3A_1410 = arith.index_cast %add3A_1384 : i32 to index
      %get3A_1411 = arith.constant 32 : index
      %get3A_1412 = tpu.vector_load %arg12[%get3A_1410, %get3A_1411] {strides = array<i32>} : memref<128x64xf32, #tpu.memory_space<vmem>>, vector<16xf32>,
      %mul3A_1413 = arith.mulf %get3A_1409, %get3A_1412 : vector<16xf32>
      %get3A_1414 = arith.constant 32 : index
      %get3A_1415 = tpu.vector_load %arg14[%get3A_1414] {strides = array<i32>} : memref<256xf32, #tpu.memory_space<vmem>>, vector<16xf32>,
      %mul3A_1416 = arith.mulf %mul3A_1413, %get3A_1415 : vector<16xf32>
      %add3A_1417 = arith.addf %add3A_1406, %mul3A_1416 : vector<16xf32>
      %get3A_1418 = arith.index_cast %add3A_1384 : i32 to index
      %get3A_1419 = arith.constant 48 : index
      %get3A_1420 = tpu.vector_load %arg11[%get3A_1418, %get3A_1419] {strides = array<i32>} : memref<128x64xf32, #tpu.memory_space<vmem>>, vector<16xf32>,
      %get3A_1421 = arith.index_cast %add3A_1384 : i32 to index
      %get3A_1422 = arith.constant 48 : index
      %get3A_1423 = tpu.vector_load %arg12[%get3A_1421, %get3A_1422] {strides = array<i32>} : memref<128x64xf32, #tpu.memory_space<vmem>>, vector<16xf32>,
      %mul3A_1424 = arith.mulf %get3A_1420, %get3A_1423 : vector<16xf32>
      %get3A_1425 = arith.constant 48 : index
      %get3A_1426 = tpu.vector_load %arg14[%get3A_1425] {strides = array<i32>} : memref<256xf32, #tpu.memory_space<vmem>>, vector<16xf32>,
      %mul3A_1427 = arith.mulf %mul3A_1424, %get3A_1426 : vector<16xf32>
      %add3A_1428 = arith.addf %add3A_1417, %mul3A_1427 : vector<16xf32>
      %get3A_1429 = arith.index_cast %add3A_1384 : i32 to index
      %get3A_1430 = arith.constant 0 : index
      %get3A_1431 = tpu.vector_load %arg13[%get3A_1429, %get3A_1430] {strides = array<i32>} : memref<128x128xf32, #tpu.memory_space<vmem>>, vector<16xf32>,
      %get3A_1432 = arith.constant 64 : index
      %get3A_1433 = tpu.vector_load %arg14[%get3A_1432] {strides = array<i32>} : memref<256xf32, #tpu.memory_space<vmem>>, vector<16xf32>,
      %mul3A_1434 = arith.mulf %get3A_1431, %get3A_1433 : vector<16xf32>
      %add3A_1435 = arith.addf %add3A_1428, %mul3A_1434 : vector<16xf32>
      %get3A_1436 = arith.index_cast %add3A_1384 : i32 to index
      %get3A_1437 = arith.constant 16 : index
      %get3A_1438 = tpu.vector_load %arg13[%get3A_1436, %get3A_1437] {strides = array<i32>} : memref<128x128xf32, #tpu.memory_space<vmem>>, vector<16xf32>,
      %get3A_1439 = arith.constant 80 : index
      %get3A_1440 = tpu.vector_load %arg14[%get3A_1439] {strides = array<i32>} : memref<256xf32, #tpu.memory_space<vmem>>, vector<16xf32>,
      %mul3A_1441 = arith.mulf %get3A_1438, %get3A_1440 : vector<16xf32>
      %add3A_1442 = arith.addf %add3A_1435, %mul3A_1441 : vector<16xf32>
      %get3A_1443 = arith.index_cast %add3A_1384 : i32 to index
      %get3A_1444 = arith.constant 32 : index
      %get3A_1445 = tpu.vector_load %arg13[%get3A_1443, %get3A_1444] {strides = array<i32>} : memref<128x128xf32, #tpu.memory_space<vmem>>, vector<16xf32>,
      %get3A_1446 = arith.constant 96 : index
      %get3A_1447 = tpu.vector_load %arg14[%get3A_1446] {strides = array<i32>} : memref<256xf32, #tpu.memory_space<vmem>>, vector<16xf32>,
      %mul3A_1448 = arith.mulf %get3A_1445, %get3A_1447 : vector<16xf32>
      %add3A_1449 = arith.addf %add3A_1442, %mul3A_1448 : vector<16xf32>
      %get3A_1450 = arith.index_cast %add3A_1384 : i32 to index
      %get3A_1451 = arith.constant 48 : index
      %get3A_1452 = tpu.vector_load %arg13[%get3A_1450, %get3A_1451] {strides = array<i32>} : memref<128x128xf32, #tpu.memory_space<vmem>>, vector<16xf32>,
      %get3A_1453 = arith.constant 112 : index
      %get3A_1454 = tpu.vector_load %arg14[%get3A_1453] {strides = array<i32>} : memref<256xf32, #tpu.memory_space<vmem>>, vector<16xf32>,
      %mul3A_1455 = arith.mulf %get3A_1452, %get3A_1454 : vector<16xf32>
      %add3A_1456 = arith.addf %add3A_1449, %mul3A_1455 : vector<16xf32>
      %get3A_1457 = arith.index_cast %add3A_1384 : i32 to index
      %get3A_1458 = arith.constant 64 : index
      %get3A_1459 = tpu.vector_load %arg13[%get3A_1457, %get3A_1458] {strides = array<i32>} : memref<128x128xf32, #tpu.memory_space<vmem>>, vector<16xf32>,
      %get3A_1460 = arith.constant 128 : index
      %get3A_1461 = tpu.vector_load %arg14[%get3A_1460] {strides = array<i32>} : memref<256xf32, #tpu.memory_space<vmem>>, vector<16xf32>,
      %mul3A_1462 = arith.mulf %get3A_1459, %get3A_1461 : vector<16xf32>
      %add3A_1463 = arith.addf %add3A_1456, %mul3A_1462 : vector<16xf32>
      %get3A_1464 = arith.index_cast %add3A_1384 : i32 to index
      %get3A_1465 = arith.constant 80 : index
      %get3A_1466 = tpu.vector_load %arg13[%get3A_1464, %get3A_1465] {strides = array<i32>} : memref<128x128xf32, #tpu.memory_space<vmem>>, vector<16xf32>,
      %get3A_1467 = arith.constant 144 : index
      %get3A_1468 = tpu.vector_load %arg14[%get3A_1467] {strides = array<i32>} : memref<256xf32, #tpu.memory_space<vmem>>, vector<16xf32>,
      %mul3A_1469 = arith.mulf %get3A_1466, %get3A_1468 : vector<16xf32>
      %add3A_1470 = arith.addf %add3A_1463, %mul3A_1469 : vector<16xf32>
      %get3A_1471 = arith.index_cast %add3A_1384 : i32 to index
      %get3A_1472 = arith.constant 96 : index
      %get3A_1473 = tpu.vector_load %arg13[%get3A_1471, %get3A_1472] {strides = array<i32>} : memref<128x128xf32, #tpu.memory_space<vmem>>, vector<16xf32>,
      %get3A_1474 = arith.constant 160 : index
      %get3A_1475 = tpu.vector_load %arg14[%get3A_1474] {strides = array<i32>} : memref<256xf32, #tpu.memory_space<vmem>>, vector<16xf32>,
      %mul3A_1476 = arith.mulf %get3A_1473, %get3A_1475 : vector<16xf32>
      %add3A_1477 = arith.addf %add3A_1470, %mul3A_1476 : vector<16xf32>
      %get3A_1478 = arith.index_cast %add3A_1384 : i32 to index
      %get3A_1479 = arith.constant 112 : index
      %get3A_1480 = tpu.vector_load %arg13[%get3A_1478, %get3A_1479] {strides = array<i32>} : memref<128x128xf32, #tpu.memory_space<vmem>>, vector<16xf32>,
      %get3A_1481 = arith.constant 176 : index
      %get3A_1482 = tpu.vector_load %arg14[%get3A_1481] {strides = array<i32>} : memref<256xf32, #tpu.memory_space<vmem>>, vector<16xf32>,
      %mul3A_1483 = arith.mulf %get3A_1480, %get3A_1482 : vector<16xf32>
      %add3A_1484 = arith.addf %add3A_1477, %mul3A_1483 : vector<16xf32>
      %eq3A_1485 = arith.constant 12 : i32
      %eq3A_1486 = vector.broadcast %eq3A_1485 : i32 to vector<16xi32>
      %eq3A_1487 = arith.cmpi eq, %iota3A, %eq3A_1486 : vector<16xi32>
      %reduce_sum3A_1488 = arith.constant true
      %reduce_sum3A_1489 = vector.broadcast %reduce_sum3A_1488 : i1 to vector<16xi1>
      %reduce_sum3A_1490 = tpu.scan <sum>, %add3A_1484 masked %reduce_sum3A_1489 : vector<16xf32>, vector<16xi1> -> vector<16xf32>
      %reduce_sum3A_1491 = vector.extract %reduce_sum3A_1490[15] : f32 from vector<16xf32>
      %broadcast_in_dim3A_1492 = vector.broadcast %reduce_sum3A_1491 : f32 to vector<16xf32>
      %select_n3A_1493 = arith.select %eq3A_1487, %broadcast_in_dim3A_1492, %select_n3A_1380 : vector<16xi1>, vector<16xf32>
      %mul3A_1494 = arith.constant 16 : i32
      %mul3A_1495 = arith.muli %scan3A_26, %mul3A_1494 : i32
      %add3A_1496 = arith.constant 13 : i32
      %add3A_1497 = arith.addi %mul3A_1495, %add3A_1496 : i32
      %get3A_1498 = arith.index_cast %add3A_1497 : i32 to index
      %get3A_1499 = arith.constant 0 : index
      %get3A_1500 = tpu.vector_load %arg11[%get3A_1498, %get3A_1499] {strides = array<i32>} : memref<128x64xf32, #tpu.memory_space<vmem>>, vector<16xf32>,
      %get3A_1501 = arith.index_cast %add3A_1497 : i32 to index
      %get3A_1502 = arith.constant 0 : index
      %get3A_1503 = tpu.vector_load %arg12[%get3A_1501, %get3A_1502] {strides = array<i32>} : memref<128x64xf32, #tpu.memory_space<vmem>>, vector<16xf32>,
      %mul3A_1504 = arith.mulf %get3A_1500, %get3A_1503 : vector<16xf32>
      %get3A_1505 = arith.constant 0 : index
      %get3A_1506 = tpu.vector_load %arg14[%get3A_1505] {strides = array<i32>} : memref<256xf32, #tpu.memory_space<vmem>>, vector<16xf32>,
      %mul3A_1507 = arith.mulf %mul3A_1504, %get3A_1506 : vector<16xf32>
      %add3A_1508 = arith.addf %get3A_19, %mul3A_1507 : vector<16xf32>
      %get3A_1509 = arith.index_cast %add3A_1497 : i32 to index
      %get3A_1510 = arith.constant 16 : index
      %get3A_1511 = tpu.vector_load %arg11[%get3A_1509, %get3A_1510] {strides = array<i32>} : memref<128x64xf32, #tpu.memory_space<vmem>>, vector<16xf32>,
      %get3A_1512 = arith.index_cast %add3A_1497 : i32 to index
      %get3A_1513 = arith.constant 16 : index
      %get3A_1514 = tpu.vector_load %arg12[%get3A_1512, %get3A_1513] {strides = array<i32>} : memref<128x64xf32, #tpu.memory_space<vmem>>, vector<16xf32>,
      %mul3A_1515 = arith.mulf %get3A_1511, %get3A_1514 : vector<16xf32>
      %get3A_1516 = arith.constant 16 : index
      %get3A_1517 = tpu.vector_load %arg14[%get3A_1516] {strides = array<i32>} : memref<256xf32, #tpu.memory_space<vmem>>, vector<16xf32>,
      %mul3A_1518 = arith.mulf %mul3A_1515, %get3A_1517 : vector<16xf32>
      %add3A_1519 = arith.addf %add3A_1508, %mul3A_1518 : vector<16xf32>
      %get3A_1520 = arith.index_cast %add3A_1497 : i32 to index
      %get3A_1521 = arith.constant 32 : index
      %get3A_1522 = tpu.vector_load %arg11[%get3A_1520, %get3A_1521] {strides = array<i32>} : memref<128x64xf32, #tpu.memory_space<vmem>>, vector<16xf32>,
      %get3A_1523 = arith.index_cast %add3A_1497 : i32 to index
      %get3A_1524 = arith.constant 32 : index
      %get3A_1525 = tpu.vector_load %arg12[%get3A_1523, %get3A_1524] {strides = array<i32>} : memref<128x64xf32, #tpu.memory_space<vmem>>, vector<16xf32>,
      %mul3A_1526 = arith.mulf %get3A_1522, %get3A_1525 : vector<16xf32>
      %get3A_1527 = arith.constant 32 : index
      %get3A_1528 = tpu.vector_load %arg14[%get3A_1527] {strides = array<i32>} : memref<256xf32, #tpu.memory_space<vmem>>, vector<16xf32>,
      %mul3A_1529 = arith.mulf %mul3A_1526, %get3A_1528 : vector<16xf32>
      %add3A_1530 = arith.addf %add3A_1519, %mul3A_1529 : vector<16xf32>
      %get3A_1531 = arith.index_cast %add3A_1497 : i32 to index
      %get3A_1532 = arith.constant 48 : index
      %get3A_1533 = tpu.vector_load %arg11[%get3A_1531, %get3A_1532] {strides = array<i32>} : memref<128x64xf32, #tpu.memory_space<vmem>>, vector<16xf32>,
      %get3A_1534 = arith.index_cast %add3A_1497 : i32 to index
      %get3A_1535 = arith.constant 48 : index
      %get3A_1536 = tpu.vector_load %arg12[%get3A_1534, %get3A_1535] {strides = array<i32>} : memref<128x64xf32, #tpu.memory_space<vmem>>, vector<16xf32>,
      %mul3A_1537 = arith.mulf %get3A_1533, %get3A_1536 : vector<16xf32>
      %get3A_1538 = arith.constant 48 : index
      %get3A_1539 = tpu.vector_load %arg14[%get3A_1538] {strides = array<i32>} : memref<256xf32, #tpu.memory_space<vmem>>, vector<16xf32>,
      %mul3A_1540 = arith.mulf %mul3A_1537, %get3A_1539 : vector<16xf32>
      %add3A_1541 = arith.addf %add3A_1530, %mul3A_1540 : vector<16xf32>
      %get3A_1542 = arith.index_cast %add3A_1497 : i32 to index
      %get3A_1543 = arith.constant 0 : index
      %get3A_1544 = tpu.vector_load %arg13[%get3A_1542, %get3A_1543] {strides = array<i32>} : memref<128x128xf32, #tpu.memory_space<vmem>>, vector<16xf32>,
      %get3A_1545 = arith.constant 64 : index
      %get3A_1546 = tpu.vector_load %arg14[%get3A_1545] {strides = array<i32>} : memref<256xf32, #tpu.memory_space<vmem>>, vector<16xf32>,
      %mul3A_1547 = arith.mulf %get3A_1544, %get3A_1546 : vector<16xf32>
      %add3A_1548 = arith.addf %add3A_1541, %mul3A_1547 : vector<16xf32>
      %get3A_1549 = arith.index_cast %add3A_1497 : i32 to index
      %get3A_1550 = arith.constant 16 : index
      %get3A_1551 = tpu.vector_load %arg13[%get3A_1549, %get3A_1550] {strides = array<i32>} : memref<128x128xf32, #tpu.memory_space<vmem>>, vector<16xf32>,
      %get3A_1552 = arith.constant 80 : index
      %get3A_1553 = tpu.vector_load %arg14[%get3A_1552] {strides = array<i32>} : memref<256xf32, #tpu.memory_space<vmem>>, vector<16xf32>,
      %mul3A_1554 = arith.mulf %get3A_1551, %get3A_1553 : vector<16xf32>
      %add3A_1555 = arith.addf %add3A_1548, %mul3A_1554 : vector<16xf32>
      %get3A_1556 = arith.index_cast %add3A_1497 : i32 to index
      %get3A_1557 = arith.constant 32 : index
      %get3A_1558 = tpu.vector_load %arg13[%get3A_1556, %get3A_1557] {strides = array<i32>} : memref<128x128xf32, #tpu.memory_space<vmem>>, vector<16xf32>,
      %get3A_1559 = arith.constant 96 : index
      %get3A_1560 = tpu.vector_load %arg14[%get3A_1559] {strides = array<i32>} : memref<256xf32, #tpu.memory_space<vmem>>, vector<16xf32>,
      %mul3A_1561 = arith.mulf %get3A_1558, %get3A_1560 : vector<16xf32>
      %add3A_1562 = arith.addf %add3A_1555, %mul3A_1561 : vector<16xf32>
      %get3A_1563 = arith.index_cast %add3A_1497 : i32 to index
      %get3A_1564 = arith.constant 48 : index
      %get3A_1565 = tpu.vector_load %arg13[%get3A_1563, %get3A_1564] {strides = array<i32>} : memref<128x128xf32, #tpu.memory_space<vmem>>, vector<16xf32>,
      %get3A_1566 = arith.constant 112 : index
      %get3A_1567 = tpu.vector_load %arg14[%get3A_1566] {strides = array<i32>} : memref<256xf32, #tpu.memory_space<vmem>>, vector<16xf32>,
      %mul3A_1568 = arith.mulf %get3A_1565, %get3A_1567 : vector<16xf32>
      %add3A_1569 = arith.addf %add3A_1562, %mul3A_1568 : vector<16xf32>
      %get3A_1570 = arith.index_cast %add3A_1497 : i32 to index
      %get3A_1571 = arith.constant 64 : index
      %get3A_1572 = tpu.vector_load %arg13[%get3A_1570, %get3A_1571] {strides = array<i32>} : memref<128x128xf32, #tpu.memory_space<vmem>>, vector<16xf32>,
      %get3A_1573 = arith.constant 128 : index
      %get3A_1574 = tpu.vector_load %arg14[%get3A_1573] {strides = array<i32>} : memref<256xf32, #tpu.memory_space<vmem>>, vector<16xf32>,
      %mul3A_1575 = arith.mulf %get3A_1572, %get3A_1574 : vector<16xf32>
      %add3A_1576 = arith.addf %add3A_1569, %mul3A_1575 : vector<16xf32>
      %get3A_1577 = arith.index_cast %add3A_1497 : i32 to index
      %get3A_1578 = arith.constant 80 : index
      %get3A_1579 = tpu.vector_load %arg13[%get3A_1577, %get3A_1578] {strides = array<i32>} : memref<128x128xf32, #tpu.memory_space<vmem>>, vector<16xf32>,
      %get3A_1580 = arith.constant 144 : index
      %get3A_1581 = tpu.vector_load %arg14[%get3A_1580] {strides = array<i32>} : memref<256xf32, #tpu.memory_space<vmem>>, vector<16xf32>,
      %mul3A_1582 = arith.mulf %get3A_1579, %get3A_1581 : vector<16xf32>
      %add3A_1583 = arith.addf %add3A_1576, %mul3A_1582 : vector<16xf32>
      %get3A_1584 = arith.index_cast %add3A_1497 : i32 to index
      %get3A_1585 = arith.constant 96 : index
      %get3A_1586 = tpu.vector_load %arg13[%get3A_1584, %get3A_1585] {strides = array<i32>} : memref<128x128xf32, #tpu.memory_space<vmem>>, vector<16xf32>,
      %get3A_1587 = arith.constant 160 : index
      %get3A_1588 = tpu.vector_load %arg14[%get3A_1587] {strides = array<i32>} : memref<256xf32, #tpu.memory_space<vmem>>, vector<16xf32>,
      %mul3A_1589 = arith.mulf %get3A_1586, %get3A_1588 : vector<16xf32>
      %add3A_1590 = arith.addf %add3A_1583, %mul3A_1589 : vector<16xf32>
      %get3A_1591 = arith.index_cast %add3A_1497 : i32 to index
      %get3A_1592 = arith.constant 112 : index
      %get3A_1593 = tpu.vector_load %arg13[%get3A_1591, %get3A_1592] {strides = array<i32>} : memref<128x128xf32, #tpu.memory_space<vmem>>, vector<16xf32>,
      %get3A_1594 = arith.constant 176 : index
      %get3A_1595 = tpu.vector_load %arg14[%get3A_1594] {strides = array<i32>} : memref<256xf32, #tpu.memory_space<vmem>>, vector<16xf32>,
      %mul3A_1596 = arith.mulf %get3A_1593, %get3A_1595 : vector<16xf32>
      %add3A_1597 = arith.addf %add3A_1590, %mul3A_1596 : vector<16xf32>
      %eq3A_1598 = arith.constant 13 : i32
      %eq3A_1599 = vector.broadcast %eq3A_1598 : i32 to vector<16xi32>
      %eq3A_1600 = arith.cmpi eq, %iota3A, %eq3A_1599 : vector<16xi32>
      %reduce_sum3A_1601 = arith.constant true
      %reduce_sum3A_1602 = vector.broadcast %reduce_sum3A_1601 : i1 to vector<16xi1>
      %reduce_sum3A_1603 = tpu.scan <sum>, %add3A_1597 masked %reduce_sum3A_1602 : vector<16xf32>, vector<16xi1> -> vector<16xf32>
      %reduce_sum3A_1604 = vector.extract %reduce_sum3A_1603[15] : f32 from vector<16xf32>
      %broadcast_in_dim3A_1605 = vector.broadcast %reduce_sum3A_1604 : f32 to vector<16xf32>
      %select_n3A_1606 = arith.select %eq3A_1600, %broadcast_in_dim3A_1605, %select_n3A_1493 : vector<16xi1>, vector<16xf32>
      %mul3A_1607 = arith.constant 16 : i32
      %mul3A_1608 = arith.muli %scan3A_26, %mul3A_1607 : i32
      %add3A_1609 = arith.constant 14 : i32
      %add3A_1610 = arith.addi %mul3A_1608, %add3A_1609 : i32
      %get3A_1611 = arith.index_cast %add3A_1610 : i32 to index
      %get3A_1612 = arith.constant 0 : index
      %get3A_1613 = tpu.vector_load %arg11[%get3A_1611, %get3A_1612] {strides = array<i32>} : memref<128x64xf32, #tpu.memory_space<vmem>>, vector<16xf32>,
      %get3A_1614 = arith.index_cast %add3A_1610 : i32 to index
      %get3A_1615 = arith.constant 0 : index
      %get3A_1616 = tpu.vector_load %arg12[%get3A_1614, %get3A_1615] {strides = array<i32>} : memref<128x64xf32, #tpu.memory_space<vmem>>, vector<16xf32>,
      %mul3A_1617 = arith.mulf %get3A_1613, %get3A_1616 : vector<16xf32>
      %get3A_1618 = arith.constant 0 : index
      %get3A_1619 = tpu.vector_load %arg14[%get3A_1618] {strides = array<i32>} : memref<256xf32, #tpu.memory_space<vmem>>, vector<16xf32>,
      %mul3A_1620 = arith.mulf %mul3A_1617, %get3A_1619 : vector<16xf32>
      %add3A_1621 = arith.addf %get3A_19, %mul3A_1620 : vector<16xf32>
      %get3A_1622 = arith.index_cast %add3A_1610 : i32 to index
      %get3A_1623 = arith.constant 16 : index
      %get3A_1624 = tpu.vector_load %arg11[%get3A_1622, %get3A_1623] {strides = array<i32>} : memref<128x64xf32, #tpu.memory_space<vmem>>, vector<16xf32>,
      %get3A_1625 = arith.index_cast %add3A_1610 : i32 to index
      %get3A_1626 = arith.constant 16 : index
      %get3A_1627 = tpu.vector_load %arg12[%get3A_1625, %get3A_1626] {strides = array<i32>} : memref<128x64xf32, #tpu.memory_space<vmem>>, vector<16xf32>,
      %mul3A_1628 = arith.mulf %get3A_1624, %get3A_1627 : vector<16xf32>
      %get3A_1629 = arith.constant 16 : index
      %get3A_1630 = tpu.vector_load %arg14[%get3A_1629] {strides = array<i32>} : memref<256xf32, #tpu.memory_space<vmem>>, vector<16xf32>,
      %mul3A_1631 = arith.mulf %mul3A_1628, %get3A_1630 : vector<16xf32>
      %add3A_1632 = arith.addf %add3A_1621, %mul3A_1631 : vector<16xf32>
      %get3A_1633 = arith.index_cast %add3A_1610 : i32 to index
      %get3A_1634 = arith.constant 32 : index
      %get3A_1635 = tpu.vector_load %arg11[%get3A_1633, %get3A_1634] {strides = array<i32>} : memref<128x64xf32, #tpu.memory_space<vmem>>, vector<16xf32>,
      %get3A_1636 = arith.index_cast %add3A_1610 : i32 to index
      %get3A_1637 = arith.constant 32 : index
      %get3A_1638 = tpu.vector_load %arg12[%get3A_1636, %get3A_1637] {strides = array<i32>} : memref<128x64xf32, #tpu.memory_space<vmem>>, vector<16xf32>,
      %mul3A_1639 = arith.mulf %get3A_1635, %get3A_1638 : vector<16xf32>
      %get3A_1640 = arith.constant 32 : index
      %get3A_1641 = tpu.vector_load %arg14[%get3A_1640] {strides = array<i32>} : memref<256xf32, #tpu.memory_space<vmem>>, vector<16xf32>,
      %mul3A_1642 = arith.mulf %mul3A_1639, %get3A_1641 : vector<16xf32>
      %add3A_1643 = arith.addf %add3A_1632, %mul3A_1642 : vector<16xf32>
      %get3A_1644 = arith.index_cast %add3A_1610 : i32 to index
      %get3A_1645 = arith.constant 48 : index
      %get3A_1646 = tpu.vector_load %arg11[%get3A_1644, %get3A_1645] {strides = array<i32>} : memref<128x64xf32, #tpu.memory_space<vmem>>, vector<16xf32>,
      %get3A_1647 = arith.index_cast %add3A_1610 : i32 to index
      %get3A_1648 = arith.constant 48 : index
      %get3A_1649 = tpu.vector_load %arg12[%get3A_1647, %get3A_1648] {strides = array<i32>} : memref<128x64xf32, #tpu.memory_space<vmem>>, vector<16xf32>,
      %mul3A_1650 = arith.mulf %get3A_1646, %get3A_1649 : vector<16xf32>
      %get3A_1651 = arith.constant 48 : index
      %get3A_1652 = tpu.vector_load %arg14[%get3A_1651] {strides = array<i32>} : memref<256xf32, #tpu.memory_space<vmem>>, vector<16xf32>,
      %mul3A_1653 = arith.mulf %mul3A_1650, %get3A_1652 : vector<16xf32>
      %add3A_1654 = arith.addf %add3A_1643, %mul3A_1653 : vector<16xf32>
      %get3A_1655 = arith.index_cast %add3A_1610 : i32 to index
      %get3A_1656 = arith.constant 0 : index
      %get3A_1657 = tpu.vector_load %arg13[%get3A_1655, %get3A_1656] {strides = array<i32>} : memref<128x128xf32, #tpu.memory_space<vmem>>, vector<16xf32>,
      %get3A_1658 = arith.constant 64 : index
      %get3A_1659 = tpu.vector_load %arg14[%get3A_1658] {strides = array<i32>} : memref<256xf32, #tpu.memory_space<vmem>>, vector<16xf32>,
      %mul3A_1660 = arith.mulf %get3A_1657, %get3A_1659 : vector<16xf32>
      %add3A_1661 = arith.addf %add3A_1654, %mul3A_1660 : vector<16xf32>
      %get3A_1662 = arith.index_cast %add3A_1610 : i32 to index
      %get3A_1663 = arith.constant 16 : index
      %get3A_1664 = tpu.vector_load %arg13[%get3A_1662, %get3A_1663] {strides = array<i32>} : memref<128x128xf32, #tpu.memory_space<vmem>>, vector<16xf32>,
      %get3A_1665 = arith.constant 80 : index
      %get3A_1666 = tpu.vector_load %arg14[%get3A_1665] {strides = array<i32>} : memref<256xf32, #tpu.memory_space<vmem>>, vector<16xf32>,
      %mul3A_1667 = arith.mulf %get3A_1664, %get3A_1666 : vector<16xf32>
      %add3A_1668 = arith.addf %add3A_1661, %mul3A_1667 : vector<16xf32>
      %get3A_1669 = arith.index_cast %add3A_1610 : i32 to index
      %get3A_1670 = arith.constant 32 : index
      %get3A_1671 = tpu.vector_load %arg13[%get3A_1669, %get3A_1670] {strides = array<i32>} : memref<128x128xf32, #tpu.memory_space<vmem>>, vector<16xf32>,
      %get3A_1672 = arith.constant 96 : index
      %get3A_1673 = tpu.vector_load %arg14[%get3A_1672] {strides = array<i32>} : memref<256xf32, #tpu.memory_space<vmem>>, vector<16xf32>,
      %mul3A_1674 = arith.mulf %get3A_1671, %get3A_1673 : vector<16xf32>
      %add3A_1675 = arith.addf %add3A_1668, %mul3A_1674 : vector<16xf32>
      %get3A_1676 = arith.index_cast %add3A_1610 : i32 to index
      %get3A_1677 = arith.constant 48 : index
      %get3A_1678 = tpu.vector_load %arg13[%get3A_1676, %get3A_1677] {strides = array<i32>} : memref<128x128xf32, #tpu.memory_space<vmem>>, vector<16xf32>,
      %get3A_1679 = arith.constant 112 : index
      %get3A_1680 = tpu.vector_load %arg14[%get3A_1679] {strides = array<i32>} : memref<256xf32, #tpu.memory_space<vmem>>, vector<16xf32>,
      %mul3A_1681 = arith.mulf %get3A_1678, %get3A_1680 : vector<16xf32>
      %add3A_1682 = arith.addf %add3A_1675, %mul3A_1681 : vector<16xf32>
      %get3A_1683 = arith.index_cast %add3A_1610 : i32 to index
      %get3A_1684 = arith.constant 64 : index
      %get3A_1685 = tpu.vector_load %arg13[%get3A_1683, %get3A_1684] {strides = array<i32>} : memref<128x128xf32, #tpu.memory_space<vmem>>, vector<16xf32>,
      %get3A_1686 = arith.constant 128 : index
      %get3A_1687 = tpu.vector_load %arg14[%get3A_1686] {strides = array<i32>} : memref<256xf32, #tpu.memory_space<vmem>>, vector<16xf32>,
      %mul3A_1688 = arith.mulf %get3A_1685, %get3A_1687 : vector<16xf32>
      %add3A_1689 = arith.addf %add3A_1682, %mul3A_1688 : vector<16xf32>
      %get3A_1690 = arith.index_cast %add3A_1610 : i32 to index
      %get3A_1691 = arith.constant 80 : index
      %get3A_1692 = tpu.vector_load %arg13[%get3A_1690, %get3A_1691] {strides = array<i32>} : memref<128x128xf32, #tpu.memory_space<vmem>>, vector<16xf32>,
      %get3A_1693 = arith.constant 144 : index
      %get3A_1694 = tpu.vector_load %arg14[%get3A_1693] {strides = array<i32>} : memref<256xf32, #tpu.memory_space<vmem>>, vector<16xf32>,
      %mul3A_1695 = arith.mulf %get3A_1692, %get3A_1694 : vector<16xf32>
      %add3A_1696 = arith.addf %add3A_1689, %mul3A_1695 : vector<16xf32>
      %get3A_1697 = arith.index_cast %add3A_1610 : i32 to index
      %get3A_1698 = arith.constant 96 : index
      %get3A_1699 = tpu.vector_load %arg13[%get3A_1697, %get3A_1698] {strides = array<i32>} : memref<128x128xf32, #tpu.memory_space<vmem>>, vector<16xf32>,
      %get3A_1700 = arith.constant 160 : index
      %get3A_1701 = tpu.vector_load %arg14[%get3A_1700] {strides = array<i32>} : memref<256xf32, #tpu.memory_space<vmem>>, vector<16xf32>,
      %mul3A_1702 = arith.mulf %get3A_1699, %get3A_1701 : vector<16xf32>
      %add3A_1703 = arith.addf %add3A_1696, %mul3A_1702 : vector<16xf32>
      %get3A_1704 = arith.index_cast %add3A_1610 : i32 to index
      %get3A_1705 = arith.constant 112 : index
      %get3A_1706 = tpu.vector_load %arg13[%get3A_1704, %get3A_1705] {strides = array<i32>} : memref<128x128xf32, #tpu.memory_space<vmem>>, vector<16xf32>,
      %get3A_1707 = arith.constant 176 : index
      %get3A_1708 = tpu.vector_load %arg14[%get3A_1707] {strides = array<i32>} : memref<256xf32, #tpu.memory_space<vmem>>, vector<16xf32>,
      %mul3A_1709 = arith.mulf %get3A_1706, %get3A_1708 : vector<16xf32>
      %add3A_1710 = arith.addf %add3A_1703, %mul3A_1709 : vector<16xf32>
      %eq3A_1711 = arith.constant 14 : i32
      %eq3A_1712 = vector.broadcast %eq3A_1711 : i32 to vector<16xi32>
      %eq3A_1713 = arith.cmpi eq, %iota3A, %eq3A_1712 : vector<16xi32>
      %reduce_sum3A_1714 = arith.constant true
      %reduce_sum3A_1715 = vector.broadcast %reduce_sum3A_1714 : i1 to vector<16xi1>
      %reduce_sum3A_1716 = tpu.scan <sum>, %add3A_1710 masked %reduce_sum3A_1715 : vector<16xf32>, vector<16xi1> -> vector<16xf32>
      %reduce_sum3A_1717 = vector.extract %reduce_sum3A_1716[15] : f32 from vector<16xf32>
      %broadcast_in_dim3A_1718 = vector.broadcast %reduce_sum3A_1717 : f32 to vector<16xf32>
      %select_n3A_1719 = arith.select %eq3A_1713, %broadcast_in_dim3A_1718, %select_n3A_1606 : vector<16xi1>, vector<16xf32>
      %mul3A_1720 = arith.constant 16 : i32
      %mul3A_1721 = arith.muli %scan3A_26, %mul3A_1720 : i32
      %add3A_1722 = arith.constant 15 : i32
      %add3A_1723 = arith.addi %mul3A_1721, %add3A_1722 : i32
      %get3A_1724 = arith.index_cast %add3A_1723 : i32 to index
      %get3A_1725 = arith.constant 0 : index
      %get3A_1726 = tpu.vector_load %arg11[%get3A_1724, %get3A_1725] {strides = array<i32>} : memref<128x64xf32, #tpu.memory_space<vmem>>, vector<16xf32>,
      %get3A_1727 = arith.index_cast %add3A_1723 : i32 to index
      %get3A_1728 = arith.constant 0 : index
      %get3A_1729 = tpu.vector_load %arg12[%get3A_1727, %get3A_1728] {strides = array<i32>} : memref<128x64xf32, #tpu.memory_space<vmem>>, vector<16xf32>,
      %mul3A_1730 = arith.mulf %get3A_1726, %get3A_1729 : vector<16xf32>
      %get3A_1731 = arith.constant 0 : index
      %get3A_1732 = tpu.vector_load %arg14[%get3A_1731] {strides = array<i32>} : memref<256xf32, #tpu.memory_space<vmem>>, vector<16xf32>,
      %mul3A_1733 = arith.mulf %mul3A_1730, %get3A_1732 : vector<16xf32>
      %add3A_1734 = arith.addf %get3A_19, %mul3A_1733 : vector<16xf32>
      %get3A_1735 = arith.index_cast %add3A_1723 : i32 to index
      %get3A_1736 = arith.constant 16 : index
      %get3A_1737 = tpu.vector_load %arg11[%get3A_1735, %get3A_1736] {strides = array<i32>} : memref<128x64xf32, #tpu.memory_space<vmem>>, vector<16xf32>,
      %get3A_1738 = arith.index_cast %add3A_1723 : i32 to index
      %get3A_1739 = arith.constant 16 : index
      %get3A_1740 = tpu.vector_load %arg12[%get3A_1738, %get3A_1739] {strides = array<i32>} : memref<128x64xf32, #tpu.memory_space<vmem>>, vector<16xf32>,
      %mul3A_1741 = arith.mulf %get3A_1737, %get3A_1740 : vector<16xf32>
      %get3A_1742 = arith.constant 16 : index
      %get3A_1743 = tpu.vector_load %arg14[%get3A_1742] {strides = array<i32>} : memref<256xf32, #tpu.memory_space<vmem>>, vector<16xf32>,
      %mul3A_1744 = arith.mulf %mul3A_1741, %get3A_1743 : vector<16xf32>
      %add3A_1745 = arith.addf %add3A_1734, %mul3A_1744 : vector<16xf32>
      %get3A_1746 = arith.index_cast %add3A_1723 : i32 to index
      %get3A_1747 = arith.constant 32 : index
      %get3A_1748 = tpu.vector_load %arg11[%get3A_1746, %get3A_1747] {strides = array<i32>} : memref<128x64xf32, #tpu.memory_space<vmem>>, vector<16xf32>,
      %get3A_1749 = arith.index_cast %add3A_1723 : i32 to index
      %get3A_1750 = arith.constant 32 : index
      %get3A_1751 = tpu.vector_load %arg12[%get3A_1749, %get3A_1750] {strides = array<i32>} : memref<128x64xf32, #tpu.memory_space<vmem>>, vector<16xf32>,
      %mul3A_1752 = arith.mulf %get3A_1748, %get3A_1751 : vector<16xf32>
      %get3A_1753 = arith.constant 32 : index
      %get3A_1754 = tpu.vector_load %arg14[%get3A_1753] {strides = array<i32>} : memref<256xf32, #tpu.memory_space<vmem>>, vector<16xf32>,
      %mul3A_1755 = arith.mulf %mul3A_1752, %get3A_1754 : vector<16xf32>
      %add3A_1756 = arith.addf %add3A_1745, %mul3A_1755 : vector<16xf32>
      %get3A_1757 = arith.index_cast %add3A_1723 : i32 to index
      %get3A_1758 = arith.constant 48 : index
      %get3A_1759 = tpu.vector_load %arg11[%get3A_1757, %get3A_1758] {strides = array<i32>} : memref<128x64xf32, #tpu.memory_space<vmem>>, vector<16xf32>,
      %get3A_1760 = arith.index_cast %add3A_1723 : i32 to index
      %get3A_1761 = arith.constant 48 : index
      %get3A_1762 = tpu.vector_load %arg12[%get3A_1760, %get3A_1761] {strides = array<i32>} : memref<128x64xf32, #tpu.memory_space<vmem>>, vector<16xf32>,
      %mul3A_1763 = arith.mulf %get3A_1759, %get3A_1762 : vector<16xf32>
      %get3A_1764 = arith.constant 48 : index
      %get3A_1765 = tpu.vector_load %arg14[%get3A_1764] {strides = array<i32>} : memref<256xf32, #tpu.memory_space<vmem>>, vector<16xf32>,
      %mul3A_1766 = arith.mulf %mul3A_1763, %get3A_1765 : vector<16xf32>
      %add3A_1767 = arith.addf %add3A_1756, %mul3A_1766 : vector<16xf32>
      %get3A_1768 = arith.index_cast %add3A_1723 : i32 to index
      %get3A_1769 = arith.constant 0 : index
      %get3A_1770 = tpu.vector_load %arg13[%get3A_1768, %get3A_1769] {strides = array<i32>} : memref<128x128xf32, #tpu.memory_space<vmem>>, vector<16xf32>,
      %get3A_1771 = arith.constant 64 : index
      %get3A_1772 = tpu.vector_load %arg14[%get3A_1771] {strides = array<i32>} : memref<256xf32, #tpu.memory_space<vmem>>, vector<16xf32>,
      %mul3A_1773 = arith.mulf %get3A_1770, %get3A_1772 : vector<16xf32>
      %add3A_1774 = arith.addf %add3A_1767, %mul3A_1773 : vector<16xf32>
      %get3A_1775 = arith.index_cast %add3A_1723 : i32 to index
      %get3A_1776 = arith.constant 16 : index
      %get3A_1777 = tpu.vector_load %arg13[%get3A_1775, %get3A_1776] {strides = array<i32>} : memref<128x128xf32, #tpu.memory_space<vmem>>, vector<16xf32>,
      %get3A_1778 = arith.constant 80 : index
      %get3A_1779 = tpu.vector_load %arg14[%get3A_1778] {strides = array<i32>} : memref<256xf32, #tpu.memory_space<vmem>>, vector<16xf32>,
      %mul3A_1780 = arith.mulf %get3A_1777, %get3A_1779 : vector<16xf32>
      %add3A_1781 = arith.addf %add3A_1774, %mul3A_1780 : vector<16xf32>
      %get3A_1782 = arith.index_cast %add3A_1723 : i32 to index
      %get3A_1783 = arith.constant 32 : index
      %get3A_1784 = tpu.vector_load %arg13[%get3A_1782, %get3A_1783] {strides = array<i32>} : memref<128x128xf32, #tpu.memory_space<vmem>>, vector<16xf32>,
      %get3A_1785 = arith.constant 96 : index
      %get3A_1786 = tpu.vector_load %arg14[%get3A_1785] {strides = array<i32>} : memref<256xf32, #tpu.memory_space<vmem>>, vector<16xf32>,
      %mul3A_1787 = arith.mulf %get3A_1784, %get3A_1786 : vector<16xf32>
      %add3A_1788 = arith.addf %add3A_1781, %mul3A_1787 : vector<16xf32>
      %get3A_1789 = arith.index_cast %add3A_1723 : i32 to index
      %get3A_1790 = arith.constant 48 : index
      %get3A_1791 = tpu.vector_load %arg13[%get3A_1789, %get3A_1790] {strides = array<i32>} : memref<128x128xf32, #tpu.memory_space<vmem>>, vector<16xf32>,
      %get3A_1792 = arith.constant 112 : index
      %get3A_1793 = tpu.vector_load %arg14[%get3A_1792] {strides = array<i32>} : memref<256xf32, #tpu.memory_space<vmem>>, vector<16xf32>,
      %mul3A_1794 = arith.mulf %get3A_1791, %get3A_1793 : vector<16xf32>
      %add3A_1795 = arith.addf %add3A_1788, %mul3A_1794 : vector<16xf32>
      %get3A_1796 = arith.index_cast %add3A_1723 : i32 to index
      %get3A_1797 = arith.constant 64 : index
      %get3A_1798 = tpu.vector_load %arg13[%get3A_1796, %get3A_1797] {strides = array<i32>} : memref<128x128xf32, #tpu.memory_space<vmem>>, vector<16xf32>,
      %get3A_1799 = arith.constant 128 : index
      %get3A_1800 = tpu.vector_load %arg14[%get3A_1799] {strides = array<i32>} : memref<256xf32, #tpu.memory_space<vmem>>, vector<16xf32>,
      %mul3A_1801 = arith.mulf %get3A_1798, %get3A_1800 : vector<16xf32>
      %add3A_1802 = arith.addf %add3A_1795, %mul3A_1801 : vector<16xf32>
      %get3A_1803 = arith.index_cast %add3A_1723 : i32 to index
      %get3A_1804 = arith.constant 80 : index
      %get3A_1805 = tpu.vector_load %arg13[%get3A_1803, %get3A_1804] {strides = array<i32>} : memref<128x128xf32, #tpu.memory_space<vmem>>, vector<16xf32>,
      %get3A_1806 = arith.constant 144 : index
      %get3A_1807 = tpu.vector_load %arg14[%get3A_1806] {strides = array<i32>} : memref<256xf32, #tpu.memory_space<vmem>>, vector<16xf32>,
      %mul3A_1808 = arith.mulf %get3A_1805, %get3A_1807 : vector<16xf32>
      %add3A_1809 = arith.addf %add3A_1802, %mul3A_1808 : vector<16xf32>
      %get3A_1810 = arith.index_cast %add3A_1723 : i32 to index
      %get3A_1811 = arith.constant 96 : index
      %get3A_1812 = tpu.vector_load %arg13[%get3A_1810, %get3A_1811] {strides = array<i32>} : memref<128x128xf32, #tpu.memory_space<vmem>>, vector<16xf32>,
      %get3A_1813 = arith.constant 160 : index
      %get3A_1814 = tpu.vector_load %arg14[%get3A_1813] {strides = array<i32>} : memref<256xf32, #tpu.memory_space<vmem>>, vector<16xf32>,
      %mul3A_1815 = arith.mulf %get3A_1812, %get3A_1814 : vector<16xf32>
      %add3A_1816 = arith.addf %add3A_1809, %mul3A_1815 : vector<16xf32>
      %get3A_1817 = arith.index_cast %add3A_1723 : i32 to index
      %get3A_1818 = arith.constant 112 : index
      %get3A_1819 = tpu.vector_load %arg13[%get3A_1817, %get3A_1818] {strides = array<i32>} : memref<128x128xf32, #tpu.memory_space<vmem>>, vector<16xf32>,
      %get3A_1820 = arith.constant 176 : index
      %get3A_1821 = tpu.vector_load %arg14[%get3A_1820] {strides = array<i32>} : memref<256xf32, #tpu.memory_space<vmem>>, vector<16xf32>,
      %mul3A_1822 = arith.mulf %get3A_1819, %get3A_1821 : vector<16xf32>
      %add3A_1823 = arith.addf %add3A_1816, %mul3A_1822 : vector<16xf32>
      %eq3A_1824 = arith.constant 15 : i32
      %eq3A_1825 = vector.broadcast %eq3A_1824 : i32 to vector<16xi32>
      %eq3A_1826 = arith.cmpi eq, %iota3A, %eq3A_1825 : vector<16xi32>
      %reduce_sum3A_1827 = arith.constant true
      %reduce_sum3A_1828 = vector.broadcast %reduce_sum3A_1827 : i1 to vector<16xi1>
      %reduce_sum3A_1829 = tpu.scan <sum>, %add3A_1823 masked %reduce_sum3A_1828 : vector<16xf32>, vector<16xi1> -> vector<16xf32>
      %reduce_sum3A_1830 = vector.extract %reduce_sum3A_1829[15] : f32 from vector<16xf32>
      %broadcast_in_dim3A_1831 = vector.broadcast %reduce_sum3A_1830 : f32 to vector<16xf32>
      %select_n3A_1832 = arith.select %eq3A_1826, %broadcast_in_dim3A_1831, %select_n3A_1719 : vector<16xi1>, vector<16xf32>
      %mul3A_1833 = arith.constant 16 : i32
      %mul3A_1834 = arith.muli %scan3A_26, %mul3A_1833 : i32
      %swap3A = arith.index_cast %mul3A_1834 : i32 to index
      %swap3A_1835 = tpu.vector_load %arg15[%swap3A] {strides = array<i32>} : memref<128xf32, #tpu.memory_space<vmem>>, vector<16xf32>,
      tpu.vector_store %arg15[%swap3A], %select_n3A_1832 {strides = array<i32>} : memref<128xf32, #tpu.memory_space<vmem>>, vector<16xf32>,
    }
    %scan3A_25 = arith.constant 8 : i32
    "tpu.region"() ({
      %run_scoped3A = tpu.sem_alloc : memref<!tpu.dma_semaphore, #tpu.memory_space<semaphore_mem>>
      %dma_start3A = tpu.memref_slice %arg8[%mul3A_2] : memref<4096xf32, #tpu.memory_space<hbm>> -> memref<128xf32, #tpu.memory_space<hbm>>
      %dma_start3A_26 = tpu.memref_slice %arg8[%mul3A_2] : memref<4096xf32, #tpu.memory_space<hbm>> -> memref<128xf32, #tpu.memory_space<hbm>>
      tpu.enqueue_dma source(%arg15 : memref<128xf32, #tpu.memory_space<vmem>>) target(%dma_start3A_26 : memref<128xf32, #tpu.memory_space<hbm>>) target_semaphore(%run_scoped3A : memref<!tpu.dma_semaphore, #tpu.memory_space<semaphore_mem>>)
      %dma_wait3A_27 = tpu.memref_slice %arg8[%mul3A_2] : memref<4096xf32, #tpu.memory_space<hbm>> -> memref<128xf32, #tpu.memory_space<hbm>>
      %dma_wait3A_28 = tpu.memref_slice %arg8[%mul3A_2] : memref<4096xf32, #tpu.memory_space<hbm>> -> memref<128xf32, #tpu.memory_space<hbm>>
      tpu.wait_dma2 semaphore(%run_scoped3A : memref<!tpu.dma_semaphore, #tpu.memory_space<semaphore_mem>>) src(%arg15 : memref<128xf32, #tpu.memory_space<vmem>>) dst(%dma_wait3A_28 : memref<128xf32, #tpu.memory_space<hbm>>)
      tpu.yield
    }) : () -> ()
    return
  }
}

</mosaic_0001>

<sc_bundles>
// kernel: kernel.3.cloned.1.call-start
scs
__scs_entry_jumppad:
0x0: {  	(pc) =	sbr.rel $0x88, $3  }
0x1: {  	(tag) =	ssettag $0x0;
	lr =	simm.s32 $0x1  }
0x2: {  	[smem:$0x3F9A] =	sst lr;
	_ =	strace $0xD0000000  }
0x3: {  	_ = 	snop  }
0x4: {  	_ = 	snop  }
0x5: {  	_ = 	snop  }
0x6: {  	_ = 	snop  }
0x7: {  	_ = 	snop  }
__scs_overlays_trampoline_lowered:
0x8: {  	[smem:$0x3FA9] =	sst s0  }
0x9: {  	[smem:$0x3FAA] =	sst s1  }
0xa: {  	[smem:$0x3FAB] =	sst s2  }
0xb: {  	[smem:$0x3FAC] =	sst s3  }
0xc: {  	[smem:$0x3FAD] =	sst s4  }
0xd: {  	[smem:$0x3FAE] =	sst s5  }
0xe: {  	[smem:$0x3FAF] =	sst s6  }
0xf: {  	[smem:$0x3FB0] =	sst s7  }
0x10: {  	[smem:$0x3FB1] =	sst s8  }
0x11: {  	[smem:$0x3FB2] =	sst s9;
	s0 =	simm.s32 @!p0 $0x0  }
0x12: {  	s1 =	sld [smem:$0x3F98];
	s0 =	simm.s32 @p0 $0x1  }
0x13: {  	[smem:$0x3FB3] =	sst s0;
	s0 =	simm.s32 @!p1 $0x0  }
0x14: {  	s2 =	sld [smem:$0x3F97];
	s0 =	simm.s32 @p1 $0x1  }
0x15: {  	[smem:$0x3FB4] =	sst s0;
	s0 =	simm.s32 @!p2 $0x0  }
0x16: {  	s3 =	sld [smem:$0x3FDB];
	s0 =	simm.s32 @p2 $0x1  }
0x17: {  	s4 =	simm.s32 $0x1BF5;
	[smem:$0x3FB6] =	sst s0  }
0x18: {  	s0 =	sld [smem:$0x3F99];
	_ =	swait.ge [sflag:s4], $0x0  }
0x19: {  	s7 =	sld [smem:$0x3F9A]  }
0x1a: {  	s8 =	sadd.s32 $0xFFFFE003, lr  }
0x1b: {  	s9 =	sadd.s32 $0xFFFFFEF7, lr;
	s5 =	simm.s32 $0xFFFFFFFF;
	p2 =	slt.u32 s8, $0xFFFFF086  }
0x1c: {  	p1 =	slt.u32 s9, $0xF7A;
	s5 =	simm.s32 @!p2 $0x0  }
0x1d: {  	s5 =	simm.s32 @p1 $0x1;
	p0 =	seq.s32 s7, s2  }
0x1e: {  	s7 =	smul.u32 @!p0 $0xF7A, s2;
	p2 =	seq.s32 @!p0 s5, $0x0  }
0x1f: {  	s9 =	smul.u32 $0xF7A, s1;
	s8 =	simm.s32 @!p0 $0x1BF5;
	p2 =	por !p2, p0  }
0x20: {  	[sflag:s8] =	ssyncset.s32 @!p0 $0xFFFFF086;
	s6 =	sadd.s32 @!p0 s3, s7;
	s7 =	simm.s32 @!p0 $0x108  }
0x21: {  	s3 =	sadd.s32 s3, s9;
	s6 =	sadd.s32 @!p0 $0x88, s6;
	s7 =	simm.s32 @p2 $0x1082  }
0x22: {  	[simem:s7], [sflag:s8] =	dma.local @!p0 [hbm:s6], $0xF7A  }
0x23: {  	s9 =	sor.u32 $0xD0000000, s2;
	s6 =	simm.s32 $0x108;
	_ =	swait.ge @!p0 [sflag:s8], $0x0  }
0x24: {  	s3 =	sadd.s32 $0x88, s3;
	s6 =	simm.s32 @!p1 $0x1082;
	[sflag:s4] =	ssyncset.s32 $0xFFFFF086  }
0x25: {  	[simem:s6], [sflag:s4] =	dma.local [hbm:s3], $0xF7A  }
0x26: {  	[smem:$0x3F9A] =	sst s1;
	(tag) =	ssettag s2;
	_ =	strace s9  }
0x27: {  	s1 =	sld [smem:$0x3FAA]  }
0x28: {  	s2 =	sld [smem:$0x3FAB]  }
0x29: {  	s4 =	sld [smem:$0x3FAD]  }
0x2a: {  	p0 =	seq.s32 s5, $0x0;
	s5 =	sld [smem:$0x3FAE]  }
0x2b: {  	s6 =	sld [smem:$0x3FAF]  }
0x2c: {  	s7 =	sld [smem:$0x3FB0]  }
0x2d: {  	s3 =	simm.s32 $0x108;
	s8 =	sld [smem:$0x3FB1]  }
0x2e: {  	s3 =	simm.s32 @!p0 $0x1082;
	s9 =	sld [smem:$0x3FB2]  }
0x2f: {  	lr =	sadd.s32 s0, s3;
	s0 =	sld [smem:$0x3FA9]  }
0x30: {  	s3 =	sld [smem:$0x3FAC]  }
0x31: {  	[smem:$0x3FB5] =	sst s10  }
0x32: {  	s10 =	sld [smem:$0x3FB3];
	_ =	sdelay $0x3  }
0x33: {  	p0 =	seq.s32 s10, $0x1;
	s10 =	sld [smem:$0x3FB5];
	_ =	sdelay $0x3  }
0x34: {  	[smem:$0x3FB5] =	sst s10  }
0x35: {  	s10 =	sld [smem:$0x3FB4];
	_ =	sdelay $0x3  }
0x36: {  	p1 =	seq.s32 s10, $0x1;
	s10 =	sld [smem:$0x3FB5];
	_ =	sdelay $0x3  }
0x37: {  	[smem:$0x3FB5] =	sst s10  }
0x38: {  	s10 =	sld [smem:$0x3FB6]  }
0x39: {  	_ = 	snop;
	(pc) =	sbr.ind lr, $3  }
0x3a: {  	_ = 	snop  }
0x3b: {  	_ = 	snop  }
0x3c: {  	p2 =	seq.s32 s10, $0x1;
	s10 =	sld [smem:$0x3FB5]  }
0x3d: {  	_ =	shalt  }
0x3e: {  	_ =	shalt  }
0x3f: {  	_ =	shalt  }
0x40: {  	_ =	shalt  }
0x41: {  	_ =	shalt  }
0x42: {  	_ =	shalt  }
0x43: {  	_ =	shalt  }
0x44: {  	_ =	shalt  }
0x45: {  	_ =	shalt  }
0x46: {  	_ =	shalt  }
0x47: {  	_ =	shalt  }
0x48: {  	_ =	shalt  }
0x49: {  	_ =	shalt  }
0x4a: {  	_ =	shalt  }
0x4b: {  	_ =	shalt  }
0x4c: {  	_ =	shalt  }
0x4d: {  	_ =	shalt  }
0x4e: {  	_ =	shalt  }
0x4f: {  	_ =	shalt  }
0x50: {  	_ =	shalt  }
0x51: {  	_ =	shalt  }
0x52: {  	_ =	shalt  }
0x53: {  	_ =	shalt  }
0x54: {  	_ =	shalt  }
0x55: {  	_ =	shalt  }
0x56: {  	_ =	shalt  }
0x57: {  	_ =	shalt  }
0x58: {  	_ =	shalt  }
0x59: {  	_ =	shalt  }
0x5a: {  	_ =	shalt  }
0x5b: {  	_ =	shalt  }
0x5c: {  	_ =	shalt  }
0x5d: {  	_ =	shalt  }
0x5e: {  	_ =	shalt  }
0x5f: {  	_ =	shalt  }
0x60: {  	_ =	shalt  }
0x61: {  	_ =	shalt  }
0x62: {  	_ =	shalt  }
0x63: {  	_ =	shalt  }
0x64: {  	_ =	shalt  }
0x65: {  	_ =	shalt  }
0x66: {  	_ =	shalt  }
0x67: {  	_ =	shalt  }
0x68: {  	_ =	shalt  }
0x69: {  	_ =	shalt  }
0x6a: {  	_ =	shalt  }
0x6b: {  	_ =	shalt  }
0x6c: {  	_ =	shalt  }
0x6d: {  	_ =	shalt  }
0x6e: {  	_ =	shalt  }
0x6f: {  	_ =	shalt  }
0x70: {  	_ =	shalt  }
0x71: {  	_ =	shalt  }
0x72: {  	_ =	shalt  }
0x73: {  	_ =	shalt  }
0x74: {  	_ =	shalt  }
0x75: {  	_ =	shalt  }
0x76: {  	_ =	shalt  }
0x77: {  	_ =	shalt  }
0x78: {  	_ =	shalt  }
0x79: {  	_ =	shalt  }
0x7a: {  	_ =	shalt  }
0x7b: {  	_ =	shalt  }
0x7c: {  	_ =	shalt  }
0x7d: {  	_ =	shalt  }
0x7e: {  	_ =	shalt  }
0x7f: {  	_ =	shalt  }
0x80: {  	_ =	shalt  }
0x81: {  	_ =	shalt  }
0x82: {  	_ =	shalt  }
0x83: {  	_ =	shalt  }
0x84: {  	_ =	shalt  }
0x85: {  	_ =	shalt  }
0x86: {  	_ =	shalt  }
0x87: {  	_ =	shalt  }
.Lfunc_end0:
.L_simem_size_0:
called_computation_lowered:
.L_overlay_start_0:
0x88: {  	s2 =	sld [smem:$0x3FD9]  }
0x89: {  	s3 =	sld [smem:$0x3FFE];
	_ =	sdelay $0x1  }
0x8a: {  	s1 =	srdreg.scid  }
0x8b: {  	s0 =	sand.u32 $0x1, s1  }
0x8c: {  	s17 =	sshll.u32 s0, $0xA;
	s2 =	sadd.s32 s3, s2  }
0x8d: {  	s2 =	sadd.s32 s2, s17  }
0x8e: {  	[smem:$0x3FC1] =	sst s2  }
0x8f: {  	_ = 	snop  }
0x90: {  	s2 =	sld [smem:$0x3FC9]  }
0x91: {  	s18 =	sld [smem:$0x3FC8]  }
0x92: {  	s4 =	sld [smem:$0x3FC7]  }
0x93: {  	s5 =	sld [smem:$0x3FD0];
	(tm) =	ssettm $0x1  }
0x94: {  	s6 =	sld [smem:$0x3FFB];
	_ =	sdelay $0x3  }
0x95: {  	_ =	strace s6  }
0x96: {  	s6 =	sld [smem:$0x3FFC];
	_ =	sdelay $0x3  }
0x97: {  	_ =	strace s6  }
0x98: {  	s6 =	sld [smem:$0x3FFD];
	_ =	sdelay $0x3  }
0x99: {  	_ =	strace s6  }
0x9a: {  	_ =	strace $0x8FFFFFFF  }
0x9b: {  	s19 =	sld [smem:$0x3FDB];
	_ =	sdelay $0x1  }
0x9c: {  	s7 =	simm.s32 $_scs_section_size  }
0x9d: {  	s8 =	simm.s32 $_size__tile_overlayer_lowered;
	s9 =	simm.s32 $_tile_overlayer_lowered  }
0x9e: {  	s22 =	simm.s32 $0x1BFF;
	s21 =	sshll.u32 s9, $0x1;
	s6 =	sadd.s32 s7, s19  }
0x9f: {  	s10 =	simm.s32 $0x0;
	s20 =	sshll.u32 s8, $0x1;
	s8 =	sadd.s32 s21, s6  }
0xa0: {  	[timem:s10], [sflag:s22] =	dma.local [hbm:s8], s20  }
0xa1: {  	_ =	swait.ge [sflag:s22], s20  }
0xa2: {  	s7 =	ssub.s32 $0x0, s20;
	[sflag:s22] =	ssyncset.done $0x0  }
0xa3: {  	[sflag:s22] =	ssyncadd.s32 s7;
	_ =	sdelay $0x1  }
0xa4: {  	s23 =	simm.s32 $0x1B8B  }
0xa5: {  	_ =	swait.ge [sflag:s23], $0x1  }
0xa6: {  	[sflag:s23] =	ssyncset.done $0x0  }
0xa7: {  	s25 =	simm.s32 $0x1B8E;
	s24 =	sld [smem:$0x3FFE];
	[sflag:s23] =	ssyncadd.s32 $0xFFFFFFFF  }
0xa8: {  	s26 =	simm.s32 $execute0_lowered;
	[smem:$0x3FD2] =	sst s25  }
0xa9: {  	s8 =	sshll.u32 s26, $0x1;
	_ =	strace $0x80000046;
	[dreg:$0x1] =	wrdreg $0xFFFFFFFF  }
0xaa: {  	s28 =	simm.s32 $_size_execute0_lowered;
	s6 =	sadd.s32 s6, s8;
	[dreg:$0x0] =	wrdreg $0x0  }
0xab: {  	s8 =	sshll.u32 s28, $0x1;
	[dreg:$0x2] =	wrdreg s6  }
0xac: {  	[dreg:$0x3] =	wrdreg s8  }
0xad: {  	[dreg:$0x4] =	wrdreg $0xC0  }
0xae: {  	_ =	task [dreg:s10], $0x5FFFF  }
0xaf: {  	[dreg:$0x1] =	wrdreg $0xFFFFFFFF  }
0xb0: {  	[dreg:$0x0] =	wrdreg $0x60  }
0xb1: {  	[dreg:$0x2] =	wrdreg s2  }
0xb2: {  	[dreg:$0x3] =	wrdreg s18  }
0xb3: {  	[dreg:$0x4] =	wrdreg s4  }
0xb4: {  	[dreg:$0x5] =	wrdreg s24  }
0xb5: {  	[dreg:$0x6] =	wrdreg s5  }
0xb6: {  	[dreg:$0x7] =	wrdreg $0x9  }
0xb7: {  	_ =	task.clear_ibuf [dreg:s10], $0x8FFFF;
	_ =	strace $0x90000046  }
0xb8: {  	s29 =	simm.s32 $0x9;
	_ =	strace $0x80000048  }
0xb9: {  	_ =	swait.ge [sflag:s29], $0x1  }
0xba: {  	[sflag:s29] =	ssyncadd.s32 $0xFFFFFFFF  }
0xbb: {  	_ =	strace $0x90000048  }
0xbc: {  	_ =	sfence  }
0xbd: {  	s30 =	sld [smem:$0x0];
	_ =	sdelay $0x2  }
0xbe: {  	s31 =	sshll.u32 s1, $0xD;
	s1 =	sshrl.u32 s1, $0x2  }
0xbf: {  	s3 =	sand.u32 $0x4000, s31;
	s1 =	sadd.s32 s1, s30  }
0xc0: {  	s0 =	sor.u32 s3, s0;
	s1 =	sshll.u32 s1, $0x11  }
0xc1: {  	s0 =	sor.u32 s1, s0  }
0xc2: {  	s0 =	sadd.s32 $0x8F2B, s0  }
0xc3: {  	[sflag:s0] =	ssyncadd.remote.s32 $0x1  }
0xc4: {  	_ =	sfence.sel $0xFFFF  }
0xc5: {  	[dreg:$0x0] =	wrdreg $0xFFFFFFFF;
	(pc) =	sbr.abs _section_cstart, $3  }
0xc6: {  	[dreg:$0x1] =	wrdreg $0xFFFFFFFF  }
0xc7: {  	_ =	task.clear_ibuf [dreg:s10], $0x2FFFF;
	_ =	strace $0x9FFFFFFF  }
0xc8: {  	(tm) =	ssettm $0x7FFFFFFF  }
0xc9: {  	_ =	shalt  }
tec
execute0_lowered:
.L_overlay_start_1:
0x0: {  	(tag) =	ssettag $0x1  }
0x1: {  	s0 =	rddreg [dreg:$0x0]  }
0x2: {  	s2 =	rddreg [dreg:$0x1]  }
0x3: {  	s5 =	rddreg [dreg:$0x2]  }
0x4: {  	s6 =	rddreg [dreg:$0x3]  }
0x5: {  	s7 =	rddreg [dreg:$0x4];
	s8 =	srdreg.scid  }
0x6: {  	s13 =	simm.s32 $0x0;
	s1 =	stileid.u32;
	s8 =	sand.u32 $0x1, s8  }
0x7: {  	s10 =	sshll.u32 s1, $0x8;
	s9 =	ssub.s32 $0x2, s8;
	s8 =	sshll.u32 s8, $0x7  }
0x8: {  	[smem:$0x7FF] =	sst s13;
	s3 =	sadd.s32 $0xA00, s6;
	s8 =	sor.u32 s8, s10  }
0x9: {  	s4 =	sadd.s32 $0x187400, s6;
	s24 =	sadd.s32 $0x30DE00, s6;
	s26 =	sshrl.u32 s8, $0x3  }
0xa: {  	_ =	strace $0x80000047;
	[dreg:$0xf] =	wrdreg s24;
	s0 =	sadd.s32 s0, s26  }
0xb: {  	vm0 =	vmmov $0x1;
	vm1 =	vmmov $0x3;
	vm2 =	vmmov $0x7;
	s8 =	sshll.u32 s8, $0x4;
	s28 =	sadd.s32 s2, s26;
	[dreg:$0x10] =	wrdreg s0  }
0xc: {  	vm3 =	vmmov $0xf;
	vm4 =	vmmov $0x1f;
	vm5 =	vmmov $0x3f;
	s25 =	sshrl.u32 s9, $0x1;
	s29 =	sadd.s32 s5, s8;
	[dreg:$0x11] =	wrdreg s28  }
0xd: {  	vm6 =	vmmov $0x7f;
	vm7 =	vmmov $0xff;
	vm8 =	vmmov $0x1ff;
	s6 =	ssub.s32 s9, s25;
	s30 =	sadd.s32 s7, s26;
	[dreg:$0x12] =	wrdreg s29  }
0xe: {  	vm9 =	vmmov $0x3ff;
	vm10 =	vmmov $0x7ff;
	vm11 =	vmmov $0xfff;
	s22 =	simm.s32 $0x0;
	s31 =	smax.u32 s6, $0x1;
	[dreg:$0x13] =	wrdreg s30  }
0xf: {  	vm12 =	vmmov $0x1fff;
	vm13 =	vmmov $0x3fff;
	vm14 =	vmmov $0x7fff;
	s1 =	simm.s32 $0x0;
	s2 =	simm.s32 $0x3;
	[dreg:$0x14] =	wrdreg s31  }
.LBB2_1:
0x10: {  	[dreg:$0x15] =	wrdreg s1  }
0x11: {  	s0 =	rddreg [dreg:$0x10]  }
0x12: {  	[tilespmem:s13], [sflag:$0x3] =	stream.linear.gather [hbm4b:s0+s13], $0x80, $0x38;
	[tilespmem:$0xC280] =	vst v63  }
0x13: {  	_ =	swait.ge [sflag:s2], $0x80  }
0x14: {  	[sflag:s2] =	ssyncset.done $0x0  }
0x15: {  	s29 =	simm.s32 $0x80;
	s30 =	rddreg [dreg:$0x11];
	[sflag:s2] =	ssyncadd.s32 $0xFFFFFF80  }
0x16: {  	[tilespmem:s29], [sflag:$0x3] =	stream.linear.gather [hbm4b:s30+s13], $0x80, $0x38;
	[tilespmem:$0xC280] =	vst v63  }
0x17: {  	_ =	swait.ge [sflag:s2], $0x80  }
0x18: {  	[sflag:s2] =	ssyncset.done $0x0  }
0x19: {  	[sflag:s2] =	ssyncadd.s32 $0xFFFFFF80  }
0x1a: {  	v0 =	vld [tilespmem:s13+$0x0]  }
0x1b: {  	v2 =	vld [tilespmem:s29+$0x0];
	_ =	sdelay $0x3  }
0x1c: {  	v1 =	vshll.u32 v0, $0x4  }
0x1d: {  	v63 =	vshll.u32 v2, $0x4;
	(v2sf) =	vpush v1, $0x0  }
0x1e: {  	(v2sf) =	vpush v63, $0x0  }
0x1f: {  	(v2sf) =	vpush v1, $0x1;
	_ =	sdelay $0x2  }
0x20: {  	(v2sf) =	vpush v63, $0x1;
	_ =	sdelay $0x1  }
0x21: {  	(v2sf) =	vpush v1, $0x2;
	_ =	sdelay $0x1  }
0x22: {  	(v2sf) =	vpush v63, $0x2;
	_ =	sdelay $0x1  }
0x23: {  	s19 =	simm.s32 $0x2000;
	(v2sf) =	vpush v1, $0x3  }
0x24: {  	s18 =	simm.s32 $0x0;
	s6 =	simm.s32 $0x4100;
	s5 =	simm.s32 $0x380  }
0x25: {  	s7 =	simm.s32 $0x100;
	s9 =	simm.s32 $0x300;
	s10 =	simm.s32 $0x280  }
0x26: {  	s15 =	simm.s32 $0x4180;
	s17 =	simm.s32 $0x200;
	s23 =	simm.s32 $0x4200  }
0x27: {  	s28 =	simm.s32 $0x700;
	s0 =	simm.s32 $0x4600;
	s8 =	spop (v2sf);
	(v2sf) =	vpush v63, $0x3  }
0x28: {  	s30 =	simm.s32 $0x4300;
	s8 =	sand.u32 $0x1FFFFFF0, s8;
	s11 =	spop (v2sf)  }
0x29: {  	s2 =	simm.s32 $0x580;
	(v2sf) =	vpush v1, $0x4;
	s8 =	sadd.s32 s3, s8;
	s1 =	spop (v2sf)  }
0x2a: {  	(v2sf) =	vpush v63, $0x4;
	[tilespmem:s7], [sflag:$0x1] =	stream.linear.gather [hbm4b:s8+s13], $0x80, $0x38;
	[tilespmem:$0xC280] =	vst v63  }
0x2b: {  	s31 =	sand.u32 $0x1FFFFFF0, s11;
	s7 =	simm.s32 $0x4280;
	s11 =	sand.u32 $0x1FFFFFF0, s1  }
0x2c: {  	s8 =	sadd.s32 s4, s31;
	s12 =	spop (v2sf);
	(v2sf) =	vpush v1, $0x5;
	s11 =	sadd.s32 s3, s11  }
0x2d: {  	[tilespmem:s6], [sflag:$0x2] =	stream.linear.gather [hbm4b:s8+s13], $0x80, $0x38;
	[tilespmem:$0xC280] =	vst v63  }
0x2e: {  	s14 =	sand.u32 $0x1FFFFFF0, s12;
	s16 =	spop (v2sf);
	s8 =	simm.s32 $0x180  }
0x2f: {  	(v2sf) =	vpush v63, $0x5;
	[tilespmem:s8], [sflag:$0x1] =	stream.linear.gather [hbm4b:s11+s13], $0x80, $0x38;
	[tilespmem:$0xC280] =	vst v63  }
0x30: {  	s20 =	spop (v2sf);
	s11 =	sadd.s32 s4, s14;
	s8 =	sand.u32 $0x1FFFFFF0, s16  }
0x31: {  	(v2sf) =	vpush v1, $0x6;
	[tilespmem:s15], [sflag:$0x2] =	stream.linear.gather [hbm4b:s11+s13], $0x80, $0x38;
	[tilespmem:$0xC280] =	vst v63  }
0x32: {  	s21 =	spop (v2sf);
	s8 =	sadd.s32 s3, s8;
	s11 =	sand.u32 $0x1FFFFFF0, s20  }
0x33: {  	(v2sf) =	vpush v63, $0x6;
	[tilespmem:s17], [sflag:$0x1] =	stream.linear.gather [hbm4b:s8+s13], $0x80, $0x38;
	[tilespmem:$0xC280] =	vst v63  }
0x34: {  	s12 =	simm.s32 $0x4700;
	s25 =	sand.u32 $0x1FFFFFF0, s21;
	s24 =	sadd.s32 s4, s11  }
0x35: {  	[tilespmem:s23], [sflag:$0x2] =	stream.linear.gather [hbm4b:s24+s13], $0x80, $0x38;
	[tilespmem:$0xC280] =	vst v63  }
0x36: {  	s14 =	simm.s32 $0x780;
	s29 =	sadd.s32 s3, s25;
	s26 =	spop (v2sf)  }
0x37: {  	(v2sf) =	vpush v1, $0x7;
	[tilespmem:s10], [sflag:$0x1] =	stream.linear.gather [hbm4b:s29+s13], $0x80, $0x38;
	[tilespmem:$0xC280] =	vst v63  }
0x38: {  	s15 =	simm.s32 $0x4380;
	s6 =	sand.u32 $0x1FFFFFF0, s26;
	s31 =	spop (v2sf)  }
0x39: {  	s17 =	simm.s32 $0x400;
	s6 =	sadd.s32 s4, s6;
	s1 =	spop (v2sf)  }
0x3a: {  	(v2sf) =	vpush v63, $0x7;
	[tilespmem:s7], [sflag:$0x2] =	stream.linear.gather [hbm4b:s6+s13], $0x80, $0x38;
	[tilespmem:$0xC280] =	vst v63  }
0x3b: {  	s10 =	sand.u32 $0x1FFFFFF0, s31;
	(v2sf) =	vpush v1, $0x8;
	s11 =	sand.u32 $0x1FFFFFF0, s1;
	s16 =	spop (v2sf)  }
0x3c: {  	s10 =	sadd.s32 s3, s10;
	s7 =	sadd.s32 s4, s11;
	s20 =	sand.u32 $0x1FFFFFF0, s16  }
0x3d: {  	(v2sf) =	vpush v63, $0x8;
	[tilespmem:s9], [sflag:$0x1] =	stream.linear.gather [hbm4b:s10+s13], $0x80, $0x38;
	[tilespmem:$0xC280] =	vst v63  }
0x3e: {  	s21 =	spop (v2sf);
	s11 =	simm.s32 $0x480;
	s8 =	sadd.s32 s3, s20  }
0x3f: {  	(v2sf) =	vpush v1, $0x9;
	[tilespmem:s30], [sflag:$0x2] =	stream.linear.gather [hbm4b:s7+s13], $0x80, $0x38;
	[tilespmem:$0xC280] =	vst v63  }
0x40: {  	s9 =	sand.u32 $0x1FFFFFF0, s21;
	s23 =	spop (v2sf);
	s10 =	simm.s32 $0x4780  }
0x41: {  	(v2sf) =	vpush v63, $0x9;
	[tilespmem:s5], [sflag:$0x1] =	stream.linear.gather [hbm4b:s8+s13], $0x80, $0x38;
	[tilespmem:$0xC280] =	vst v63  }
0x42: {  	s24 =	sadd.s32 s4, s9;
	s25 =	sand.u32 $0x1FFFFFF0, s23;
	s26 =	spop (v2sf)  }
0x43: {  	(v2sf) =	vpush v1, $0xA;
	[tilespmem:s15], [sflag:$0x2] =	stream.linear.gather [hbm4b:s24+s13], $0x80, $0x38;
	[tilespmem:$0xC280] =	vst v63  }
0x44: {  	s21 =	simm.s32 $0x500;
	s29 =	sadd.s32 s3, s25;
	s6 =	sand.u32 $0x1FFFFFF0, s26  }
0x45: {  	(v2sf) =	vpush v63, $0xA;
	[tilespmem:s17], [sflag:$0x1] =	stream.linear.gather [hbm4b:s29+s13], $0x80, $0x38;
	[tilespmem:$0xC280] =	vst v63  }
0x46: {  	s30 =	simm.s32 $0x4400;
	s6 =	sadd.s32 s4, s6;
	s31 =	spop (v2sf)  }
0x47: {  	(v2sf) =	vpush v1, $0xB;
	[tilespmem:s30], [sflag:$0x2] =	stream.linear.gather [hbm4b:s6+s13], $0x80, $0x38;
	[tilespmem:$0xC280] =	vst v63  }
0x48: {  	s25 =	simm.s32 $0x4500;
	s17 =	simm.s32 $0x4480;
	s8 =	sand.u32 $0x1FFFFFF0, s31  }
0x49: {  	s30 =	simm.s32 $0x4580;
	s1 =	spop (v2sf);
	s15 =	sadd.s32 s3, s8  }
0x4a: {  	s16 =	sand.u32 $0x1FFFFFF0, s1;
	s20 =	spop (v2sf);
	s1 =	simm.s32 $0x600  }
0x4b: {  	(v2sf) =	vpush v63, $0xB;
	[tilespmem:s11], [sflag:$0x1] =	stream.linear.gather [hbm4b:s15+s13], $0x80, $0x38;
	[tilespmem:$0xC280] =	vst v63  }
0x4c: {  	s8 =	sadd.s32 s4, s16;
	s7 =	sand.u32 $0x1FFFFFF0, s20;
	s23 =	spop (v2sf)  }
0x4d: {  	[tilespmem:s17], [sflag:$0x2] =	stream.linear.gather [hbm4b:s8+s13], $0x80, $0x38;
	[tilespmem:$0xC280] =	vst v63  }
0x4e: {  	(v2sf) =	vpush v1, $0xC;
	s7 =	sadd.s32 s3, s7;
	s24 =	spop (v2sf);
	s8 =	sand.u32 $0x1FFFFFF0, s23  }
0x4f: {  	(v2sf) =	vpush v63, $0xC;
	[tilespmem:s21], [sflag:$0x1] =	stream.linear.gather [hbm4b:s7+s13], $0x80, $0x38;
	[tilespmem:$0xC280] =	vst v63  }
0x50: {  	s29 =	sand.u32 $0x1FFFFFF0, s24;
	s31 =	spop (v2sf);
	s26 =	sadd.s32 s4, s8  }
0x51: {  	[tilespmem:s25], [sflag:$0x2] =	stream.linear.gather [hbm4b:s26+s13], $0x80, $0x38;
	[tilespmem:$0xC280] =	vst v63  }
0x52: {  	s8 =	sadd.s32 s3, s29;
	s11 =	spop (v2sf);
	s7 =	sand.u32 $0x1FFFFFF0, s31  }
0x53: {  	[tilespmem:s2], [sflag:$0x1] =	stream.linear.gather [hbm4b:s8+s13], $0x80, $0x38;
	[tilespmem:$0xC280] =	vst v63  }
0x54: {  	s15 =	spop (v2sf);
	s7 =	sadd.s32 s4, s7;
	s8 =	sand.u32 $0x1FFFFFF0, s11  }
0x55: {  	[tilespmem:s30], [sflag:$0x2] =	stream.linear.gather [hbm4b:s7+s13], $0x80, $0x38;
	[tilespmem:$0xC280] =	vst v63  }
0x56: {  	s17 =	sand.u32 $0x1FFFFFF0, s15;
	s16 =	sadd.s32 s3, s8;
	s20 =	spop (v2sf)  }
0x57: {  	[tilespmem:s1], [sflag:$0x1] =	stream.linear.gather [hbm4b:s16+s13], $0x80, $0x38;
	[tilespmem:$0xC280] =	vst v63  }
0x58: {  	s5 =	simm.s32 $0x4680;
	s21 =	sadd.s32 s4, s17;
	s23 =	sand.u32 $0x1FFFFFF0, s20  }
0x59: {  	[tilespmem:s0], [sflag:$0x2] =	stream.linear.gather [hbm4b:s21+s13], $0x80, $0x38;
	[tilespmem:$0xC280] =	vst v63  }
0x5a: {  	s25 =	simm.s32 $0x680;
	(v2sf) =	vpush v1, $0xD;
	s24 =	spop (v2sf);
	s26 =	sadd.s32 s3, s23  }
0x5b: {  	(v2sf) =	vpush v63, $0xD;
	s29 =	sand.u32 $0x1FFFFFF0, s24;
	s23 =	simm.s32 $0x10;
	s24 =	simm.s32 $0x90  }
0x5c: {  	(v2sf) =	vpush v1, $0xE;
	[tilespmem:s25], [sflag:$0x1] =	stream.linear.gather [hbm4b:s26+s13], $0x80, $0x38;
	[tilespmem:$0xC280] =	vst v63  }
0x5d: {  	s30 =	sadd.s32 s4, s29;
	(v2sf) =	vpush v63, $0xE;
	s31 =	spop (v2sf);
	s26 =	simm.s32 $0x800  }
0x5e: {  	(v2sf) =	vpush v1, $0xF;
	s25 =	simm.s32 $0x4800;
	s0 =	sand.u32 $0x1FFFFFF0, s31;
	s2 =	spop (v2sf)  }
0x5f: {  	(v2sf) =	vpush v63, $0xF;
	[tilespmem:s5], [sflag:$0x2] =	stream.linear.gather [hbm4b:s30+s13], $0x80, $0x38;
	[tilespmem:$0xC280] =	vst v63  }
.LBB2_2:
0x60: {  	_ =	sdelay $0x4  }
0x61: {  	s0 =	sadd.s32 s3, s0;
	s2 =	sand.u32 $0x1FFFFFF0, s2  }
0x62: {  	[tilespmem:s28], [sflag:$0x1] =	stream.linear.gather [hbm4b:s0+s13], $0x80, $0x38;
	[tilespmem:$0xC280] =	vst v63  }
0x63: {  	s8 =	sadd.s32 s4, s2  }
0x64: {  	[tilespmem:s12], [sflag:$0x2] =	stream.linear.gather [hbm4b:s8+s13], $0x80, $0x38;
	[tilespmem:$0xC280] =	vst v63  }
0x65: {  	s5 =	spop (v2sf)  }
0x66: {  	s9 =	sand.u32 $0x1FFFFFF0, s5;
	s11 =	spop (v2sf)  }
0x67: {  	s15 =	sadd.s32 s3, s9;
	s16 =	sand.u32 $0x1FFFFFF0, s11;
	s17 =	spop (v2sf)  }
0x68: {  	[tilespmem:s14], [sflag:$0x1] =	stream.linear.gather [hbm4b:s15+s13], $0x80, $0x38;
	[tilespmem:$0xC280] =	vst v63  }
0x69: {  	s20 =	sadd.s32 s4, s16;
	s21 =	sand.u32 $0x1FFFFFF0, s17;
	s29 =	spop (v2sf)  }
0x6a: {  	[tilespmem:s10], [sflag:$0x2] =	stream.linear.gather [hbm4b:s20+s13], $0x80, $0x38;
	[tilespmem:$0xC280] =	vst v63  }
0x6b: {  	s30 =	sadd.s32 s3, s21;
	s31 =	sand.u32 $0x1FFFFFF0, s29;
	s1 =	spop (v2sf)  }
0x6c: {  	[tilespmem:s26], [sflag:$0x1] =	stream.linear.gather [hbm4b:s30+s13], $0x80, $0x38;
	[tilespmem:$0xC280] =	vst v63  }
0x6d: {  	s2 =	sadd.s32 s4, s31;
	s5 =	sand.u32 $0x1FFFFFF0, s1;
	s6 =	spop (v2sf)  }
0x6e: {  	[tilespmem:s25], [sflag:$0x2] =	stream.linear.gather [hbm4b:s2+s13], $0x80, $0x38;
	[tilespmem:$0xC280] =	vst v63  }
0x6f: {  	s7 =	sadd.s32 $0x880, s18;
	s2 =	sadd.s32 s3, s5;
	s5 =	sand.u32 $0x1FFFFFF0, s6  }
0x70: {  	[tilespmem:s7], [sflag:$0x1] =	stream.linear.gather [hbm4b:s2+s13], $0x80, $0x38;
	[tilespmem:$0xC280] =	vst v63  }
0x71: {  	s8 =	sadd.s32 $0x4880, s18;
	s9 =	sadd.s32 s4, s5  }
0x72: {  	[tilespmem:s8], [sflag:$0x2] =	stream.linear.gather [hbm4b:s9+s13], $0x80, $0x38;
	[tilespmem:$0xC280] =	vst v63  }
0x73: {  	v0 =	vld [tilespmem:s23+$0x0]  }
0x74: {  	v2 =	vld [tilespmem:s24+$0x0];
	_ =	sdelay $0x3  }
0x75: {  	v1 =	vshll.u32 v0, $0x4  }
0x76: {  	v63 =	vshll.u32 v2, $0x4;
	(v2sf) =	vpush v1, $0x0  }
0x77: {  	s10 =	smov.u32 s19;
	(v2sf) =	vpush v63, $0x0  }
0x78: {  	p0 =	sne.s32 s19, $0xE000;
	s18 =	sshra.s32 s10, $0x2;
	(v2sf) =	vpush v1, $0x1  }
0x79: {  	s19 =	sadd.s32 $0x2000, s19;
	s30 =	sadd.s32 $0x4100, s18;
	s0 =	sadd.s32 $0x380, s18  }
0x7a: {  	s11 =	sadd.s32 $0x580, s18;
	s29 =	sadd.s32 $0x100, s18;
	s12 =	sadd.s32 $0x4600, s18;
	(v2sf) =	vpush v63, $0x1  }
0x7b: {  	s17 =	sadd.s32 $0x4280, s18;
	s20 =	sadd.s32 $0x200, s18;
	s15 =	sadd.s32 $0x4300, s18  }
0x7c: {  	s14 =	sadd.s32 $0x780, s18;
	s31 =	sadd.s32 $0x4180, s18;
	[dreg:$0xd] =	wrdreg s0;
	(v2sf) =	vpush v1, $0x2  }
0x7d: {  	s1 =	sadd.s32 $0x4680, s18;
	s10 =	sadd.s32 $0x4780, s18;
	[dreg:$0x8] =	wrdreg s11  }
0x7e: {  	s16 =	sadd.s32 $0x600, s18;
	s21 =	sadd.s32 $0x4500, s18;
	[dreg:$0x6] =	wrdreg s12;
	(v2sf) =	vpush v63, $0x2  }
0x7f: {  	s28 =	sadd.s32 $0x700, s18;
	s26 =	sadd.s32 $0x500, s18;
	[dreg:$0x7] =	wrdreg s1;
	(v2sf) =	vpush v1, $0x3  }
0x80: {  	s11 =	sadd.s32 $0x280, s18;
	s0 =	sadd.s32 $0x4200, s18;
	[dreg:$0x9] =	wrdreg s16  }
0x81: {  	s16 =	sadd.s32 $0x480, s18;
	[dreg:$0xb] =	wrdreg s21;
	s12 =	sadd.s32 $0x180, s18  }
0x82: {  	[dreg:$0xc] =	wrdreg s26;
	s26 =	sadd.s32 $0x800, s18;
	s25 =	sadd.s32 $0x4480, s18  }
0x83: {  	s6 =	sadd.s32 $0x300, s18;
	s5 =	sadd.s32 $0x4700, s18;
	[dreg:$0xe] =	wrdreg s25;
	(v2sf) =	vpush v63, $0x3  }
0x84: {  	s25 =	sadd.s32 $0x4800, s18;
	s7 =	sadd.s32 $0x4380, s18;
	s2 =	sadd.s32 $0x680, s18  }
0x85: {  	s9 =	sadd.s32 $0x400, s18;
	s13 =	sadd.s32 $0x4580, s18;
	(v2sf) =	vpush v1, $0x4;
	s1 =	spop (v2sf)  }
0x86: {  	[dreg:$0xa] =	wrdreg s13;
	s21 =	sand.u32 $0x1FFFFFF0, s1;
	s13 =	spop (v2sf)  }
0x87: {  	(v2sf) =	vpush v63, $0x4;
	s21 =	sadd.s32 s3, s21;
	s1 =	sand.u32 $0x1FFFFFF0, s13;
	s13 =	spop (v2sf)  }
0x88: {  	[tilespmem:s29], [sflag:$0x1] =	stream.linear.gather [hbm4b:s21+s22], $0x80, $0x38;
	[tilespmem:$0xC280] =	vst v63  }
0x89: {  	(v2sf) =	vpush v1, $0x5;
	s1 =	sadd.s32 s4, s1;
	s13 =	sand.u32 $0x1FFFFFF0, s13;
	s29 =	spop (v2sf)  }
0x8a: {  	(v2sf) =	vpush v63, $0x5;
	[tilespmem:s30], [sflag:$0x2] =	stream.linear.gather [hbm4b:s1+s22], $0x80, $0x38;
	[tilespmem:$0xC280] =	vst v63  }
0x8b: {  	s13 =	sadd.s32 s3, s13;
	s29 =	sand.u32 $0x1FFFFFF0, s29;
	s30 =	spop (v2sf)  }
0x8c: {  	[tilespmem:s12], [sflag:$0x1] =	stream.linear.gather [hbm4b:s13+s22], $0x80, $0x38;
	[tilespmem:$0xC280] =	vst v63  }
0x8d: {  	(v2sf) =	vpush v1, $0x6;
	s13 =	sadd.s32 s4, s29;
	s29 =	sand.u32 $0x1FFFFFF0, s30;
	s30 =	spop (v2sf)  }
0x8e: {  	s8 =	sadd.s32 $0x4400, s18;
	s23 =	sadd.s32 $0x10, s23;
	s21 =	spop (v2sf)  }
0x8f: {  	(v2sf) =	vpush v63, $0x6;
	[tilespmem:s31], [sflag:$0x2] =	stream.linear.gather [hbm4b:s13+s22], $0x80, $0x38;
	[tilespmem:$0xC280] =	vst v63  }
0x90: {  	s12 =	sadd.s32 s3, s29;
	s13 =	sand.u32 $0x1FFFFFF0, s30;
	s30 =	sand.u32 $0x1FFFFFF0, s21  }
0x91: {  	(v2sf) =	vpush v1, $0x7;
	[tilespmem:s20], [sflag:$0x1] =	stream.linear.gather [hbm4b:s12+s22], $0x80, $0x38;
	[tilespmem:$0xC280] =	vst v63  }
0x92: {  	s31 =	spop (v2sf);
	s29 =	sadd.s32 s4, s13;
	s13 =	simm.s32 $0x0  }
0x93: {  	(v2sf) =	vpush v63, $0x7;
	[tilespmem:s0], [sflag:$0x2] =	stream.linear.gather [hbm4b:s29+s22], $0x80, $0x38;
	[tilespmem:$0xC280] =	vst v63  }
0x94: {  	s21 =	spop (v2sf);
	s12 =	sadd.s32 s3, s30;
	s20 =	sand.u32 $0x1FFFFFF0, s31  }
0x95: {  	[tilespmem:s11], [sflag:$0x1] =	stream.linear.gather [hbm4b:s12+s13], $0x80, $0x38;
	[tilespmem:$0xC280] =	vst v63  }
0x96: {  	s24 =	sadd.s32 $0x10, s24;
	s29 =	sadd.s32 s4, s20;
	s31 =	spop (v2sf)  }
0x97: {  	(v2sf) =	vpush v1, $0x8;
	[tilespmem:s17], [sflag:$0x2] =	stream.linear.gather [hbm4b:s29+s13], $0x80, $0x38;
	[tilespmem:$0xC280] =	vst v63  }
0x98: {  	s30 =	sand.u32 $0x1FFFFFF0, s21;
	s12 =	smov.u32 s5;
	s17 =	spop (v2sf)  }
0x99: {  	s5 =	sadd.s32 s3, s30;
	(v2sf) =	vpush v63, $0x8;
	s11 =	sand.u32 $0x1FFFFFF0, s31;
	s29 =	spop (v2sf)  }
0x9a: {  	(v2sf) =	vpush v1, $0x9;
	[tilespmem:s6], [sflag:$0x1] =	stream.linear.gather [hbm4b:s5+s13], $0x80, $0x38;
	[tilespmem:$0xC280] =	vst v63  }
0x9b: {  	s20 =	sadd.s32 s4, s11;
	s21 =	sand.u32 $0x1FFFFFF0, s17;
	s31 =	sand.u32 $0x1FFFFFF0, s29  }
0x9c: {  	(v2sf) =	vpush v63, $0x9;
	s30 =	sadd.s32 s3, s21;
	s6 =	spop (v2sf);
	s17 =	sadd.s32 s4, s31  }
0x9d: {  	[tilespmem:s15], [sflag:$0x2] =	stream.linear.gather [hbm4b:s20+s13], $0x80, $0x38;
	[tilespmem:$0xC280] =	vst v63  }
0x9e: {  	(v2sf) =	vpush v1, $0xA;
	s15 =	rddreg [dreg:$0xd];
	s20 =	sand.u32 $0x1FFFFFF0, s6;
	s21 =	spop (v2sf)  }
0x9f: {  	[tilespmem:s15], [sflag:$0x1] =	stream.linear.gather [hbm4b:s30+s13], $0x80, $0x38;
	[tilespmem:$0xC280] =	vst v63  }
0xa0: {  	s29 =	sadd.s32 s3, s20;
	s30 =	sand.u32 $0x1FFFFFF0, s21;
	s31 =	spop (v2sf)  }
0xa1: {  	[tilespmem:s7], [sflag:$0x2] =	stream.linear.gather [hbm4b:s17+s13], $0x80, $0x38;
	[tilespmem:$0xC280] =	vst v63  }
0xa2: {  	(v2sf) =	vpush v63, $0xA;
	s20 =	rddreg [dreg:$0xe];
	s1 =	sadd.s32 s4, s30;
	s7 =	spop (v2sf)  }
0xa3: {  	[tilespmem:s9], [sflag:$0x1] =	stream.linear.gather [hbm4b:s29+s13], $0x80, $0x38;
	[tilespmem:$0xC280] =	vst v63  }
0xa4: {  	(v2sf) =	vpush v1, $0xB;
	s6 =	sand.u32 $0x1FFFFFF0, s31;
	s31 =	rddreg [dreg:$0xc];
	s9 =	sand.u32 $0x1FFFFFF0, s7  }
0xa5: {  	[tilespmem:s8], [sflag:$0x2] =	stream.linear.gather [hbm4b:s1+s13], $0x80, $0x38;
	[tilespmem:$0xC280] =	vst v63  }
0xa6: {  	s11 =	spop (v2sf);
	s15 =	sadd.s32 s4, s9;
	s8 =	sadd.s32 s3, s6  }
0xa7: {  	[tilespmem:s16], [sflag:$0x1] =	stream.linear.gather [hbm4b:s8+s13], $0x80, $0x38;
	[tilespmem:$0xC280] =	vst v63  }
0xa8: {  	(v2sf) =	vpush v63, $0xB;
	s16 =	sand.u32 $0x1FFFFFF0, s11;
	s17 =	spop (v2sf);
	s11 =	rddreg [dreg:$0xb]  }
0xa9: {  	(v2sf) =	vpush v1, $0xC;
	s21 =	sadd.s32 s3, s16;
	s29 =	sand.u32 $0x1FFFFFF0, s17;
	s30 =	spop (v2sf)  }
0xaa: {  	[tilespmem:s20], [sflag:$0x2] =	stream.linear.gather [hbm4b:s15+s13], $0x80, $0x38;
	[tilespmem:$0xC280] =	vst v63  }
0xab: {  	(v2sf) =	vpush v63, $0xC;
	s7 =	sadd.s32 s4, s29;
	s8 =	sand.u32 $0x1FFFFFF0, s30;
	s9 =	spop (v2sf)  }
0xac: {  	[tilespmem:s31], [sflag:$0x1] =	stream.linear.gather [hbm4b:s21+s13], $0x80, $0x38;
	[tilespmem:$0xC280] =	vst v63  }
0xad: {  	s20 =	rddreg [dreg:$0x8];
	s16 =	sand.u32 $0x1FFFFFF0, s9;
	s17 =	spop (v2sf)  }
0xae: {  	[tilespmem:s11], [sflag:$0x2] =	stream.linear.gather [hbm4b:s7+s13], $0x80, $0x38;
	[tilespmem:$0xC280] =	vst v63  }
0xaf: {  	s15 =	sadd.s32 s3, s8;
	s21 =	sadd.s32 s4, s16;
	s29 =	sand.u32 $0x1FFFFFF0, s17  }
0xb0: {  	[tilespmem:s20], [sflag:$0x1] =	stream.linear.gather [hbm4b:s15+s13], $0x80, $0x38;
	[tilespmem:$0xC280] =	vst v63  }
0xb1: {  	s31 =	rddreg [dreg:$0xa];
	s30 =	spop (v2sf);
	s7 =	sadd.s32 s3, s29  }
0xb2: {  	[tilespmem:s31], [sflag:$0x2] =	stream.linear.gather [hbm4b:s21+s13], $0x80, $0x38;
	[tilespmem:$0xC280] =	vst v63  }
0xb3: {  	s11 =	rddreg [dreg:$0x9];
	s8 =	sand.u32 $0x1FFFFFF0, s30;
	s9 =	spop (v2sf)  }
0xb4: {  	[tilespmem:s11], [sflag:$0x1] =	stream.linear.gather [hbm4b:s7+s13], $0x80, $0x38;
	[tilespmem:$0xC280] =	vst v63  }
0xb5: {  	s15 =	sadd.s32 s4, s8;
	s16 =	sand.u32 $0x1FFFFFF0, s9;
	s20 =	rddreg [dreg:$0x6]  }
0xb6: {  	(v2sf) =	vpush v1, $0xD;
	[tilespmem:s20], [sflag:$0x2] =	stream.linear.gather [hbm4b:s15+s13], $0x80, $0x38;
	[tilespmem:$0xC280] =	vst v63  }
.Ltmp0:
0xb7: {  	(v2sf) =	vpush v63, $0xD;
	s17 =	spop (v2sf);
	s21 =	sadd.s32 s3, s16;
	(pc) =	sbr.rel @p0 .LBB2_2-.Ltmp0, $4  }
0xb8: {  	(v2sf) =	vpush v1, $0xE;
	s29 =	sand.u32 $0x1FFFFFF0, s17;
	s30 =	spop (v2sf);
	s31 =	rddreg [dreg:$0x7]  }
0xb9: {  	(v2sf) =	vpush v63, $0xE;
	[tilespmem:s2], [sflag:$0x1] =	stream.linear.gather [hbm4b:s21+s13], $0x80, $0x38;
	[tilespmem:$0xC280] =	vst v63  }
0xba: {  	(v2sf) =	vpush v1, $0xF;
	s1 =	sadd.s32 s4, s29;
	s0 =	sand.u32 $0x1FFFFFF0, s30;
	s2 =	spop (v2sf)  }
0xbb: {  	(v2sf) =	vpush v63, $0xF;
	[tilespmem:s31], [sflag:$0x2] =	stream.linear.gather [hbm4b:s1+s13], $0x80, $0x38;
	[tilespmem:$0xC280] =	vst v63  }
0xbc: {  	_ =	sdelay $0x4  }
0xbd: {  	s0 =	sadd.s32 s3, s0;
	s1 =	sand.u32 $0x1FFFFFF0, s2  }
0xbe: {  	[tilespmem:s28], [sflag:$0x1] =	stream.linear.gather [hbm4b:s0+s13], $0x80, $0x38;
	[tilespmem:$0xC280] =	vst v63  }
0xbf: {  	s1 =	sadd.s32 s4, s1  }
0xc0: {  	[tilespmem:s12], [sflag:$0x2] =	stream.linear.gather [hbm4b:s1+s13], $0x80, $0x38;
	[tilespmem:$0xC280] =	vst v63  }
0xc1: {  	s31 =	spop (v2sf)  }
0xc2: {  	s2 =	sand.u32 $0x1FFFFFF0, s31;
	s5 =	spop (v2sf)  }
0xc3: {  	s6 =	sadd.s32 s3, s2;
	s7 =	sand.u32 $0x1FFFFFF0, s5;
	s8 =	spop (v2sf)  }
0xc4: {  	[tilespmem:s14], [sflag:$0x1] =	stream.linear.gather [hbm4b:s6+s13], $0x80, $0x38;
	[tilespmem:$0xC280] =	vst v63  }
0xc5: {  	s9 =	sadd.s32 s4, s7;
	s11 =	sand.u32 $0x1FFFFFF0, s8;
	s12 =	spop (v2sf)  }
0xc6: {  	[tilespmem:s10], [sflag:$0x2] =	stream.linear.gather [hbm4b:s9+s13], $0x80, $0x38;
	[tilespmem:$0xC280] =	vst v63  }
0xc7: {  	s14 =	sadd.s32 s3, s11;
	s15 =	sand.u32 $0x1FFFFFF0, s12;
	s16 =	spop (v2sf)  }
0xc8: {  	[tilespmem:s26], [sflag:$0x1] =	stream.linear.gather [hbm4b:s14+s13], $0x80, $0x38;
	[tilespmem:$0xC280] =	vst v63  }
0xc9: {  	s17 =	sadd.s32 s4, s15;
	s19 =	sand.u32 $0x1FFFFFF0, s16;
	s20 =	spop (v2sf)  }
0xca: {  	[tilespmem:s25], [sflag:$0x2] =	stream.linear.gather [hbm4b:s17+s13], $0x80, $0x38;
	[tilespmem:$0xC280] =	vst v63  }
0xcb: {  	s21 =	sadd.s32 $0x880, s18;
	s1 =	sadd.s32 s3, s19;
	s2 =	sand.u32 $0x1FFFFFF0, s20  }
0xcc: {  	[tilespmem:s21], [sflag:$0x1] =	stream.linear.gather [hbm4b:s1+s13], $0x80, $0x38;
	[tilespmem:$0xC280] =	vst v63  }
0xcd: {  	s23 =	sadd.s32 $0x4880, s18;
	s18 =	simm.s32 $0x0;
	s24 =	sadd.s32 s4, s2  }
0xce: {  	[tilespmem:s23], [sflag:$0x2] =	stream.linear.gather [hbm4b:s24+s13], $0x80, $0x38;
	[tilespmem:$0xC280] =	vst v63  }
0xcf: {  	s26 =	simm.s32 $0x8100;
	s2 =	simm.s32 $0x3;
	s25 =	rddreg [dreg:$0x12]  }
0xd0: {  	[tilespmem:s26], [sflag:$0x3] =	stream.linear.gather [hbm4b:s25+s18], $0x4000, $0x38;
	[tilespmem:$0xC280] =	vst v63  }
0xd1: {  	_ =	swait.ge [sflag:s2], $0x4000  }
0xd2: {  	[sflag:s2] =	ssyncset.done $0x0  }
0xd3: {  	s29 =	simm.s32 $0xC100;
	s28 =	rddreg [dreg:$0xf];
	[sflag:s2] =	ssyncadd.s32 $0xFFFFC000  }
0xd4: {  	[tilespmem:s29], [sflag:$0x3] =	stream.linear.gather [hbm4b:s28+s18], $0x100, $0x38;
	[tilespmem:$0xC280] =	vst v63  }
0xd5: {  	_ =	swait.ge [sflag:s2], $0x100  }
0xd6: {  	[sflag:s2] =	ssyncset.done $0x0  }
0xd7: {  	s30 =	simm.s32 $0x1;
	[sflag:s2] =	ssyncadd.s32 $0xFFFFFF00  }
0xd8: {  	_ =	swait.ge [sflag:s30], $0x4000  }
0xd9: {  	[sflag:s30] =	ssyncset.done $0x0  }
0xda: {  	s31 =	simm.s32 $0x2;
	[sflag:s30] =	ssyncadd.s32 $0xFFFFC000  }
0xdb: {  	_ =	swait.ge [sflag:s31], $0x4000  }
0xdc: {  	[sflag:s31] =	ssyncset.done $0x0  }
0xdd: {  	[sflag:s31] =	ssyncadd.s32 $0xFFFFC000  }
0xde: {  	v47 =	vld [tilespmem:$0xC1C0]  }
.LBB2_4:
0xdf: {  	v12 =	vld [tilespmem:$0xC100]  }
0xe0: {  	v11 =	vld [tilespmem:$0xC110]  }
0xe1: {  	v10 =	vld [tilespmem:$0xC120]  }
0xe2: {  	v9 =	vld [tilespmem:$0xC130]  }
0xe3: {  	v8 =	vld [tilespmem:$0xC140]  }
0xe4: {  	v7 =	vld [tilespmem:$0xC150]  }
0xe5: {  	v6 =	vld [tilespmem:$0xC160]  }
0xe6: {  	v5 =	vld [tilespmem:$0xC170]  }
0xe7: {  	v4 =	vld [tilespmem:$0xC180]  }
0xe8: {  	v3 =	vld [tilespmem:$0xC190]  }
0xe9: {  	v2 =	vld [tilespmem:$0xC1A0]  }
0xea: {  	s19 =	sshll.u32 s18, $0xB;
	v1 =	vld [tilespmem:$0xC1B0]  }
0xeb: {  	v22 =	vld [tilespmem:s19+$0x100]  }
0xec: {  	v19 =	vld [tilespmem:s19+$0x4100]  }
0xed: {  	v21 =	vld [tilespmem:s19+$0x110]  }
0xee: {  	v20 =	vld [tilespmem:s19+$0x4110]  }
0xef: {  	v26 =	vld [tilespmem:s19+$0x120]  }
0xf0: {  	v23 =	vld [tilespmem:s19+$0x4120]  }
0xf1: {  	v28 =	vld [tilespmem:s19+$0x130]  }
0xf2: {  	v27 =	vld [tilespmem:s19+$0x4130]  }
0xf3: {  	v34 =	vld [tilespmem:s19+$0x8100]  }
0xf4: {  	v37 =	vld [tilespmem:s19+$0x8110]  }
0xf5: {  	v41 =	vld [tilespmem:s19+$0x8120]  }
0xf6: {  	v45 =	vld [tilespmem:s19+$0x8130]  }
0xf7: {  	v52 =	vld [tilespmem:s19+$0x8140]  }
0xf8: {  	v61 =	vld [tilespmem:s19+$0x8150]  }
0xf9: {  	v0 =	vld [tilespmem:s19+$0x8160]  }
0xfa: {  	v39 =	vld [tilespmem:s19+$0x8170]  }
0xfb: {  	v14 =	vld [tilespmem:s19+$0x180]  }
0xfc: {  	v13 =	vld [tilespmem:s19+$0x4180]  }
0xfd: {  	v16 =	vld [tilespmem:s19+$0x190]  }
0xfe: {  	v15 =	vld [tilespmem:s19+$0x4190]  }
0xff: {  	v18 =	vld [tilespmem:s19+$0x1A0]  }
0x100: {  	v17 =	vld [tilespmem:s19+$0x41A0]  }
0x101: {  	v25 =	vld [tilespmem:s19+$0x1B0]  }
0x102: {  	v24 =	vld [tilespmem:s19+$0x41B0]  }
0x103: {  	v33 =	vld [tilespmem:s19+$0x8180]  }
0x104: {  	v38 =	vld [tilespmem:s19+$0x8190]  }
0x105: {  	v43 =	vld [tilespmem:s19+$0x81A0]  }
0x106: {  	v53 =	vld [tilespmem:s19+$0x81B0]  }
0x107: {  	v55 =	vld [tilespmem:s19+$0x81C0]  }
0x108: {  	v58 =	vld [tilespmem:s19+$0x81D0]  }
0x109: {  	v40 =	vld [tilespmem:s19+$0x81E0]  }
0x10a: {  	v63 =	vld [tilespmem:s19+$0x82B0]  }
0x10b: {  	v42 =	vld [tilespmem:s19+$0x81F0]  }
0x10c: {  	v30 =	vld [tilespmem:s19+$0x200]  }
0x10d: {  	v29 =	vld [tilespmem:s19+$0x4200]  }
0x10e: {  	v32 =	vld [tilespmem:s19+$0x210]  }
0x10f: {  	[tilespmem:$0x1FB50] =	vst v63;
	v63 =	vld [tilespmem:s19+$0x82F0]  }
0x110: {  	v31 =	vld [tilespmem:s19+$0x4210]  }
0x111: {  	v36 =	vld [tilespmem:s19+$0x220]  }
0x112: {  	v35 =	vld [tilespmem:s19+$0x4220]  }
0x113: {  	v54 =	vld [tilespmem:s19+$0x8200]  }
0x114: {  	[tilespmem:$0x1FCB0] =	vst v63;
	v63 =	vld [tilespmem:s19+$0x320]  }
0x115: {  	v59 =	vld [tilespmem:s19+$0x8210]  }
0x116: {  	v44 =	vld [tilespmem:s19+$0x8220]  }
0x117: {  	v46 =	vld [tilespmem:s19+$0x8230]  }
0x118: {  	v48 =	vld [tilespmem:s19+$0x8240]  }
0x119: {  	[tilespmem:$0x1FAF0] =	vst v63;
	v63 =	vld [tilespmem:s19+$0x4320]  }
0x11a: {  	v49 =	vld [tilespmem:s19+$0x8250]  }
0x11b: {  	v50 =	vld [tilespmem:s19+$0x8260]  }
0x11c: {  	v51 =	vld [tilespmem:s19+$0x8270]  }
0x11d: {  	v60 =	vld [tilespmem:s19+$0x2B0]  }
0x11e: {  	[tilespmem:$0x1FB00] =	vst v63;
	v63 =	vld [tilespmem:s19+$0x330]  }
0x11f: {  	v56 =	vld [tilespmem:s19+$0x8280]  }
0x120: {  	v57 =	vld [tilespmem:s19+$0x8290]  }
0x121: {  	v62 =	vld [tilespmem:s19+$0x82A0]  }
0x122: {  	[tilespmem:$0x1FA90] =	vst v40;
	v40 =	vld [tilespmem:s19+$0x230]  }
0x123: {  	[tilespmem:$0x1FB30] =	vst v63;
	v63 =	vld [tilespmem:s19+$0x4330]  }
0x124: {  	[tilespmem:$0x1FA70] =	vst v39;
	v39 =	vld [tilespmem:s19+$0x4230]  }
0x125: {  	[tilespmem:$0x1FA80] =	vst v44;
	v44 =	vld [tilespmem:s19+$0x280]  }
0x126: {  	[tilespmem:$0x1FAB0] =	vst v42;
	v42 =	vld [tilespmem:s19+$0x4280]  }
0x127: {  	[tilespmem:$0x1FAC0] =	vst v48;
	v48 =	vld [tilespmem:s19+$0x290]  }
0x128: {  	[tilespmem:$0x1FB40] =	vst v63;
	v63 =	vld [tilespmem:s19+$0x8300]  }
0x129: {  	[tilespmem:$0x1FAA0] =	vst v46;
	v46 =	vld [tilespmem:s19+$0x4290]  }
0x12a: {  	[tilespmem:$0x1FC40] =	vst v51;
	v51 =	vld [tilespmem:s19+$0x2A0]  }
0x12b: {  	[tilespmem:$0x1FB10] =	vst v49;
	v49 =	vld [tilespmem:s19+$0x42A0]  }
0x12c: {  	[tilespmem:$0x1FB60] =	vst v50;
	v50 =	vld [tilespmem:s19+$0x42B0]  }
0x12d: {  	[tilespmem:$0x1FBA0] =	vst v63;
	v63 =	vld [tilespmem:s19+$0x8310]  }
0x12e: {  	[tilespmem:$0x1FAD0] =	vst v56;
	v56 =	vld [tilespmem:s19+$0x82C0]  }
0x12f: {  	[tilespmem:$0x1FAE0] =	vst v57;
	v57 =	vld [tilespmem:s19+$0x82D0]  }
0x130: {  	[tilespmem:$0x1FB20] =	vst v62;
	v62 =	vld [tilespmem:s19+$0x82E0]  }
0x131: {  	[tilespmem:$0x1FA60] =	vst v0;
	v0 =	vld [tilespmem:s19+$0x4310]  }
0x132: {  	[tilespmem:$0x1FBE0] =	vst v63;
	v63 =	vld [tilespmem:s19+$0x8320]  }
0x133: {  	v19 =	vmul.f32 v19, v22;
	v22 =	vld [tilespmem:s19+$0x8410]  }
0x134: {  	v20 =	vmul.f32 v20, v21;
	v21 =	vld [tilespmem:s19+$0x8420]  }
0x135: {  	v27 =	vmul.f32 v27, v28;
	v28 =	vld [tilespmem:s19+$0x8460]  }
0x136: {  	[tilespmem:$0x1FBD0] =	vst v57;
	v57 =	vld [tilespmem:s19+$0x300]  }
0x137: {  	[tilespmem:$0x1FC10] =	vst v63;
	v63 =	vld [tilespmem:s19+$0x8330]  }
0x138: {  	[tilespmem:$0x1FB90] =	vst v56;
	v56 =	vld [tilespmem:s19+$0x4300]  }
0x139: {  	[tilespmem:$0x1FC60] =	vst v62;
	v62 =	vld [tilespmem:s19+$0x310]  }
0x13a: {  	[tilespmem:$0x1FE30] =	vst v21;
	v21 =	vld [tilespmem:s19+$0x8430]  }
0x13b: {  	[tilespmem:$0x1FEE0] =	vst v28;
	v28 =	vld [tilespmem:s19+$0x480]  }
0x13c: {  	v13 =	vmul.f32 v13, v14;
	[tilespmem:$0x1FC50] =	vst v63;
	v63 =	vld [tilespmem:s19+$0x8340]  }
0x13d: {  	v15 =	vmul.f32 v15, v16;
	[tilespmem:$0x1FDF0] =	vst v22;
	v22 =	vld [tilespmem:s19+$0x4A0]  }
0x13e: {  	v13 =	vmul.f32 v13, v12;
	v44 =	vmul.f32 v42, v44;
	v42 =	vld [tilespmem:$0x1FAA0]  }
0x13f: {  	v19 =	vmul.f32 v12, v19;
	[tilespmem:$0x1FE50] =	vst v21;
	v21 =	vmul.f32 v23, v26;
	v26 =	vld [tilespmem:s19+$0x8440]  }
0x140: {  	v17 =	vmul.f32 v17, v18;
	v15 =	vmul.f32 v15, v11;
	v13 =	vadd.f32 v13, v47;
	[tilespmem:$0x1FD70] =	vst v28;
	v28 =	vld [tilespmem:s19+$0x490]  }
0x141: {  	v20 =	vmul.f32 v11, v20;
	v19 =	vadd.f32 v19, v47;
	[tilespmem:$0x1FC70] =	vst v63;
	v63 =	vld [tilespmem:s19+$0x8350]  }
0x142: {  	v17 =	vmul.f32 v17, v10;
	v13 =	vadd.f32 v15, v13;
	v23 =	vmul.f32 v24, v25;
	v24 =	vld [tilespmem:s19+$0x44A0]  }
0x143: {  	v19 =	vadd.f32 v20, v19;
	v25 =	vmul.f32 v6, v41;
	v41 =	vld [tilespmem:s19+$0x8490];
	v21 =	vmul.f32 v10, v21  }
0x144: {  	v13 =	vadd.f32 v17, v13;
	v15 =	vmul.f32 v23, v9;
	v23 =	vmul.f32 v38, v7;
	v38 =	vld [tilespmem:s19+$0x4530]  }
0x145: {  	v14 =	vadd.f32 v21, v19;
	v21 =	vmul.f32 v7, v37;
	v37 =	vmul.f32 v33, v8;
	v33 =	vld [tilespmem:s19+$0x84F0]  }
0x146: {  	[tilespmem:$0x1FCC0] =	vst v63;
	v63 =	vld [tilespmem:s19+$0x8360]  }
0x147: {  	v13 =	vadd.f32 v15, v13;
	v15 =	vmul.f32 v44, v12;
	v44 =	vld [tilespmem:s19+$0x8520]  }
0x148: {  	v19 =	vld [tilespmem:s19+$0x5A0];
	[tilespmem:$0x1FE80] =	vst v26  }
0x149: {  	v26 =	vld [tilespmem:s19+$0x8450];
	[tilespmem:$0x1FDA0] =	vst v28  }
0x14a: {  	[tilespmem:$0x1FDE0] =	vst v24;
	v24 =	vld [tilespmem:s19+$0x84B0]  }
0x14b: {  	v27 =	vmul.f32 v9, v27;
	v28 =	vmul.f32 v5, v45;
	[tilespmem:$0x1FD60] =	vst v63;
	v63 =	vld [tilespmem:s19+$0x8370]  }
0x14c: {  	v45 =	vmul.f32 v29, v30;
	v29 =	vmul.f32 v35, v36;
	v30 =	vld [tilespmem:s19+$0x84E0]  }
0x14d: {  	v35 =	vmul.f32 v55, v4;
	v55 =	vmul.f32 v46, v48;
	v48 =	vld [tilespmem:s19+$0x8500]  }
0x14e: {  	v36 =	vld [tilespmem:s19+$0x8510]  }
0x14f: {  	v14 =	vadd.f32 v27, v14;
	v27 =	vmul.f32 v8, v34;
	v34 =	vld [tilespmem:s19+$0x4490]  }
0x150: {  	[tilespmem:$0x1FE20] =	vst v63;
	v63 =	vld [tilespmem:s19+$0x380]  }
0x151: {  	v13 =	vadd.f32 v13, v37;
	v37 =	vld [tilespmem:s19+$0x520]  }
0x152: {  	v16 =	vmul.f32 v45, v12;
	v17 =	vmul.f32 v29, v10;
	v29 =	vld [tilespmem:s19+$0x4520]  }
0x153: {  	v45 =	vmul.f32 v58, v3;
	v58 =	vmul.f32 v49, v51;
	v49 =	vld [tilespmem:s19+$0x8530]  }
0x154: {  	v51 =	vld [tilespmem:$0x1FAB0]  }
0x155: {  	[tilespmem:$0x1FB70] =	vst v63;
	v63 =	vld [tilespmem:s19+$0x4380]  }
0x156: {  	v14 =	vadd.f32 v27, v14;
	v27 =	vld [tilespmem:s19+$0x44B0]  }
0x157: {  	[tilespmem:$0x1FEB0] =	vst v26;
	v26 =	vld [tilespmem:s19+$0x8470]  }
0x158: {  	v14 =	vadd.f32 v21, v14;
	v21 =	vld [tilespmem:s19+$0x84A0]  }
0x159: {  	[tilespmem:$0x1FEC0] =	vst v24;
	v24 =	vld [tilespmem:s19+$0x500]  }
0x15a: {  	[tilespmem:$0x1FB80] =	vst v63;
	v63 =	vld [tilespmem:s19+$0x390]  }
0x15b: {  	[tilespmem:$0x1FDB0] =	vst v34;
	v34 =	vld [tilespmem:s19+$0x8480];
	v14 =	vadd.f32 v25, v14;
	v25 =	vmul.f32 v31, v32;
	v31 =	vmul.f32 v3, v61  }
0x15c: {  	v61 =	vmul.f32 v50, v60;
	v50 =	vmul.f32 v56, v57;
	v56 =	vld [tilespmem:$0x1FAD0]  }
0x15d: {  	v29 =	vmul.f32 v29, v37;
	v37 =	vld [tilespmem:s19+$0x6B0]  }
0x15e: {  	[tilespmem:$0x1FE10] =	vst v27;
	v27 =	vmul.f32 v43, v6;
	v43 =	vld [tilespmem:$0x1FA60]  }
0x15f: {  	[tilespmem:$0x1FBB0] =	vst v63;
	v63 =	vld [tilespmem:s19+$0x4390]  }
0x160: {  	v15 =	vadd.f32 v15, v47;
	v20 =	vmul.f32 v55, v11;
	v14 =	vadd.f32 v28, v14;
	v28 =	vld [tilespmem:s19+$0x84D0]  }
0x161: {  	v46 =	vmul.f32 v61, v9;
	v61 =	vld [tilespmem:s19+$0x8560]  }
0x162: {  	v15 =	vadd.f32 v20, v15;
	v20 =	vmul.f32 v50, v12;
	v50 =	vld [tilespmem:$0x1FB20]  }
0x163: {  	[tilespmem:$0x1FF10] =	vst v26;
	v26 =	vld [tilespmem:s19+$0x4480]  }
0x164: {  	v13 =	vadd.f32 v13, v23;
	[tilespmem:$0x1FBC0] =	vst v63;
	v63 =	vld [tilespmem:s19+$0x3A0]  }
0x165: {  	[tilespmem:$0x1FEA0] =	vst v21;
	v21 =	vld [tilespmem:s19+$0x4500]  }
0x166: {  	[tilespmem:$0x1FDD0] =	vst v22;
	v22 =	vmul.f32 v4, v52;
	v13 =	vadd.f32 v13, v27;
	v27 =	vld [tilespmem:s19+$0x45B0]  }
0x167: {  	[tilespmem:$0x1FE60] =	vst v34;
	v34 =	vmul.f32 v39, v40;
	v39 =	vld [tilespmem:s19+$0x510]  }
0x168: {  	v32 =	vmul.f32 v53, v5;
	v14 =	vadd.f32 v22, v14;
	v22 =	vld [tilespmem:s19+$0x590]  }
0x169: {  	v16 =	vadd.f32 v16, v47;
	v18 =	vmul.f32 v25, v11;
	[tilespmem:$0x1FBF0] =	vst v63;
	v63 =	vld [tilespmem:s19+$0x43A0]  }
0x16a: {  	v13 =	vadd.f32 v13, v32;
	v32 =	vld [tilespmem:$0x1FA80]  }
0x16b: {  	v16 =	vadd.f32 v18, v16;
	v14 =	vadd.f32 v31, v14;
	v31 =	vld [tilespmem:s19+$0x4510]  }
0x16c: {  	v18 =	vmul.f32 v34, v9;
	v34 =	vld [tilespmem:$0x1FA90]  }
0x16d: {  	v16 =	vadd.f32 v17, v16;
	v17 =	vmul.f32 v2, v43;
	v43 =	vmul.f32 v42, v5;
	v42 =	vld [tilespmem:s19+$0x4580]  }
0x16e: {  	[tilespmem:$0x1FC00] =	vst v63;
	v63 =	vld [tilespmem:s19+$0x3B0]  }
0x16f: {  	[tilespmem:$0x1FEF0] =	vst v28;
	v28 =	vld [tilespmem:$0x1FA70]  }
0x170: {  	v13 =	vadd.f32 v13, v35;
	[tilespmem:$0x1FD80] =	vst v26;
	v26 =	vld [tilespmem:s19+$0x4B0]  }
0x171: {  	v52 =	vadd.f32 v18, v16;
	v16 =	vmul.f32 v58, v10;
	v58 =	vld [tilespmem:s19+$0x8550]  }
0x172: {  	v53 =	vmul.f32 v54, v8;
	v54 =	vadd.f32 v13, v45;
	v45 =	vld [tilespmem:s19+$0x530]  }
0x173: {  	[tilespmem:$0x1FC20] =	vst v63;
	v63 =	vld [tilespmem:s19+$0x43B0]  }
0x174: {  	v13 =	vld [tilespmem:$0x1FB90]  }
0x175: {  	v17 =	vadd.f32 v17, v14;
	v14 =	vadd.f32 v52, v53;
	v53 =	vld [tilespmem:s19+$0x8540]  }
0x176: {  	[tilespmem:$0x1FF50] =	vst v33;
	v33 =	vmul.f32 v32, v6;
	v32 =	vld [tilespmem:s19+$0x85D0]  }
0x177: {  	v35 =	vmul.f32 v34, v2;
	v34 =	vld [tilespmem:$0x1FAF0]  }
0x178: {  	v15 =	vadd.f32 v16, v15;
	[tilespmem:$0x1FC30] =	vst v63;
	v63 =	vld [tilespmem:s19+$0x8380]  }
0x179: {  	[tilespmem:$0x1FF30] =	vst v30;
	v30 =	vmul.f32 v1, v28;
	v28 =	vld [tilespmem:$0x1FAE0]  }
0x17a: {  	v15 =	vadd.f32 v46, v15;
	v46 =	vld [tilespmem:$0x1FB10]  }
0x17b: {  	v59 =	vmul.f32 v59, v7;
	[tilespmem:$0x1FE00] =	vst v26;
	v26 =	vld [tilespmem:s19+$0x84C0]  }
0x17c: {  	v18 =	vadd.f32 v54, v35;
	v54 =	vld [tilespmem:$0x1FAC0]  }
0x17d: {  	v23 =	vadd.f32 v14, v59;
	[tilespmem:$0x1FC80] =	vst v63;
	v63 =	vld [tilespmem:s19+$0x8390]  }
0x17e: {  	v57 =	vmul.f32 v56, v8;
	v35 =	vld [tilespmem:$0x1FB00]  }
0x17f: {  	[tilespmem:$0x1FE90] =	vst v41;
	v41 =	vadd.f32 v23, v33;
	v33 =	vld [tilespmem:s19+$0x8570]  }
0x180: {  	v60 =	vmul.f32 v0, v62;
	v62 =	vadd.f32 v15, v57;
	v57 =	vld [tilespmem:$0x1FB60]  }
0x181: {  	v14 =	vmul.f32 v13, v4;
	v13 =	vld [tilespmem:s19+$0x85B0]  }
0x182: {  	v52 =	vmul.f32 v51, v1;
	[tilespmem:$0x1FCD0] =	vst v63;
	v63 =	vld [tilespmem:s19+$0x83A0]  }
0x183: {  	v15 =	vld [tilespmem:$0x1FC40]  }
0x184: {  	v20 =	vadd.f32 v20, v47;
	v59 =	vadd.f32 v18, v52;
	v18 =	vmul.f32 v60, v11;
	v52 =	vld [tilespmem:$0x1FB30]  }
0x185: {  	[tilespmem:$0x1FF60] =	vst v53;
	v53 =	vld [tilespmem:$0x1FB40]  }
0x186: {  	v18 =	vadd.f32 v18, v20;
	v20 =	vld [tilespmem:s19+$0x45A0]  }
0x187: {  	[tilespmem:$0x1FD00] =	vst v63;
	v63 =	vld [tilespmem:s19+$0x83B0]  }
0x188: {  	v40 =	vadd.f32 v30, v17;
	v30 =	vmul.f32 v28, v7;
	v28 =	vld [tilespmem:s19+$0x85A0]  }
0x189: {  	[tilespmem:$0x1FF00] =	vst v36;
	v36 =	vmul.f32 v35, v34;
	v35 =	vld [tilespmem:s19+$0x580]  }
0x18a: {  	[tilespmem:$0x1FFA0] =	vst v33;
	v33 =	vld [tilespmem:s19+$0x4590]  }
0x18b: {  	v17 =	vadd.f32 v41, v43;
	v55 =	vmul.f32 v54, v4;
	[tilespmem:$0x1FF80] =	vst v13;
	v13 =	vmul.f32 v48, v8;
	v48 =	vld [tilespmem:$0x1FF00]  }
0x18c: {  	[tilespmem:$0x1FD50] =	vst v63;
	v63 =	vld [tilespmem:s19+$0x83C0]  }
0x18d: {  	v16 =	vadd.f32 v17, v55;
	v55 =	vld [tilespmem:$0x1FB50]  }
0x18e: {  	v51 =	vmul.f32 v50, v6;
	v23 =	vadd.f32 v62, v30;
	v25 =	vmul.f32 v36, v10;
	v36 =	vld [tilespmem:$0x1FBA0]  }
0x18f: {  	v17 =	vld [tilespmem:s19+$0x5B0]  }
0x190: {  	[tilespmem:$0x1FF40] =	vst v49;
	v49 =	vmul.f32 v46, v3;
	v23 =	vadd.f32 v23, v51;
	v51 =	vld [tilespmem:$0x1FBE0]  }
0x191: {  	v54 =	vmul.f32 v53, v52;
	[tilespmem:$0x1FD90] =	vst v63;
	v63 =	vld [tilespmem:s19+$0x83D0]  }
0x192: {  	v16 =	vadd.f32 v16, v49;
	v49 =	vld [tilespmem:$0x1FBD0]  }
0x193: {  	[tilespmem:$0x1FFE0] =	vst v59;
	v18 =	vadd.f32 v25, v18;
	v59 =	vmul.f32 v54, v9;
	v25 =	vld [tilespmem:s19+$0x85C0]  }
0x194: {  	v35 =	vmul.f32 v42, v35;
	v42 =	vld [tilespmem:$0x1FEF0]  }
0x195: {  	[tilespmem:$0x1FF70] =	vst v58;
	v58 =	vmul.f32 v57, v2;
	v34 =	vadd.f32 v59, v18;
	v18 =	vld [tilespmem:s19+$0x8580]  }
0x196: {  	[tilespmem:$0x1FDC0] =	vst v63;
	v63 =	vld [tilespmem:s19+$0x83E0]  }
0x197: {  	v30 =	vadd.f32 v16, v58;
	v58 =	vld [tilespmem:$0x1FC10]  }
0x198: {  	v22 =	vmul.f32 v33, v22;
	v33 =	vld [tilespmem:s19+$0x86E0]  }
0x199: {  	v56 =	vmul.f32 v55, v5;
	v52 =	vmul.f32 v51, v7;
	v51 =	vld [tilespmem:$0x1FC60]  }
0x19a: {  	v35 =	vmul.f32 v35, v12;
	v50 =	vmul.f32 v49, v3;
	v49 =	vld [tilespmem:$0x1FC50]  }
0x19b: {  	v23 =	vadd.f32 v23, v56;
	[tilespmem:$0x1FE40] =	vst v63;
	v63 =	vld [tilespmem:s19+$0x83F0]  }
0x19c: {  	v27 =	vmul.f32 v27, v17;
	v22 =	vmul.f32 v22, v11;
	v17 =	vadd.f32 v35, v47;
	v35 =	vld [tilespmem:$0x1FF10]  }
0x19d: {  	v41 =	vadd.f32 v23, v14;
	v23 =	vld [tilespmem:s19+$0x8590]  }
0x19e: {  	v22 =	vadd.f32 v22, v17;
	v17 =	vld [tilespmem:$0x1FF30]  }
0x19f: {  	v60 =	vld [tilespmem:$0x1FB70]  }
0x1a0: {  	[tilespmem:$0x1FE70] =	vst v63;
	v63 =	vld [tilespmem:s19+$0x400]  }
0x1a1: {  	[tilespmem:$0x1FFD0] =	vst v40;
	v40 =	vmul.f32 v36, v8;
	v53 =	vld [tilespmem:$0x1FBF0]  }
0x1a2: {  	v54 =	vld [tilespmem:$0x1FC00]  }
0x1a3: {  	[tilespmem:$0x1FF90] =	vst v61;
	v16 =	vadd.f32 v34, v40;
	v61 =	vld [tilespmem:$0x1FB80]  }
0x1a4: {  	v43 =	vld [tilespmem:$0x1FBB0]  }
0x1a5: {  	v57 =	vadd.f32 v16, v52;
	v59 =	vmul.f32 v58, v6;
	[tilespmem:$0x1FC90] =	vst v63;
	v63 =	vld [tilespmem:s19+$0x4400]  }
0x1a6: {  	[tilespmem:$0x1FF20] =	vst v44;
	v19 =	vmul.f32 v20, v19;
	v44 =	vld [tilespmem:$0x1FBC0]  }
0x1a7: {  	v14 =	vadd.f32 v57, v59;
	v57 =	vld [tilespmem:s19+$0x85E0];
	v55 =	vmul.f32 v54, v53  }
0x1a8: {  	v19 =	vmul.f32 v19, v10;
	v52 =	vmul.f32 v51, v2;
	v51 =	vld [tilespmem:s19+$0x600]  }
0x1a9: {  	v62 =	vmul.f32 v61, v60;
	v34 =	vmul.f32 v55, v10;
	v55 =	vld [tilespmem:$0x1FC70]  }
0x1aa: {  	v19 =	vadd.f32 v19, v22;
	v22 =	vmul.f32 v27, v9;
	[tilespmem:$0x1FCA0] =	vst v63;
	v63 =	vld [tilespmem:s19+$0x410]  }
0x1ab: {  	[tilespmem:$0x1FED0] =	vst v26;
	v27 =	vld [tilespmem:s19+$0x4710];
	v26 =	vmul.f32 v62, v12;
	v46 =	vmul.f32 v44, v43  }
0x1ac: {  	v40 =	vadd.f32 v41, v50;
	v43 =	vld [tilespmem:s19+$0x4600]  }
0x1ad: {  	v50 =	vmul.f32 v49, v5;
	v26 =	vadd.f32 v26, v47;
	v56 =	vmul.f32 v46, v11;
	v60 =	vld [tilespmem:$0x1FC20]  }
0x1ae: {  	v16 =	vmul.f32 v15, v1;
	v61 =	vld [tilespmem:$0x1FC30]  }
0x1af: {  	v26 =	vadd.f32 v56, v26;
	v54 =	vadd.f32 v14, v50;
	v56 =	vmul.f32 v55, v4;
	[tilespmem:$0x1FCE0] =	vst v63;
	v63 =	vld [tilespmem:s19+$0x4410]  }
0x1b0: {  	v50 =	vld [tilespmem:s19+$0x4610]  }
0x1b1: {  	v53 =	vadd.f32 v30, v16;
	v30 =	vadd.f32 v54, v56;
	v54 =	vld [tilespmem:$0x1FCB0]  }
0x1b2: {  	v58 =	vld [tilespmem:$0x1FC80]  }
0x1b3: {  	v62 =	vmul.f32 v61, v60;
	v60 =	vld [tilespmem:s19+$0x85F0]  }
0x1b4: {  	[tilespmem:$0x1FCF0] =	vst v63;
	v63 =	vld [tilespmem:s19+$0x420]  }
0x1b5: {  	v61 =	vld [tilespmem:$0x1FC90]  }
0x1b6: {  	v36 =	vmul.f32 v62, v9;
	v62 =	vld [tilespmem:$0x1FCA0]  }
0x1b7: {  	v56 =	vld [tilespmem:$0x1FCC0]  }
0x1b8: {  	v59 =	vmul.f32 v58, v8;
	v58 =	vld [tilespmem:$0x1FCD0]  }
0x1b9: {  	[tilespmem:$0x1FD10] =	vst v63;
	v63 =	vld [tilespmem:s19+$0x4420]  }
0x1ba: {  	[tilespmem:$0x1FFC0] =	vst v60;
	v60 =	vld [tilespmem:$0x1FCE0]  }
0x1bb: {  	v16 =	vmul.f32 v62, v61;
	v61 =	vld [tilespmem:$0x1FCF0]  }
0x1bc: {  	v26 =	vadd.f32 v34, v26;
	v15 =	vld [tilespmem:$0x1FD00]  }
0x1bd: {  	v44 =	vld [tilespmem:$0x1FD10]  }
0x1be: {  	v26 =	vadd.f32 v36, v26;
	[tilespmem:$0x1FD20] =	vst v63;
	v63 =	vld [tilespmem:s19+$0x430]  }
0x1bf: {  	v46 =	vld [tilespmem:$0x1FD20]  }
0x1c0: {  	v26 =	vadd.f32 v26, v59;
	v59 =	vmul.f32 v58, v7;
	v62 =	vmul.f32 v61, v60;
	v61 =	vld [tilespmem:$0x1FD60]  }
0x1c1: {  	v14 =	vld [tilespmem:s19+$0x4690];
	v34 =	vadd.f32 v40, v52;
	v55 =	vmul.f32 v54, v1  }
0x1c2: {  	[tilespmem:$0x1FFB0] =	vst v57;
	v26 =	vadd.f32 v26, v59;
	v59 =	vld [tilespmem:$0x1FD50];
	v40 =	vmul.f32 v16, v12;
	v16 =	vmul.f32 v15, v6  }
0x1c3: {  	v57 =	vmul.f32 v56, v3;
	[tilespmem:$0x1FD30] =	vst v63;
	v63 =	vld [tilespmem:s19+$0x4430]  }
0x1c4: {  	v41 =	vadd.f32 v34, v55;
	v26 =	vadd.f32 v26, v16;
	v16 =	vld [tilespmem:$0x1FD70];
	v49 =	vmul.f32 v46, v44  }
0x1c5: {  	v30 =	vadd.f32 v30, v57;
	v34 =	vmul.f32 v62, v11;
	v62 =	vmul.f32 v61, v2;
	v46 =	vld [tilespmem:$0x1FD80]  }
0x1c6: {  	v44 =	vmul.f32 v49, v10;
	v49 =	vld [tilespmem:$0x1FD90]  }
0x1c7: {  	v56 =	vadd.f32 v30, v62;
	v30 =	vld [tilespmem:$0x1FDC0]  }
0x1c8: {  	v40 =	vadd.f32 v40, v47;
	v57 =	vld [tilespmem:$0x1FD30];
	[tilespmem:$0x1FD40] =	vst v63  }
0x1c9: {  	v60 =	vmul.f32 v59, v5;
	v58 =	vld [tilespmem:$0x1FD40]  }
0x1ca: {  	v34 =	vadd.f32 v34, v40;
	v61 =	vld [tilespmem:$0x1FDA0]  }
0x1cb: {  	v26 =	vadd.f32 v26, v60;
	v62 =	vld [tilespmem:$0x1FDB0];
	v46 =	vmul.f32 v46, v16;
	v52 =	vmul.f32 v49, v4  }
0x1cc: {  	[tilespmem:$0x1FFF0] =	vst v53;
	v63 =	vld [tilespmem:s19+$0x8400];
	v53 =	vadd.f32 v44, v34  }
0x1cd: {  	v44 =	vld [tilespmem:$0x1FDD0];
	v40 =	vmul.f32 v46, v12;
	v46 =	vmul.f32 v30, v3;
	v26 =	vadd.f32 v26, v52  }
0x1ce: {  	v52 =	vld [tilespmem:$0x1FDE0];
	v36 =	vmul.f32 v58, v57  }
0x1cf: {  	v46 =	vadd.f32 v26, v46;
	v26 =	vld [tilespmem:$0x1FDF0]  }
0x1d0: {  	v54 =	vld [tilespmem:s19+$0x610];
	v60 =	vmul.f32 v36, v9  }
0x1d1: {  	v55 =	vld [tilespmem:s19+$0x620];
	v36 =	vmul.f32 v62, v61  }
0x1d2: {  	v15 =	vld [tilespmem:$0x1FE80];
	v62 =	vmul.f32 v63, v8;
	v34 =	vadd.f32 v60, v53  }
0x1d3: {  	v59 =	vld [tilespmem:s19+$0x4630];
	v40 =	vadd.f32 v40, v47;
	v53 =	vmul.f32 v52, v44;
	v36 =	vmul.f32 v36, v11  }
0x1d4: {  	v52 =	vld [tilespmem:$0x1FE10];
	v34 =	vadd.f32 v34, v62;
	v26 =	vmul.f32 v26, v7  }
0x1d5: {  	v36 =	vadd.f32 v36, v40;
	v40 =	vld [tilespmem:$0x1FE00];
	v53 =	vmul.f32 v53, v10  }
0x1d6: {  	v26 =	vadd.f32 v34, v26;
	v34 =	vld [tilespmem:$0x1FE20]  }
0x1d7: {  	v0 =	vadd.f32 v53, v36;
	v53 =	vld [tilespmem:$0x1FE40]  }
0x1d8: {  	v16 =	vld [tilespmem:s19+$0x8600]  }
0x1d9: {  	v49 =	vld [tilespmem:s19+$0x8610]  }
0x1da: {  	v30 =	vld [tilespmem:s19+$0x8620]  }
0x1db: {  	v40 =	vmul.f32 v52, v40;
	v52 =	vld [tilespmem:$0x1FE30]  }
0x1dc: {  	v61 =	vmul.f32 v34, v1;
	v36 =	vmul.f32 v53, v2;
	v53 =	vld [tilespmem:$0x1FE60]  }
0x1dd: {  	v57 =	vld [tilespmem:s19+$0x630]  }
0x1de: {  	v18 =	vmul.f32 v18, v8;
	v19 =	vadd.f32 v22, v19;
	v56 =	vadd.f32 v56, v61;
	v61 =	vld [tilespmem:$0x1FE50]  }
0x1df: {  	v58 =	vld [tilespmem:s19+$0x4620]  }
0x1e0: {  	v18 =	vadd.f32 v19, v18;
	v19 =	vmul.f32 v23, v7;
	v63 =	vld [tilespmem:s19+$0x8650]  }
0x1e1: {  	v36 =	vadd.f32 v46, v36;
	v60 =	vmul.f32 v52, v6;
	v46 =	vmul.f32 v53, v8;
	v53 =	vld [tilespmem:$0x1FE90]  }
0x1e2: {  	v18 =	vadd.f32 v18, v19;
	v44 =	vld [tilespmem:s19+$0x8630];
	v52 =	vmul.f32 v40, v9  }
0x1e3: {  	v19 =	vmul.f32 v59, v57;
	v59 =	vld [tilespmem:$0x1FF70];
	v26 =	vadd.f32 v26, v60;
	v60 =	vmul.f32 v61, v5  }
0x1e4: {  	v57 =	vld [tilespmem:s19+$0x8720];
	v0 =	vadd.f32 v52, v0  }
0x1e5: {  	v26 =	vadd.f32 v26, v60;
	v60 =	vld [tilespmem:$0x1FE70]  }
0x1e6: {  	v52 =	vld [tilespmem:s19+$0x4680];
	v46 =	vadd.f32 v0, v46;
	v0 =	vmul.f32 v15, v4;
	v53 =	vmul.f32 v53, v7  }
0x1e7: {  	v61 =	vld [tilespmem:s19+$0x680]  }
0x1e8: {  	v0 =	vadd.f32 v26, v0;
	v26 =	vadd.f32 v46, v53;
	v53 =	vld [tilespmem:$0x1FEA0]  }
0x1e9: {  	v21 =	vmul.f32 v21, v24;
	v62 =	vld [tilespmem:s19+$0x8640];
	v23 =	vmul.f32 v59, v3  }
0x1ea: {  	v59 =	vmul.f32 v19, v9;
	v19 =	vld [tilespmem:s19+$0x8750];
	v24 =	vmul.f32 v60, v1  }
0x1eb: {  	v21 =	vmul.f32 v21, v12;
	v34 =	vld [tilespmem:s19+$0x8660]  }
0x1ec: {  	v28 =	vmul.f32 v28, v6;
	v40 =	vld [tilespmem:s19+$0x8670];
	v36 =	vadd.f32 v36, v24;
	v24 =	vmul.f32 v31, v39  }
0x1ed: {  	v61 =	vmul.f32 v52, v61;
	v15 =	vmul.f32 v53, v6;
	v53 =	vld [tilespmem:$0x1FEC0]  }
0x1ee: {  	v21 =	vadd.f32 v21, v47;
	v46 =	vld [tilespmem:s19+$0x46A0];
	v24 =	vmul.f32 v24, v11  }
0x1ef: {  	v29 =	vmul.f32 v29, v10;
	v18 =	vadd.f32 v18, v28;
	v60 =	vld [tilespmem:s19+$0x690];
	v28 =	vmul.f32 v61, v12  }
0x1f0: {  	v61 =	vmul.f32 v16, v8;
	v16 =	vld [tilespmem:s19+$0x8770];
	v21 =	vadd.f32 v24, v21;
	v24 =	vmul.f32 v38, v45  }
0x1f1: {  	v31 =	vld [tilespmem:s19+$0x6A0];
	v26 =	vadd.f32 v26, v15  }
0x1f2: {  	v39 =	vld [tilespmem:$0x1FEB0];
	v53 =	vmul.f32 v53, v5;
	v21 =	vadd.f32 v29, v21;
	v24 =	vmul.f32 v24, v9  }
0x1f3: {  	v15 =	vld [tilespmem:s19+$0x46B0]  }
0x1f4: {  	v26 =	vadd.f32 v26, v53;
	v53 =	vld [tilespmem:$0x1FED0];
	v21 =	vadd.f32 v24, v21  }
0x1f5: {  	v38 =	vld [tilespmem:s19+$0x8680]  }
0x1f6: {  	v14 =	vmul.f32 v14, v60;
	v21 =	vadd.f32 v21, v13;
	v13 =	vmul.f32 v48, v7;
	v48 =	vld [tilespmem:$0x1FF20]  }
0x1f7: {  	v45 =	vld [tilespmem:s19+$0x8690];
	v39 =	vmul.f32 v39, v3  }
0x1f8: {  	v28 =	vadd.f32 v28, v47;
	v31 =	vmul.f32 v46, v31;
	v14 =	vmul.f32 v14, v11;
	v46 =	vld [tilespmem:s19+$0x780]  }
0x1f9: {  	v29 =	vld [tilespmem:$0x1FEE0];
	v0 =	vadd.f32 v0, v39;
	v39 =	vmul.f32 v53, v4  }
0x1fa: {  	v14 =	vadd.f32 v14, v28;
	v28 =	vld [tilespmem:s19+$0x4790];
	v20 =	vadd.f32 v21, v13;
	v21 =	vmul.f32 v35, v1  }
0x1fb: {  	v24 =	vld [tilespmem:s19+$0x86F0];
	v26 =	vadd.f32 v26, v39;
	v39 =	vmul.f32 v42, v3;
	v35 =	vmul.f32 v48, v6  }
0x1fc: {  	v13 =	vld [tilespmem:s19+$0x4700]  }
0x1fd: {  	v17 =	vmul.f32 v17, v2;
	v39 =	vadd.f32 v26, v39;
	v20 =	vadd.f32 v20, v35;
	v35 =	vld [tilespmem:$0x1FF40]  }
0x1fe: {  	v29 =	vmul.f32 v29, v2;
	v48 =	vld [tilespmem:s19+$0x700]  }
0x1ff: {  	v17 =	vadd.f32 v39, v17;
	v39 =	vmul.f32 v43, v51;
	v43 =	vld [tilespmem:$0x1FF50]  }
0x200: {  	v0 =	vadd.f32 v0, v29;
	v51 =	vld [tilespmem:$0x1FF60]  }
0x201: {  	v53 =	vld [tilespmem:s19+$0x86A0]  }
0x202: {  	v29 =	vld [tilespmem:s19+$0x86C0];
	v0 =	vadd.f32 v0, v21;
	v21 =	vmul.f32 v35, v5  }
0x203: {  	v42 =	vld [tilespmem:s19+$0x86B0]  }
0x204: {  	v26 =	vld [tilespmem:s19+$0x86D0];
	v21 =	vadd.f32 v20, v21;
	v20 =	vmul.f32 v43, v1  }
0x205: {  	v13 =	vmul.f32 v13, v48;
	v48 =	vld [tilespmem:s19+$0x87A0];
	v22 =	vmul.f32 v51, v4  }
0x206: {  	v39 =	vmul.f32 v39, v12;
	v35 =	vld [tilespmem:s19+$0x710];
	v20 =	vadd.f32 v17, v20;
	v17 =	vmul.f32 v50, v54  }
0x207: {  	v43 =	vld [tilespmem:s19+$0x720];
	v21 =	vadd.f32 v21, v22  }
0x208: {  	v51 =	vld [tilespmem:s19+$0x4720];
	v22 =	vmul.f32 v58, v55;
	v58 =	vadd.f32 v39, v47;
	v17 =	vmul.f32 v17, v11  }
0x209: {  	v50 =	vld [tilespmem:s19+$0x730]  }
0x20a: {  	v17 =	vadd.f32 v17, v58;
	v58 =	vld [tilespmem:$0x1FF80]  }
0x20b: {  	v54 =	vld [tilespmem:s19+$0x4730];
	v22 =	vmul.f32 v22, v10  }
0x20c: {  	v39 =	vld [tilespmem:s19+$0x8700]  }
0x20d: {  	v55 =	vld [tilespmem:s19+$0x8710];
	v17 =	vadd.f32 v22, v17  }
0x20e: {  	v21 =	vadd.f32 v21, v23;
	v23 =	vld [tilespmem:s19+$0x8740]  }
0x20f: {  	v17 =	vadd.f32 v59, v17;
	v59 =	vmul.f32 v31, v10;
	v31 =	vld [tilespmem:s19+$0x4780];
	v52 =	vmul.f32 v58, v5  }
0x210: {  	v60 =	vmul.f32 v25, v4;
	v58 =	vld [tilespmem:s19+$0x8730]  }
0x211: {  	v15 =	vmul.f32 v15, v37;
	v14 =	vadd.f32 v59, v14;
	v59 =	vld [tilespmem:$0x1FFA0];
	v52 =	vadd.f32 v18, v52  }
0x212: {  	v17 =	vadd.f32 v17, v61;
	v61 =	vmul.f32 v30, v6;
	v30 =	vld [tilespmem:s19+$0x790]  }
0x213: {  	v15 =	vmul.f32 v15, v9;
	v18 =	vld [tilespmem:s19+$0x8760];
	v22 =	vadd.f32 v52, v60;
	v52 =	vmul.f32 v49, v7  }
0x214: {  	v32 =	vmul.f32 v32, v3;
	v43 =	vmul.f32 v51, v43;
	v60 =	vld [tilespmem:$0x1FF90]  }
0x215: {  	v14 =	vadd.f32 v15, v14;
	v49 =	vmul.f32 v44, v5;
	v44 =	vld [tilespmem:s19+$0x7B0];
	v17 =	vadd.f32 v17, v52  }
0x216: {  	v22 =	vadd.f32 v22, v32;
	v52 =	vmul.f32 v38, v8;
	v32 =	vld [tilespmem:s19+$0x47A0];
	v38 =	vmul.f32 v59, v1  }
0x217: {  	v59 =	vmul.f32 v53, v6;
	v53 =	vmul.f32 v43, v10;
	v43 =	vld [tilespmem:s19+$0x4800]  }
0x218: {  	v17 =	vadd.f32 v17, v61;
	v61 =	vld [tilespmem:$0x1FFB0];
	v14 =	vadd.f32 v14, v52;
	v52 =	vmul.f32 v63, v3  }
0x219: {  	v63 =	vmul.f32 v29, v4;
	v29 =	vld [tilespmem:s19+$0x87D0];
	v37 =	vmul.f32 v60, v2  }
0x21a: {  	v60 =	vmul.f32 v62, v4;
	v62 =	vmul.f32 v45, v7;
	v45 =	vld [tilespmem:s19+$0x47B0]  }
0x21b: {  	v17 =	vadd.f32 v17, v49;
	v21 =	vadd.f32 v21, v37;
	v37 =	vld [tilespmem:s19+$0x7A0]  }
0x21c: {  	v14 =	vadd.f32 v14, v62;
	v62 =	vmul.f32 v27, v35;
	v27 =	vld [tilespmem:s19+$0x87C0]  }
0x21d: {  	v17 =	vadd.f32 v17, v60;
	v60 =	vld [tilespmem:$0x1FFC0]  }
0x21e: {  	v21 =	vadd.f32 v21, v38;
	v38 =	vld [tilespmem:s19+$0x8780]  }
0x21f: {  	v49 =	vmul.f32 v61, v2;
	v61 =	vmul.f32 v42, v5;
	v42 =	vld [tilespmem:s19+$0x87B0]  }
0x220: {  	v17 =	vadd.f32 v17, v52;
	v52 =	vmul.f32 v31, v46;
	v31 =	vld [tilespmem:s19+$0x800]  }
0x221: {  	v54 =	vmul.f32 v54, v50;
	v14 =	vadd.f32 v14, v59;
	v50 =	vmul.f32 v45, v44;
	v44 =	vld [tilespmem:s19+$0x4890]  }
0x222: {  	v34 =	vmul.f32 v34, v2;
	v24 =	vmul.f32 v24, v1;
	v22 =	vadd.f32 v22, v49;
	v49 =	vld [tilespmem:s19+$0x8790]  }
0x223: {  	v13 =	vmul.f32 v13, v12;
	v14 =	vadd.f32 v14, v61;
	v61 =	vmul.f32 v33, v2;
	v33 =	vld [tilespmem:s19+$0x4810]  }
0x224: {  	v51 =	vmul.f32 v26, v3;
	v23 =	vmul.f32 v23, v4;
	v17 =	vadd.f32 v17, v34;
	v34 =	vld [tilespmem:s19+$0x820]  }
0x225: {  	v59 =	vmul.f32 v52, v12;
	v32 =	vmul.f32 v32, v37;
	v37 =	vld [tilespmem:s19+$0x830]  }
0x226: {  	v13 =	vadd.f32 v13, v47;
	v52 =	vmul.f32 v55, v7;
	v55 =	vld [tilespmem:s19+$0x4880];
	v25 =	vmul.f32 v60, v1  }
0x227: {  	v14 =	vadd.f32 v14, v63;
	v60 =	vmul.f32 v28, v30;
	v28 =	vld [tilespmem:s19+$0x810];
	v63 =	vmul.f32 v39, v8  }
0x228: {  	v30 =	vld [tilespmem:s19+$0x4820];
	v15 =	vadd.f32 v59, v47;
	v46 =	vmul.f32 v32, v10;
	v59 =	vmul.f32 v57, v6  }
0x229: {  	v57 =	vld [tilespmem:s19+$0x8800];
	v22 =	vadd.f32 v22, v25;
	v25 =	vmul.f32 v62, v11;
	v62 =	vmul.f32 v54, v9  }
0x22a: {  	v14 =	vadd.f32 v14, v51;
	v26 =	vmul.f32 v60, v11;
	v51 =	vmul.f32 v40, v1;
	v60 =	vld [tilespmem:s19+$0x4830]  }
0x22b: {  	v54 =	vmul.f32 v50, v9;
	v31 =	vmul.f32 v43, v31;
	v40 =	vld [tilespmem:s19+$0x8890];
	v13 =	vadd.f32 v25, v13  }
0x22c: {  	v43 =	vld [tilespmem:s19+$0x8830];
	v45 =	vmul.f32 v49, v7;
	v14 =	vadd.f32 v14, v61;
	v15 =	vadd.f32 v26, v15  }
0x22d: {  	v17 =	vadd.f32 v17, v51;
	v61 =	vmul.f32 v38, v8;
	v13 =	vadd.f32 v53, v13;
	v53 =	vld [tilespmem:s19+$0x880]  }
0x22e: {  	v49 =	vmul.f32 v31, v12;
	v51 =	vld [tilespmem:s19+$0x48A0];
	v28 =	vmul.f32 v33, v28;
	v15 =	vadd.f32 v46, v15  }
0x22f: {  	v30 =	vmul.f32 v30, v34;
	v14 =	vadd.f32 v14, v24;
	v13 =	vadd.f32 v62, v13;
	v62 =	vld [tilespmem:s19+$0x890]  }
0x230: {  	v34 =	vld [tilespmem:s19+$0x8820];
	v25 =	vadd.f32 v49, v47;
	v39 =	vmul.f32 v57, v8;
	v28 =	vmul.f32 v28, v11  }
0x231: {  	v46 =	vld [tilespmem:s19+$0x8A0];
	v30 =	vmul.f32 v30, v10;
	v15 =	vadd.f32 v54, v15;
	v13 =	vadd.f32 v13, v63  }
0x232: {  	v54 =	vld [tilespmem:s19+$0x48B0];
	v25 =	vadd.f32 v28, v25;
	v28 =	vmul.f32 v16, v1;
	v50 =	vmul.f32 v55, v53  }
0x233: {  	v63 =	vmul.f32 v58, v5;
	v58 =	vmul.f32 v60, v37;
	v53 =	vld [tilespmem:s19+$0x8B0];
	v13 =	vadd.f32 v13, v52  }
0x234: {  	v49 =	vld [tilespmem:$0x1FFD0];
	v15 =	vadd.f32 v15, v61;
	v12 =	vmul.f32 v50, v12;
	v26 =	vmul.f32 v44, v62  }
0x235: {  	v57 =	vld [tilespmem:s19+$0x8850];
	v55 =	vmul.f32 v42, v5;
	v61 =	vadd.f32 v30, v25;
	v13 =	vadd.f32 v13, v59  }
0x236: {  	v60 =	vld [tilespmem:s19+$0x8810];
	v59 =	vmul.f32 v51, v46;
	v11 =	vmul.f32 v26, v11;
	v12 =	vadd.f32 v12, v47  }
0x237: {  	v42 =	vmul.f32 v27, v4;
	v62 =	vmul.f32 v58, v9;
	v13 =	vadd.f32 v13, v63;
	v63 =	vld [tilespmem:s19+$0x8880]  }
0x238: {  	v37 =	vld [tilespmem:s19+$0x87F0];
	v10 =	vmul.f32 v59, v10;
	v33 =	vmul.f32 v54, v53;
	v11 =	vadd.f32 v11, v12  }
0x239: {  	v15 =	vadd.f32 v15, v45;
	v52 =	vmul.f32 v48, v6;
	v24 =	vadd.f32 v62, v61;
	v54 =	vld [tilespmem:$0x1FFE0]  }
0x23a: {  	v50 =	vmul.f32 v19, v3;
	v58 =	vld [tilespmem:$0x1FFF0];
	v9 =	vmul.f32 v33, v9;
	v10 =	vadd.f32 v10, v11  }
0x23b: {  	v15 =	vadd.f32 v15, v52;
	v46 =	vld [tilespmem:s19+$0x88A0];
	v45 =	vmul.f32 v60, v7;
	v44 =	vadd.f32 v24, v39  }
0x23c: {  	v48 =	vld [tilespmem:s19+$0x8840];
	v52 =	vmul.f32 v34, v6;
	v9 =	vadd.f32 v9, v10;
	v8 =	vmul.f32 v63, v8  }
0x23d: {  	(xrf2) =	vadd.scan.msk.f32 $0xffff, v49;
	v7 =	vmul.f32 v40, v7;
	v62 =	vmul.f32 v18, v2;
	v53 =	vld [tilespmem:s19+$0x88B0];
	v51 =	vadd.f32 v44, v45  }
0x23e: {  	v35 =	vld [tilespmem:s19+$0x87E0];
	v26 =	vmul.f32 v57, v3;
	v31 =	vmul.f32 v37, v1;
	(xrf2) =	vadd.scan.msk.f32 $0xffff, v54;
	v8 =	vadd.f32 v9, v8  }
0x23f: {  	v60 =	vld [tilespmem:s19+$0x88C0];
	v15 =	vadd.f32 v15, v55;
	v12 =	vmul.f32 v43, v5;
	v59 =	vadd.f32 v51, v52;
	(xrf2) =	vadd.scan.msk.f32 $0xffff, v58  }
0x240: {  	v61 =	vld [tilespmem:s19+$0x8860];
	v55 =	vmul.f32 v29, v3;
	v6 =	vmul.f32 v46, v6;
	(xrf2) =	vadd.scan.msk.f32 $0xffff, v41;
	v7 =	vadd.f32 v8, v7  }
0x241: {  	v13 =	vadd.f32 v13, v23;
	v10 =	vmul.f32 v48, v4;
	v63 =	vld [tilespmem:s19+$0x88D0];
	v12 =	vadd.f32 v59, v12;
	(xrf2) =	vadd.scan.msk.f32 $0xffff, v56  }
0x242: {  	v24 =	vld [tilespmem:s19+$0x8870];
	v11 =	vadd.f32 v15, v42;
	v5 =	vmul.f32 v53, v5;
	(xrf2) =	vadd.scan.msk.f32 $0xffff, v36;
	v6 =	vadd.f32 v7, v6  }
0x243: {  	v27 =	vld [tilespmem:s19+$0x88E0];
	v23 =	vmul.f32 v35, v2;
	v13 =	vadd.f32 v13, v50;
	v10 =	vadd.f32 v12, v10;
	(xrf2) =	vadd.scan.msk.f32 $0xffff, v0  }
0x244: {  	v4 =	vmul.f32 v60, v4;
	v9 =	vadd.f32 v11, v55;
	(xrf2) =	vadd.scan.msk.f32 $0xffff, v20;
	v5 =	vadd.f32 v6, v5  }
0x245: {  	v30 =	vld [tilespmem:s19+$0x88F0];
	v25 =	vadd.f32 v13, v62;
	v8 =	vmul.f32 v61, v2;
	v29 =	vadd.f32 v10, v26;
	(xrf2) =	vadd.scan.msk.f32 $0xffff, v21  }
0x246: {  	v3 =	vmul.f32 v63, v3;
	v7 =	vadd.f32 v9, v23;
	(xrf2) =	vadd.scan.msk.f32 $0xffff, v22;
	v4 =	vadd.f32 v5, v4  }
0x247: {  	v32, _, _ =	vpop (xrf2);
	v34 =	vmul.f32 v24, v1;
	v0 =	vadd.f32 v25, v28;
	v33 =	vadd.f32 v29, v8;
	(xrf2) =	vadd.scan.msk.f32 $0xffff, v17  }
0x248: {  	v2 =	vmul.f32 v27, v2;
	v35, _, _ =	vpop (xrf2);
	(xrf2) =	vadd.scan.msk.f32 $0xffff, v14;
	v5 =	vadd.f32 v7, v31;
	v3 =	vadd.f32 v4, v3  }
0x249: {  	v36 =	vbroadcast v32, $0xF;
	v39 =	vadd.f32 v33, v34;
	v37 =	vbroadcast v35, $0xF;
	v38, _, _ =	vpop (xrf2);
	(xrf2) =	vadd.scan.msk.f32 $0xffff, v0  }
0x24a: {  	v1 =	vmul.f32 v30, v1;
	v40 =	vbroadcast v38, $0xF;
	v41, _, _ =	vpop (xrf2);
	(xrf2) =	vadd.scan.msk.f32 $0xffff, v5;
	v2 =	vadd.f32 v3, v2  }
0x24b: {  	v42 =	vsel vm0, v36, v37;
	v43 =	vbroadcast v41, $0xF;
	v44, _, _ =	vpop (xrf2);
	(xrf2) =	vadd.scan.msk.f32 $0xffff, v39  }
0x24c: {  	v45, _, _ =	vpop (xrf2);
	v3 =	vsel vm1, v42, v40;
	v5 =	vbroadcast v44, $0xF;
	v1 =	vadd.f32 v2, v1  }
0x24d: {  	v46, _, _ =	vpop (xrf2);
	v3 =	vsel vm2, v3, v43;
	v0 =	vbroadcast v45, $0xF  }
0x24e: {  	v3 =	vsel vm3, v3, v5;
	v2 =	vbroadcast v46, $0xF;
	v48, _, _ =	vpop (xrf2);
	(xrf2) =	vadd.scan.msk.f32 $0xffff, v1  }
0x24f: {  	v49, _, _ =	vpop (xrf2);
	v0 =	vsel vm4, v3, v0;
	v50 =	vbroadcast v48, $0xF  }
0x250: {  	v51, _, _ =	vpop (xrf2);
	v0 =	vsel vm5, v0, v2;
	v1 =	vbroadcast v49, $0xF  }
0x251: {  	v52, _, _ =	vpop (xrf2);
	v0 =	vsel vm6, v0, v50;
	v53 =	vbroadcast v51, $0xF  }
0x252: {  	v54, _, _ =	vpop (xrf2);
	v0 =	vsel vm7, v0, v1;
	v55 =	vbroadcast v52, $0xF  }
0x253: {  	v56, _, _ =	vpop (xrf2);
	v0 =	vsel vm8, v0, v53;
	v57 =	vbroadcast v54, $0xF  }
0x254: {  	v58, _, _ =	vpop (xrf2);
	v0 =	vsel vm9, v0, v55;
	v59 =	vbroadcast v56, $0xF  }
0x255: {  	p0 =	sne.s32 s18, $0x7;
	v60, _, _ =	vpop (xrf2);
	v0 =	vsel vm10, v0, v57;
	v61 =	vbroadcast v58, $0xF  }
.Ltmp1:
0x256: {  	v0 =	vsel vm11, v0, v59;
	v62 =	vbroadcast v60, $0xF;
	(pc) =	sbr.rel @p0 .LBB2_4-.Ltmp1, $4  }
0x257: {  	v0 =	vsel vm12, v0, v61  }
0x258: {  	s0 =	sshll.u32 s18, $0x4;
	v0 =	vsel vm13, v0, v62;
	v63, _, _ =	vpop (xrf2)  }
0x259: {  	s0 =	sand.u32 $0x3FFFFFF0, s0;
	v0 =	vsel vm14, v0, v63  }
0x25a: {  	s18 =	sadd.s32 $0x1, s18;
	[tilespmem:s0+$0xC200] =	vst v0  }
0x25b: {  	s0 =	rddreg [dreg:$0x13];
	s1 =	simm.s32 $0xC200  }
0x25c: {  	[hbm4b:s0+s13] =	stream.linear.scatter [tilespmem:s1], [sflag:$0x3], $0x80, $0x38;
	[tilespmem:$0xC280] =	vst v63  }
0x25d: {  	_ =	swait.ge [sflag:s2], $0x80  }
0x25e: {  	s30 =	rddreg [dreg:$0x15]  }
0x25f: {  	s31 =	rddreg [dreg:$0x14];
	s1 =	sadd.s32 $0x1, s30  }
0x260: {  	p0 =	sne.s32 s1, s31  }
.Ltmp2:
0x261: {  	_ = 	snop;
	(pc) =	sbr.rel @p0 .LBB2_1-.Ltmp2, $3  }
0x262: {  	_ =	sdelay $0x1  }
0x263: {  	[sflag:s2] =	ssyncset.done $0x0  }
0x264: {  	[sflag:s2] =	ssyncadd.s32 $0xFFFFFF80  }
0x265: {  	_ =	sfence.sel $0x180000  }
0x266: {  	[bflag:$0x0] =	sbarrier.arrive $0xFFFF  }
0x267: {  	_ =	strace $0x90000047  }
0x268: {  	s0 =	stileid.u32;
	[bflag:$0x2] =	sbarrier.arrive $0xFFFF  }
0x269: {  	p0 =	sne.s32 s0, $0x0;
	s0 =	rddreg [dreg:$0x5]  }
0x26a: {  	s0 =	sadd.s32 @!p0 $0x100000, s0  }
0x26b: {  	[sflag:s0] =	ssyncadd.tile.s32 @!p0 $0x1;
	_ =	shalt  }
.Lfunc_end2:
_tile_overlayer_lowered:
.L_overlay_start_2:
0x26c: {  	(tag) =	ssettag $0x2  }
0x26d: {  	s0 =	rddreg [dreg:$0x0];
	s2 =	stileid.u32  }
0x26e: {  	s1 =	rddreg [dreg:$0x1];
	p0 =	sne.s32 s2, $0x0  }
0x26f: {  	s3 =	rddreg [dreg:$0x2];
	[bflag:$0x3] =	sbarrier.arrive $0xFFFF;
	s2 =	simm.s32 @!p0 $0x1C03  }
0x270: {  	[timem:s3], [sflag:s2] =	dma.local @!p0 [hbm:s0], s1  }
0x271: {  	s0 =	simm.s32 @!p0 $0x3  }
0x272: {  	_ =	swait.ge @!p0 [sflag:s0], s1  }
0x273: {  	s1 =	ssub.s32 @!p0 $0x0, s1;
	[sflag:s0] =	ssyncset.done @!p0 $0x0  }
0x274: {  	[sflag:s0] =	ssyncadd.s32 @!p0 s1  }
0x275: {  	[bflag:$0x3] =	sbarrier.arrive $0xFFFF  }
0x276: {  	_ =	shalt  }

</sc_bundles>
